<compile_context>
chip_gen: v7x
topology: tpu7x:2x2x1
jax: 0.10.2.dev20260603
libtpu: 0.0.44.dev20260713+nightly
codegen_flags: <defaults>
</compile_context>

<pallas_src>
import math

import jax
import jax.numpy as jnp
import numpy as np
from jax import lax
from jax.experimental import pallas as pl
from jax.experimental.pallas import tpu as pltpu
from jax.experimental.pallas import tpu_sc as plsc

D_MODEL = 768
BATCH = 4
SEQ = 8192
N_TOK = BATCH * SEQ
NUM_WORKERS = 32
P_PER_W = SEQ // NUM_WORKERS
CP = 8
ROWS = BATCH * CP
N_CHUNKS = P_PER_W // CP
LANES = 16
SCALE = math.sqrt(float(D_MODEL))


def _pe_table() -> np.ndarray:
    pos = np.arange(SEQ, dtype=np.float32)[:, None]
    div = np.exp(
        np.arange(0, D_MODEL, 2, dtype=np.float32)
        * (-(math.log(10000.0) / D_MODEL))
    )
    angle = (pos * div).astype(np.float32)
    pe = np.empty((SEQ, D_MODEL), dtype=np.float32)
    pe[:, 0::2] = np.sin(angle)
    pe[:, 1::2] = np.cos(angle)
    return pe


_PE = _pe_table()


def _sc_embed(x_hbm, pe_hbm, lut_hbm, out_hbm,
              idx_v, rows0, rows1, pe0, pe1, out0, out1,
              gsem0, gsem1, psem0, psem1, wsem0, wsem1):
    rows = (rows0, rows1)
    pes = (pe0, pe1)
    outs = (out0, out1)
    gsems = (gsem0, gsem1)
    psems = (psem0, psem1)
    wsems = (wsem0, wsem1)

    wid = lax.axis_index("s") * 2 + lax.axis_index("c")
    p_base = wid * P_PER_W
    for bb in range(BATCH):
        pltpu.sync_copy(x_hbm.at[bb, pl.ds(p_base, P_PER_W)], idx_v.at[bb])

    def start_gather(c, b):
        for bb in range(BATCH):
            pltpu.async_copy(
                lut_hbm.at[idx_v.at[bb, pl.ds(c * CP, CP)]],
                rows[b].at[pl.ds(bb * CP, CP)], gsems[b])
        pltpu.async_copy(
            pe_hbm.at[pl.ds(p_base + c * CP, CP)], pes[b], psems[b])

    def wait_gather(c, b):
        for bb in range(BATCH):
            pltpu.make_async_copy(
                lut_hbm.at[idx_v.at[bb, pl.ds(c * CP, CP)]],
                rows[b].at[pl.ds(bb * CP, CP)], gsems[b]).wait()
        pltpu.make_async_copy(
            pe_hbm.at[pl.ds(p_base + c * CP, CP)], pes[b], psems[b]).wait()

    def out_copy(c, b, bb):
        return pltpu.make_async_copy(
            outs[b].at[pl.ds(bb * CP, CP)],
            out_hbm.at[pl.ds(bb * SEQ + p_base + c * CP, CP)],
            wsems[b])

    start_gather(0, 0)
    start_gather(1, 1)

    def step(c, b):
        wait_gather(c, b)

        @pl.when(c >= 2)
        def _():
            for bb in range(BATCH):
                out_copy(c - 2, b, bb).wait()

        def col_body(k, _):
            sl = pl.ds(k * LANES, LANES)
            pev = [pes[b][r, sl] for r in range(CP)]
            for bb in range(BATCH):
                for r in range(CP):
                    rr = bb * CP + r
                    outs[b][rr, sl] = rows[b][rr, sl] * SCALE + pev[r]
            return 0

        lax.fori_loop(0, D_MODEL // LANES, col_body, 0)

        for bb in range(BATCH):
            out_copy(c, b, bb).start()

        @pl.when(c + 2 < N_CHUNKS)
        def _():
            start_gather(c + 2, b)

    def pair(i, _):
        step(i * 2, 0)
        step(i * 2 + 1, 1)
        return 0

    lax.fori_loop(0, N_CHUNKS // 2, pair, 0)
    for bb in range(BATCH):
        out_copy(N_CHUNKS - 2, 0, bb).wait()
        out_copy(N_CHUNKS - 1, 1, bb).wait()


def kernel(x, lut):
    pe = jnp.asarray(_PE)
    run = pl.kernel(
        _sc_embed,
        out_type=jax.ShapeDtypeStruct((N_TOK, D_MODEL), jnp.float32),
        mesh=plsc.VectorSubcoreMesh(core_axis_name="c", subcore_axis_name="s"),
        scratch_types=[
            pltpu.VMEM((BATCH, P_PER_W), jnp.int32),
            pltpu.VMEM((ROWS, D_MODEL), jnp.float32),
            pltpu.VMEM((ROWS, D_MODEL), jnp.float32),
            pltpu.VMEM((CP, D_MODEL), jnp.float32),
            pltpu.VMEM((CP, D_MODEL), jnp.float32),
            pltpu.VMEM((ROWS, D_MODEL), jnp.float32),
            pltpu.VMEM((ROWS, D_MODEL), jnp.float32),
            pltpu.SemaphoreType.DMA,
            pltpu.SemaphoreType.DMA,
            pltpu.SemaphoreType.DMA,
            pltpu.SemaphoreType.DMA,
            pltpu.SemaphoreType.DMA,
            pltpu.SemaphoreType.DMA,
        ],
    )
    out = run(x.astype(jnp.int32), pe, lut)
    return out.reshape(BATCH, SEQ, D_MODEL)

# --- scband reference (transcript-rebuilt; emitter-appended) ---
"""Pipeline reference for scband-embeddings-14577119002633 (READ-ONLY COPY).

The authoritative reference and input builder live on the scoring server;
editing this copy changes nothing except your own understanding.
"""

import jax, jax.numpy as jnp
import numpy as np
import math

D_MODEL = 768
VOCAB = 100000

def _positional_encoding(seq_len, d_model):
    pos = jnp.arange(seq_len, dtype=jnp.float32)[:, None]
    div_term = jnp.exp(jnp.arange(0, d_model, 2, dtype=jnp.float32) * (-(math.log(10000.0) / d_model)))
    pe_sin = jnp.sin(pos * div_term)  # [S, d/2]
    pe_cos = jnp.cos(pos * div_term)  # [S, d/2]
    pe = jnp.stack([pe_sin, pe_cos], axis=-1).reshape(seq_len, d_model)  # interleave: even=sin, odd=cos
    return pe

def setup_inputs(seed: int = 0) -> dict:
    key = jax.random.key(seed)
    k1, k2 = jax.random.split(key)
    x = jax.random.randint(k1, (4, 8192), 0, VOCAB, dtype=jnp.int64 if jax.config.jax_enable_x64 else jnp.int32)
    lut = jax.random.normal(k2, (VOCAB, D_MODEL), dtype=jnp.float32)
    return {"x": x, "lut": lut}

def reference(x, lut):
    # word embedding lookup scaled by sqrt(d_model)
    emb = jnp.take(lut, x, axis=0) * math.sqrt(D_MODEL)  # [B, S, d]
    # positional encoding (sinusoidal); dropout is identity in eval mode
    seq_len = emb.shape[1]
    pe = _positional_encoding(seq_len, D_MODEL)
    return emb + pe[None, :, :]

if __name__ == "__main__":
    import jax
    _d = setup_inputs()
    print(jax.jit(kernel)(*tuple(_d.values())))

</pallas_src>

<mosaic_0001>
#map = affine_map<(d0, d1) -> (0, 0)>
module attributes {stable_mosaic.version = 14 : i64} {
  func.func @_sc_embed(%arg0: i32, %arg1: i32, %arg2: memref<4x8192xi32, #tpu.memory_space<hbm>>, %arg3: memref<8192x768xf32, #tpu.memory_space<hbm>>, %arg4: memref<100000x768xf32, #tpu.memory_space<hbm>>, %arg5: memref<32768x768xf32, #tpu.memory_space<hbm>>, %arg6: memref<4x256xi32, #tpu.memory_space<vmem>>, %arg7: memref<32x768xf32, #tpu.memory_space<vmem>>, %arg8: memref<32x768xf32, #tpu.memory_space<vmem>>, %arg9: memref<8x768xf32, #tpu.memory_space<vmem>>, %arg10: memref<8x768xf32, #tpu.memory_space<vmem>>, %arg11: memref<32x768xf32, #tpu.memory_space<vmem>>, %arg12: memref<32x768xf32, #tpu.memory_space<vmem>>, %arg13: memref<!tpu.dma_semaphore, #tpu.memory_space<semaphore_mem>>, %arg14: memref<!tpu.dma_semaphore, #tpu.memory_space<semaphore_mem>>, %arg15: memref<!tpu.dma_semaphore, #tpu.memory_space<semaphore_mem>>, %arg16: memref<!tpu.dma_semaphore, #tpu.memory_space<semaphore_mem>>, %arg17: memref<!tpu.dma_semaphore, #tpu.memory_space<semaphore_mem>>, %arg18: memref<!tpu.dma_semaphore, #tpu.memory_space<semaphore_mem>>) attributes {dimension_semantics = [#tpu.dimension_semantics<core_parallel>, #tpu.dimension_semantics<subcore_parallel>], iteration_bounds = array<i64: 2, 16>, scalar_prefetch = 0 : i64, scratch_operands = 13 : i64, tpu.core_type = #tpu.core_type<sc_vector_subcore>, window_params = [{transform_indices = #map}, {transform_indices = #map}, {transform_indices = #map}, {transform_indices = #map}]} {
    %mul3A = arith.constant 2 : i32
    %mul3A_0 = arith.muli %arg1, %mul3A : i32
    %add3A = arith.addi %mul3A_0, %arg0 : i32
    %mul3A_1 = arith.constant 256 : i32
    %mul3A_2 = arith.muli %add3A, %mul3A_1 : i32
    %run_scoped3A = arith.constant 0 : i32
    %run_scoped3A_3 = arith.constant 0 : i32
    "tpu.region"() ({
      %run_scoped3A_218 = tpu.sem_alloc : memref<!tpu.dma_semaphore, #tpu.memory_space<semaphore_mem>>
      %dma_start3A_219 = arith.constant 0 : i32
      %dma_start3A_220 = tpu.memref_slice %arg6[%run_scoped3A_3, %dma_start3A_219] : memref<4x256xi32, #tpu.memory_space<vmem>> -> memref<1x256xi32, #tpu.memory_space<vmem>>
      %dma_start3A_221 = tpu.memref_squeeze %dma_start3A_220 : memref<1x256xi32, #tpu.memory_space<vmem>> -> memref<256xi32, #tpu.memory_space<vmem>>
      %dma_start3A_222 = tpu.memref_slice %arg2[%run_scoped3A, %mul3A_2] : memref<4x8192xi32, #tpu.memory_space<hbm>> -> memref<1x256xi32, #tpu.memory_space<hbm>>
      %dma_start3A_223 = tpu.memref_squeeze %dma_start3A_222 : memref<1x256xi32, #tpu.memory_space<hbm>> -> memref<256xi32, #tpu.memory_space<hbm>>
      %dma_start3A_224 = arith.constant 0 : i32
      %dma_start3A_225 = tpu.memref_slice %arg6[%run_scoped3A_3, %dma_start3A_224] : memref<4x256xi32, #tpu.memory_space<vmem>> -> memref<1x256xi32, #tpu.memory_space<vmem>>
      %dma_start3A_226 = tpu.memref_squeeze %dma_start3A_225 : memref<1x256xi32, #tpu.memory_space<vmem>> -> memref<256xi32, #tpu.memory_space<vmem>>
      %dma_start3A_227 = tpu.memref_slice %arg2[%run_scoped3A, %mul3A_2] : memref<4x8192xi32, #tpu.memory_space<hbm>> -> memref<1x256xi32, #tpu.memory_space<hbm>>
      %dma_start3A_228 = tpu.memref_squeeze %dma_start3A_227 : memref<1x256xi32, #tpu.memory_space<hbm>> -> memref<256xi32, #tpu.memory_space<hbm>>
      tpu.enqueue_dma source(%dma_start3A_228 : memref<256xi32, #tpu.memory_space<hbm>>) target(%dma_start3A_226 : memref<256xi32, #tpu.memory_space<vmem>>) target_semaphore(%run_scoped3A_218 : memref<!tpu.dma_semaphore, #tpu.memory_space<semaphore_mem>>)
      %dma_wait3A_229 = arith.constant 0 : i32
      %dma_wait3A_230 = tpu.memref_slice %arg6[%run_scoped3A_3, %dma_wait3A_229] : memref<4x256xi32, #tpu.memory_space<vmem>> -> memref<1x256xi32, #tpu.memory_space<vmem>>
      %dma_wait3A_231 = tpu.memref_squeeze %dma_wait3A_230 : memref<1x256xi32, #tpu.memory_space<vmem>> -> memref<256xi32, #tpu.memory_space<vmem>>
      %dma_wait3A_232 = tpu.memref_slice %arg2[%run_scoped3A, %mul3A_2] : memref<4x8192xi32, #tpu.memory_space<hbm>> -> memref<1x256xi32, #tpu.memory_space<hbm>>
      %dma_wait3A_233 = tpu.memref_squeeze %dma_wait3A_232 : memref<1x256xi32, #tpu.memory_space<hbm>> -> memref<256xi32, #tpu.memory_space<hbm>>
      %dma_wait3A_234 = arith.constant 0 : i32
      %dma_wait3A_235 = tpu.memref_slice %arg6[%run_scoped3A_3, %dma_wait3A_234] : memref<4x256xi32, #tpu.memory_space<vmem>> -> memref<1x256xi32, #tpu.memory_space<vmem>>
      %dma_wait3A_236 = tpu.memref_squeeze %dma_wait3A_235 : memref<1x256xi32, #tpu.memory_space<vmem>> -> memref<256xi32, #tpu.memory_space<vmem>>
      %dma_wait3A_237 = tpu.memref_slice %arg2[%run_scoped3A, %mul3A_2] : memref<4x8192xi32, #tpu.memory_space<hbm>> -> memref<1x256xi32, #tpu.memory_space<hbm>>
      %dma_wait3A_238 = tpu.memref_squeeze %dma_wait3A_237 : memref<1x256xi32, #tpu.memory_space<hbm>> -> memref<256xi32, #tpu.memory_space<hbm>>
      tpu.wait_dma2 semaphore(%run_scoped3A_218 : memref<!tpu.dma_semaphore, #tpu.memory_space<semaphore_mem>>) src(%dma_wait3A_238 : memref<256xi32, #tpu.memory_space<hbm>>) dst(%dma_wait3A_236 : memref<256xi32, #tpu.memory_space<vmem>>)
      tpu.yield
    }) : () -> ()
    %run_scoped3A_4 = arith.constant 1 : i32
    %run_scoped3A_5 = arith.constant 1 : i32
    "tpu.region"() ({
      %run_scoped3A_218 = tpu.sem_alloc : memref<!tpu.dma_semaphore, #tpu.memory_space<semaphore_mem>>
      %dma_start3A_219 = arith.constant 0 : i32
      %dma_start3A_220 = tpu.memref_slice %arg6[%run_scoped3A_5, %dma_start3A_219] : memref<4x256xi32, #tpu.memory_space<vmem>> -> memref<1x256xi32, #tpu.memory_space<vmem>>
      %dma_start3A_221 = tpu.memref_squeeze %dma_start3A_220 : memref<1x256xi32, #tpu.memory_space<vmem>> -> memref<256xi32, #tpu.memory_space<vmem>>
      %dma_start3A_222 = tpu.memref_slice %arg2[%run_scoped3A_4, %mul3A_2] : memref<4x8192xi32, #tpu.memory_space<hbm>> -> memref<1x256xi32, #tpu.memory_space<hbm>>
      %dma_start3A_223 = tpu.memref_squeeze %dma_start3A_222 : memref<1x256xi32, #tpu.memory_space<hbm>> -> memref<256xi32, #tpu.memory_space<hbm>>
      %dma_start3A_224 = arith.constant 0 : i32
      %dma_start3A_225 = tpu.memref_slice %arg6[%run_scoped3A_5, %dma_start3A_224] : memref<4x256xi32, #tpu.memory_space<vmem>> -> memref<1x256xi32, #tpu.memory_space<vmem>>
      %dma_start3A_226 = tpu.memref_squeeze %dma_start3A_225 : memref<1x256xi32, #tpu.memory_space<vmem>> -> memref<256xi32, #tpu.memory_space<vmem>>
      %dma_start3A_227 = tpu.memref_slice %arg2[%run_scoped3A_4, %mul3A_2] : memref<4x8192xi32, #tpu.memory_space<hbm>> -> memref<1x256xi32, #tpu.memory_space<hbm>>
      %dma_start3A_228 = tpu.memref_squeeze %dma_start3A_227 : memref<1x256xi32, #tpu.memory_space<hbm>> -> memref<256xi32, #tpu.memory_space<hbm>>
      tpu.enqueue_dma source(%dma_start3A_228 : memref<256xi32, #tpu.memory_space<hbm>>) target(%dma_start3A_226 : memref<256xi32, #tpu.memory_space<vmem>>) target_semaphore(%run_scoped3A_218 : memref<!tpu.dma_semaphore, #tpu.memory_space<semaphore_mem>>)
      %dma_wait3A_229 = arith.constant 0 : i32
      %dma_wait3A_230 = tpu.memref_slice %arg6[%run_scoped3A_5, %dma_wait3A_229] : memref<4x256xi32, #tpu.memory_space<vmem>> -> memref<1x256xi32, #tpu.memory_space<vmem>>
      %dma_wait3A_231 = tpu.memref_squeeze %dma_wait3A_230 : memref<1x256xi32, #tpu.memory_space<vmem>> -> memref<256xi32, #tpu.memory_space<vmem>>
      %dma_wait3A_232 = tpu.memref_slice %arg2[%run_scoped3A_4, %mul3A_2] : memref<4x8192xi32, #tpu.memory_space<hbm>> -> memref<1x256xi32, #tpu.memory_space<hbm>>
      %dma_wait3A_233 = tpu.memref_squeeze %dma_wait3A_232 : memref<1x256xi32, #tpu.memory_space<hbm>> -> memref<256xi32, #tpu.memory_space<hbm>>
      %dma_wait3A_234 = arith.constant 0 : i32
      %dma_wait3A_235 = tpu.memref_slice %arg6[%run_scoped3A_5, %dma_wait3A_234] : memref<4x256xi32, #tpu.memory_space<vmem>> -> memref<1x256xi32, #tpu.memory_space<vmem>>
      %dma_wait3A_236 = tpu.memref_squeeze %dma_wait3A_235 : memref<1x256xi32, #tpu.memory_space<vmem>> -> memref<256xi32, #tpu.memory_space<vmem>>
      %dma_wait3A_237 = tpu.memref_slice %arg2[%run_scoped3A_4, %mul3A_2] : memref<4x8192xi32, #tpu.memory_space<hbm>> -> memref<1x256xi32, #tpu.memory_space<hbm>>
      %dma_wait3A_238 = tpu.memref_squeeze %dma_wait3A_237 : memref<1x256xi32, #tpu.memory_space<hbm>> -> memref<256xi32, #tpu.memory_space<hbm>>
      tpu.wait_dma2 semaphore(%run_scoped3A_218 : memref<!tpu.dma_semaphore, #tpu.memory_space<semaphore_mem>>) src(%dma_wait3A_238 : memref<256xi32, #tpu.memory_space<hbm>>) dst(%dma_wait3A_236 : memref<256xi32, #tpu.memory_space<vmem>>)
      tpu.yield
    }) : () -> ()
    %run_scoped3A_6 = arith.constant 2 : i32
    %run_scoped3A_7 = arith.constant 2 : i32
    "tpu.region"() ({
      %run_scoped3A_218 = tpu.sem_alloc : memref<!tpu.dma_semaphore, #tpu.memory_space<semaphore_mem>>
      %dma_start3A_219 = arith.constant 0 : i32
      %dma_start3A_220 = tpu.memref_slice %arg6[%run_scoped3A_7, %dma_start3A_219] : memref<4x256xi32, #tpu.memory_space<vmem>> -> memref<1x256xi32, #tpu.memory_space<vmem>>
      %dma_start3A_221 = tpu.memref_squeeze %dma_start3A_220 : memref<1x256xi32, #tpu.memory_space<vmem>> -> memref<256xi32, #tpu.memory_space<vmem>>
      %dma_start3A_222 = tpu.memref_slice %arg2[%run_scoped3A_6, %mul3A_2] : memref<4x8192xi32, #tpu.memory_space<hbm>> -> memref<1x256xi32, #tpu.memory_space<hbm>>
      %dma_start3A_223 = tpu.memref_squeeze %dma_start3A_222 : memref<1x256xi32, #tpu.memory_space<hbm>> -> memref<256xi32, #tpu.memory_space<hbm>>
      %dma_start3A_224 = arith.constant 0 : i32
      %dma_start3A_225 = tpu.memref_slice %arg6[%run_scoped3A_7, %dma_start3A_224] : memref<4x256xi32, #tpu.memory_space<vmem>> -> memref<1x256xi32, #tpu.memory_space<vmem>>
      %dma_start3A_226 = tpu.memref_squeeze %dma_start3A_225 : memref<1x256xi32, #tpu.memory_space<vmem>> -> memref<256xi32, #tpu.memory_space<vmem>>
      %dma_start3A_227 = tpu.memref_slice %arg2[%run_scoped3A_6, %mul3A_2] : memref<4x8192xi32, #tpu.memory_space<hbm>> -> memref<1x256xi32, #tpu.memory_space<hbm>>
      %dma_start3A_228 = tpu.memref_squeeze %dma_start3A_227 : memref<1x256xi32, #tpu.memory_space<hbm>> -> memref<256xi32, #tpu.memory_space<hbm>>
      tpu.enqueue_dma source(%dma_start3A_228 : memref<256xi32, #tpu.memory_space<hbm>>) target(%dma_start3A_226 : memref<256xi32, #tpu.memory_space<vmem>>) target_semaphore(%run_scoped3A_218 : memref<!tpu.dma_semaphore, #tpu.memory_space<semaphore_mem>>)
      %dma_wait3A_229 = arith.constant 0 : i32
      %dma_wait3A_230 = tpu.memref_slice %arg6[%run_scoped3A_7, %dma_wait3A_229] : memref<4x256xi32, #tpu.memory_space<vmem>> -> memref<1x256xi32, #tpu.memory_space<vmem>>
      %dma_wait3A_231 = tpu.memref_squeeze %dma_wait3A_230 : memref<1x256xi32, #tpu.memory_space<vmem>> -> memref<256xi32, #tpu.memory_space<vmem>>
      %dma_wait3A_232 = tpu.memref_slice %arg2[%run_scoped3A_6, %mul3A_2] : memref<4x8192xi32, #tpu.memory_space<hbm>> -> memref<1x256xi32, #tpu.memory_space<hbm>>
      %dma_wait3A_233 = tpu.memref_squeeze %dma_wait3A_232 : memref<1x256xi32, #tpu.memory_space<hbm>> -> memref<256xi32, #tpu.memory_space<hbm>>
      %dma_wait3A_234 = arith.constant 0 : i32
      %dma_wait3A_235 = tpu.memref_slice %arg6[%run_scoped3A_7, %dma_wait3A_234] : memref<4x256xi32, #tpu.memory_space<vmem>> -> memref<1x256xi32, #tpu.memory_space<vmem>>
      %dma_wait3A_236 = tpu.memref_squeeze %dma_wait3A_235 : memref<1x256xi32, #tpu.memory_space<vmem>> -> memref<256xi32, #tpu.memory_space<vmem>>
      %dma_wait3A_237 = tpu.memref_slice %arg2[%run_scoped3A_6, %mul3A_2] : memref<4x8192xi32, #tpu.memory_space<hbm>> -> memref<1x256xi32, #tpu.memory_space<hbm>>
      %dma_wait3A_238 = tpu.memref_squeeze %dma_wait3A_237 : memref<1x256xi32, #tpu.memory_space<hbm>> -> memref<256xi32, #tpu.memory_space<hbm>>
      tpu.wait_dma2 semaphore(%run_scoped3A_218 : memref<!tpu.dma_semaphore, #tpu.memory_space<semaphore_mem>>) src(%dma_wait3A_238 : memref<256xi32, #tpu.memory_space<hbm>>) dst(%dma_wait3A_236 : memref<256xi32, #tpu.memory_space<vmem>>)
      tpu.yield
    }) : () -> ()
    %run_scoped3A_8 = arith.constant 3 : i32
    %run_scoped3A_9 = arith.constant 3 : i32
    "tpu.region"() ({
      %run_scoped3A_218 = tpu.sem_alloc : memref<!tpu.dma_semaphore, #tpu.memory_space<semaphore_mem>>
      %dma_start3A_219 = arith.constant 0 : i32
      %dma_start3A_220 = tpu.memref_slice %arg6[%run_scoped3A_9, %dma_start3A_219] : memref<4x256xi32, #tpu.memory_space<vmem>> -> memref<1x256xi32, #tpu.memory_space<vmem>>
      %dma_start3A_221 = tpu.memref_squeeze %dma_start3A_220 : memref<1x256xi32, #tpu.memory_space<vmem>> -> memref<256xi32, #tpu.memory_space<vmem>>
      %dma_start3A_222 = tpu.memref_slice %arg2[%run_scoped3A_8, %mul3A_2] : memref<4x8192xi32, #tpu.memory_space<hbm>> -> memref<1x256xi32, #tpu.memory_space<hbm>>
      %dma_start3A_223 = tpu.memref_squeeze %dma_start3A_222 : memref<1x256xi32, #tpu.memory_space<hbm>> -> memref<256xi32, #tpu.memory_space<hbm>>
      %dma_start3A_224 = arith.constant 0 : i32
      %dma_start3A_225 = tpu.memref_slice %arg6[%run_scoped3A_9, %dma_start3A_224] : memref<4x256xi32, #tpu.memory_space<vmem>> -> memref<1x256xi32, #tpu.memory_space<vmem>>
      %dma_start3A_226 = tpu.memref_squeeze %dma_start3A_225 : memref<1x256xi32, #tpu.memory_space<vmem>> -> memref<256xi32, #tpu.memory_space<vmem>>
      %dma_start3A_227 = tpu.memref_slice %arg2[%run_scoped3A_8, %mul3A_2] : memref<4x8192xi32, #tpu.memory_space<hbm>> -> memref<1x256xi32, #tpu.memory_space<hbm>>
      %dma_start3A_228 = tpu.memref_squeeze %dma_start3A_227 : memref<1x256xi32, #tpu.memory_space<hbm>> -> memref<256xi32, #tpu.memory_space<hbm>>
      tpu.enqueue_dma source(%dma_start3A_228 : memref<256xi32, #tpu.memory_space<hbm>>) target(%dma_start3A_226 : memref<256xi32, #tpu.memory_space<vmem>>) target_semaphore(%run_scoped3A_218 : memref<!tpu.dma_semaphore, #tpu.memory_space<semaphore_mem>>)
      %dma_wait3A_229 = arith.constant 0 : i32
      %dma_wait3A_230 = tpu.memref_slice %arg6[%run_scoped3A_9, %dma_wait3A_229] : memref<4x256xi32, #tpu.memory_space<vmem>> -> memref<1x256xi32, #tpu.memory_space<vmem>>
      %dma_wait3A_231 = tpu.memref_squeeze %dma_wait3A_230 : memref<1x256xi32, #tpu.memory_space<vmem>> -> memref<256xi32, #tpu.memory_space<vmem>>
      %dma_wait3A_232 = tpu.memref_slice %arg2[%run_scoped3A_8, %mul3A_2] : memref<4x8192xi32, #tpu.memory_space<hbm>> -> memref<1x256xi32, #tpu.memory_space<hbm>>
      %dma_wait3A_233 = tpu.memref_squeeze %dma_wait3A_232 : memref<1x256xi32, #tpu.memory_space<hbm>> -> memref<256xi32, #tpu.memory_space<hbm>>
      %dma_wait3A_234 = arith.constant 0 : i32
      %dma_wait3A_235 = tpu.memref_slice %arg6[%run_scoped3A_9, %dma_wait3A_234] : memref<4x256xi32, #tpu.memory_space<vmem>> -> memref<1x256xi32, #tpu.memory_space<vmem>>
      %dma_wait3A_236 = tpu.memref_squeeze %dma_wait3A_235 : memref<1x256xi32, #tpu.memory_space<vmem>> -> memref<256xi32, #tpu.memory_space<vmem>>
      %dma_wait3A_237 = tpu.memref_slice %arg2[%run_scoped3A_8, %mul3A_2] : memref<4x8192xi32, #tpu.memory_space<hbm>> -> memref<1x256xi32, #tpu.memory_space<hbm>>
      %dma_wait3A_238 = tpu.memref_squeeze %dma_wait3A_237 : memref<1x256xi32, #tpu.memory_space<hbm>> -> memref<256xi32, #tpu.memory_space<hbm>>
      tpu.wait_dma2 semaphore(%run_scoped3A_218 : memref<!tpu.dma_semaphore, #tpu.memory_space<semaphore_mem>>) src(%dma_wait3A_238 : memref<256xi32, #tpu.memory_space<hbm>>) dst(%dma_wait3A_236 : memref<256xi32, #tpu.memory_space<vmem>>)
      tpu.yield
    }) : () -> ()
    %dma_start3A = arith.constant 0 : i32
    %dma_start3A_10 = arith.constant 0 : i32
    %dma_start3A_11 = arith.constant 0 : i32
    %dma_start3A_12 = tpu.memref_slice %arg7[%dma_start3A_10, %dma_start3A_11] : memref<32x768xf32, #tpu.memory_space<vmem>> -> memref<8x768xf32, #tpu.memory_space<vmem>>
    %dma_start3A_13 = arith.constant 0 : i32
    %dma_start3A_14 = tpu.memref_slice %arg6[%dma_start3A, %dma_start3A_13] : memref<4x256xi32, #tpu.memory_space<vmem>> -> memref<1x8xi32, #tpu.memory_space<vmem>>
    %dma_start3A_15 = tpu.memref_squeeze %dma_start3A_14 : memref<1x8xi32, #tpu.memory_space<vmem>> -> memref<8xi32, #tpu.memory_space<vmem>>
    %dma_start3A_16 = arith.constant 0 : i32
    %dma_start3A_17 = arith.constant 0 : i32
    %dma_start3A_18 = tpu.memref_slice %arg4[%dma_start3A_16, %dma_start3A_17] : memref<100000x768xf32, #tpu.memory_space<hbm>> -> memref<100000x768xf32, #tpu.memory_space<hbm>>
    tpu.enqueue_indirect_dma source(%dma_start3A_18 : memref<100000x768xf32, #tpu.memory_space<hbm>>) target(%dma_start3A_12 : memref<8x768xf32, #tpu.memory_space<vmem>>) offsets(%dma_start3A_15 : memref<8xi32, #tpu.memory_space<vmem>>) semaphore(%arg13 : memref<!tpu.dma_semaphore, #tpu.memory_space<semaphore_mem>>)
    %dma_start3A_19 = arith.constant 1 : i32
    %dma_start3A_20 = arith.constant 8 : i32
    %dma_start3A_21 = arith.constant 0 : i32
    %dma_start3A_22 = tpu.memref_slice %arg7[%dma_start3A_20, %dma_start3A_21] : memref<32x768xf32, #tpu.memory_space<vmem>> -> memref<8x768xf32, #tpu.memory_space<vmem>>
    %dma_start3A_23 = arith.constant 0 : i32
    %dma_start3A_24 = tpu.memref_slice %arg6[%dma_start3A_19, %dma_start3A_23] : memref<4x256xi32, #tpu.memory_space<vmem>> -> memref<1x8xi32, #tpu.memory_space<vmem>>
    %dma_start3A_25 = tpu.memref_squeeze %dma_start3A_24 : memref<1x8xi32, #tpu.memory_space<vmem>> -> memref<8xi32, #tpu.memory_space<vmem>>
    %dma_start3A_26 = arith.constant 0 : i32
    %dma_start3A_27 = arith.constant 0 : i32
    %dma_start3A_28 = tpu.memref_slice %arg4[%dma_start3A_26, %dma_start3A_27] : memref<100000x768xf32, #tpu.memory_space<hbm>> -> memref<100000x768xf32, #tpu.memory_space<hbm>>
    tpu.enqueue_indirect_dma source(%dma_start3A_28 : memref<100000x768xf32, #tpu.memory_space<hbm>>) target(%dma_start3A_22 : memref<8x768xf32, #tpu.memory_space<vmem>>) offsets(%dma_start3A_25 : memref<8xi32, #tpu.memory_space<vmem>>) semaphore(%arg13 : memref<!tpu.dma_semaphore, #tpu.memory_space<semaphore_mem>>)
    %dma_start3A_29 = arith.constant 2 : i32
    %dma_start3A_30 = arith.constant 16 : i32
    %dma_start3A_31 = arith.constant 0 : i32
    %dma_start3A_32 = tpu.memref_slice %arg7[%dma_start3A_30, %dma_start3A_31] : memref<32x768xf32, #tpu.memory_space<vmem>> -> memref<8x768xf32, #tpu.memory_space<vmem>>
    %dma_start3A_33 = arith.constant 0 : i32
    %dma_start3A_34 = tpu.memref_slice %arg6[%dma_start3A_29, %dma_start3A_33] : memref<4x256xi32, #tpu.memory_space<vmem>> -> memref<1x8xi32, #tpu.memory_space<vmem>>
    %dma_start3A_35 = tpu.memref_squeeze %dma_start3A_34 : memref<1x8xi32, #tpu.memory_space<vmem>> -> memref<8xi32, #tpu.memory_space<vmem>>
    %dma_start3A_36 = arith.constant 0 : i32
    %dma_start3A_37 = arith.constant 0 : i32
    %dma_start3A_38 = tpu.memref_slice %arg4[%dma_start3A_36, %dma_start3A_37] : memref<100000x768xf32, #tpu.memory_space<hbm>> -> memref<100000x768xf32, #tpu.memory_space<hbm>>
    tpu.enqueue_indirect_dma source(%dma_start3A_38 : memref<100000x768xf32, #tpu.memory_space<hbm>>) target(%dma_start3A_32 : memref<8x768xf32, #tpu.memory_space<vmem>>) offsets(%dma_start3A_35 : memref<8xi32, #tpu.memory_space<vmem>>) semaphore(%arg13 : memref<!tpu.dma_semaphore, #tpu.memory_space<semaphore_mem>>)
    %dma_start3A_39 = arith.constant 3 : i32
    %dma_start3A_40 = arith.constant 24 : i32
    %dma_start3A_41 = arith.constant 0 : i32
    %dma_start3A_42 = tpu.memref_slice %arg7[%dma_start3A_40, %dma_start3A_41] : memref<32x768xf32, #tpu.memory_space<vmem>> -> memref<8x768xf32, #tpu.memory_space<vmem>>
    %dma_start3A_43 = arith.constant 0 : i32
    %dma_start3A_44 = tpu.memref_slice %arg6[%dma_start3A_39, %dma_start3A_43] : memref<4x256xi32, #tpu.memory_space<vmem>> -> memref<1x8xi32, #tpu.memory_space<vmem>>
    %dma_start3A_45 = tpu.memref_squeeze %dma_start3A_44 : memref<1x8xi32, #tpu.memory_space<vmem>> -> memref<8xi32, #tpu.memory_space<vmem>>
    %dma_start3A_46 = arith.constant 0 : i32
    %dma_start3A_47 = arith.constant 0 : i32
    %dma_start3A_48 = tpu.memref_slice %arg4[%dma_start3A_46, %dma_start3A_47] : memref<100000x768xf32, #tpu.memory_space<hbm>> -> memref<100000x768xf32, #tpu.memory_space<hbm>>
    tpu.enqueue_indirect_dma source(%dma_start3A_48 : memref<100000x768xf32, #tpu.memory_space<hbm>>) target(%dma_start3A_42 : memref<8x768xf32, #tpu.memory_space<vmem>>) offsets(%dma_start3A_45 : memref<8xi32, #tpu.memory_space<vmem>>) semaphore(%arg13 : memref<!tpu.dma_semaphore, #tpu.memory_space<semaphore_mem>>)
    %add3A_49 = arith.constant 0 : i32
    %add3A_50 = arith.addi %mul3A_2, %add3A_49 : i32
    %dma_start3A_51 = arith.constant 0 : i32
    %dma_start3A_52 = tpu.memref_slice %arg3[%add3A_50, %dma_start3A_51] : memref<8192x768xf32, #tpu.memory_space<hbm>> -> memref<8x768xf32, #tpu.memory_space<hbm>>
    %dma_start3A_53 = arith.constant 0 : i32
    %dma_start3A_54 = tpu.memref_slice %arg3[%add3A_50, %dma_start3A_53] : memref<8192x768xf32, #tpu.memory_space<hbm>> -> memref<8x768xf32, #tpu.memory_space<hbm>>
    tpu.enqueue_dma source(%dma_start3A_54 : memref<8x768xf32, #tpu.memory_space<hbm>>) target(%arg9 : memref<8x768xf32, #tpu.memory_space<vmem>>) target_semaphore(%arg15 : memref<!tpu.dma_semaphore, #tpu.memory_space<semaphore_mem>>)
    %dma_start3A_55 = arith.constant 0 : i32
    %dma_start3A_56 = arith.constant 0 : i32
    %dma_start3A_57 = arith.constant 0 : i32
    %dma_start3A_58 = tpu.memref_slice %arg8[%dma_start3A_56, %dma_start3A_57] : memref<32x768xf32, #tpu.memory_space<vmem>> -> memref<8x768xf32, #tpu.memory_space<vmem>>
    %dma_start3A_59 = arith.constant 8 : i32
    %dma_start3A_60 = tpu.memref_slice %arg6[%dma_start3A_55, %dma_start3A_59] : memref<4x256xi32, #tpu.memory_space<vmem>> -> memref<1x8xi32, #tpu.memory_space<vmem>>
    %dma_start3A_61 = tpu.memref_squeeze %dma_start3A_60 : memref<1x8xi32, #tpu.memory_space<vmem>> -> memref<8xi32, #tpu.memory_space<vmem>>
    %dma_start3A_62 = arith.constant 0 : i32
    %dma_start3A_63 = arith.constant 0 : i32
    %dma_start3A_64 = tpu.memref_slice %arg4[%dma_start3A_62, %dma_start3A_63] : memref<100000x768xf32, #tpu.memory_space<hbm>> -> memref<100000x768xf32, #tpu.memory_space<hbm>>
    tpu.enqueue_indirect_dma source(%dma_start3A_64 : memref<100000x768xf32, #tpu.memory_space<hbm>>) target(%dma_start3A_58 : memref<8x768xf32, #tpu.memory_space<vmem>>) offsets(%dma_start3A_61 : memref<8xi32, #tpu.memory_space<vmem>>) semaphore(%arg14 : memref<!tpu.dma_semaphore, #tpu.memory_space<semaphore_mem>>)
    %dma_start3A_65 = arith.constant 1 : i32
    %dma_start3A_66 = arith.constant 8 : i32
    %dma_start3A_67 = arith.constant 0 : i32
    %dma_start3A_68 = tpu.memref_slice %arg8[%dma_start3A_66, %dma_start3A_67] : memref<32x768xf32, #tpu.memory_space<vmem>> -> memref<8x768xf32, #tpu.memory_space<vmem>>
    %dma_start3A_69 = arith.constant 8 : i32
    %dma_start3A_70 = tpu.memref_slice %arg6[%dma_start3A_65, %dma_start3A_69] : memref<4x256xi32, #tpu.memory_space<vmem>> -> memref<1x8xi32, #tpu.memory_space<vmem>>
    %dma_start3A_71 = tpu.memref_squeeze %dma_start3A_70 : memref<1x8xi32, #tpu.memory_space<vmem>> -> memref<8xi32, #tpu.memory_space<vmem>>
    %dma_start3A_72 = arith.constant 0 : i32
    %dma_start3A_73 = arith.constant 0 : i32
    %dma_start3A_74 = tpu.memref_slice %arg4[%dma_start3A_72, %dma_start3A_73] : memref<100000x768xf32, #tpu.memory_space<hbm>> -> memref<100000x768xf32, #tpu.memory_space<hbm>>
    tpu.enqueue_indirect_dma source(%dma_start3A_74 : memref<100000x768xf32, #tpu.memory_space<hbm>>) target(%dma_start3A_68 : memref<8x768xf32, #tpu.memory_space<vmem>>) offsets(%dma_start3A_71 : memref<8xi32, #tpu.memory_space<vmem>>) semaphore(%arg14 : memref<!tpu.dma_semaphore, #tpu.memory_space<semaphore_mem>>)
    %dma_start3A_75 = arith.constant 2 : i32
    %dma_start3A_76 = arith.constant 16 : i32
    %dma_start3A_77 = arith.constant 0 : i32
    %dma_start3A_78 = tpu.memref_slice %arg8[%dma_start3A_76, %dma_start3A_77] : memref<32x768xf32, #tpu.memory_space<vmem>> -> memref<8x768xf32, #tpu.memory_space<vmem>>
    %dma_start3A_79 = arith.constant 8 : i32
    %dma_start3A_80 = tpu.memref_slice %arg6[%dma_start3A_75, %dma_start3A_79] : memref<4x256xi32, #tpu.memory_space<vmem>> -> memref<1x8xi32, #tpu.memory_space<vmem>>
    %dma_start3A_81 = tpu.memref_squeeze %dma_start3A_80 : memref<1x8xi32, #tpu.memory_space<vmem>> -> memref<8xi32, #tpu.memory_space<vmem>>
    %dma_start3A_82 = arith.constant 0 : i32
    %dma_start3A_83 = arith.constant 0 : i32
    %dma_start3A_84 = tpu.memref_slice %arg4[%dma_start3A_82, %dma_start3A_83] : memref<100000x768xf32, #tpu.memory_space<hbm>> -> memref<100000x768xf32, #tpu.memory_space<hbm>>
    tpu.enqueue_indirect_dma source(%dma_start3A_84 : memref<100000x768xf32, #tpu.memory_space<hbm>>) target(%dma_start3A_78 : memref<8x768xf32, #tpu.memory_space<vmem>>) offsets(%dma_start3A_81 : memref<8xi32, #tpu.memory_space<vmem>>) semaphore(%arg14 : memref<!tpu.dma_semaphore, #tpu.memory_space<semaphore_mem>>)
    %dma_start3A_85 = arith.constant 3 : i32
    %dma_start3A_86 = arith.constant 24 : i32
    %dma_start3A_87 = arith.constant 0 : i32
    %dma_start3A_88 = tpu.memref_slice %arg8[%dma_start3A_86, %dma_start3A_87] : memref<32x768xf32, #tpu.memory_space<vmem>> -> memref<8x768xf32, #tpu.memory_space<vmem>>
    %dma_start3A_89 = arith.constant 8 : i32
    %dma_start3A_90 = tpu.memref_slice %arg6[%dma_start3A_85, %dma_start3A_89] : memref<4x256xi32, #tpu.memory_space<vmem>> -> memref<1x8xi32, #tpu.memory_space<vmem>>
    %dma_start3A_91 = tpu.memref_squeeze %dma_start3A_90 : memref<1x8xi32, #tpu.memory_space<vmem>> -> memref<8xi32, #tpu.memory_space<vmem>>
    %dma_start3A_92 = arith.constant 0 : i32
    %dma_start3A_93 = arith.constant 0 : i32
    %dma_start3A_94 = tpu.memref_slice %arg4[%dma_start3A_92, %dma_start3A_93] : memref<100000x768xf32, #tpu.memory_space<hbm>> -> memref<100000x768xf32, #tpu.memory_space<hbm>>
    tpu.enqueue_indirect_dma source(%dma_start3A_94 : memref<100000x768xf32, #tpu.memory_space<hbm>>) target(%dma_start3A_88 : memref<8x768xf32, #tpu.memory_space<vmem>>) offsets(%dma_start3A_91 : memref<8xi32, #tpu.memory_space<vmem>>) semaphore(%arg14 : memref<!tpu.dma_semaphore, #tpu.memory_space<semaphore_mem>>)
    %add3A_95 = arith.constant 8 : i32
    %add3A_96 = arith.addi %mul3A_2, %add3A_95 : i32
    %dma_start3A_97 = arith.constant 0 : i32
    %dma_start3A_98 = tpu.memref_slice %arg3[%add3A_96, %dma_start3A_97] : memref<8192x768xf32, #tpu.memory_space<hbm>> -> memref<8x768xf32, #tpu.memory_space<hbm>>
    %dma_start3A_99 = arith.constant 0 : i32
    %dma_start3A_100 = tpu.memref_slice %arg3[%add3A_96, %dma_start3A_99] : memref<8192x768xf32, #tpu.memory_space<hbm>> -> memref<8x768xf32, #tpu.memory_space<hbm>>
    tpu.enqueue_dma source(%dma_start3A_100 : memref<8x768xf32, #tpu.memory_space<hbm>>) target(%arg10 : memref<8x768xf32, #tpu.memory_space<vmem>>) target_semaphore(%arg16 : memref<!tpu.dma_semaphore, #tpu.memory_space<semaphore_mem>>)
    %scan3A = arith.constant 0 : i32
    %scan3A_101 = arith.constant 0 : i32
    %scan3A_102 = arith.constant 16 : i32
    %scan3A_103 = arith.addi %scan3A_101, %scan3A_102 : i32
    %scan3A_104 = arith.constant 1 : i32
    %scan3A_105 = scf.for %scan3A_218 = %scan3A_101 to %scan3A_103 step %scan3A_104 iter_args(%scan3A_219 = %scan3A) -> (i32)  : i32 {
      %mul3A_220 = arith.constant 2 : i32
      %mul3A_221 = arith.muli %scan3A_218, %mul3A_220 : i32
      %mul3A_222 = arith.constant 8 : i32
      %mul3A_223 = arith.muli %mul3A_221, %mul3A_222 : i32
      %dma_wait3A_224 = arith.constant 0 : i32
      %dma_wait3A_225 = arith.constant 0 : i32
      %dma_wait3A_226 = arith.constant 0 : i32
      %dma_wait3A_227 = tpu.memref_slice %arg7[%dma_wait3A_225, %dma_wait3A_226] : memref<32x768xf32, #tpu.memory_space<vmem>> -> memref<8x768xf32, #tpu.memory_space<vmem>>
      %dma_wait3A_228 = tpu.memref_slice %arg6[%dma_wait3A_224, %mul3A_223] : memref<4x256xi32, #tpu.memory_space<vmem>> -> memref<1x8xi32, #tpu.memory_space<vmem>>
      %dma_wait3A_229 = tpu.memref_squeeze %dma_wait3A_228 : memref<1x8xi32, #tpu.memory_space<vmem>> -> memref<8xi32, #tpu.memory_space<vmem>>
      %dma_wait3A_230 = arith.constant 0 : i32
      %dma_wait3A_231 = arith.constant 0 : i32
      %dma_wait3A_232 = tpu.memref_slice %arg4[%dma_wait3A_230, %dma_wait3A_231] : memref<100000x768xf32, #tpu.memory_space<hbm>> -> memref<100000x768xf32, #tpu.memory_space<hbm>>
      tpu.wait_indirect_dma semaphore(%arg13 : memref<!tpu.dma_semaphore, #tpu.memory_space<semaphore_mem>>) src(%dma_wait3A_232 : memref<100000x768xf32, #tpu.memory_space<hbm>>) dst(%dma_wait3A_227 : memref<8x768xf32, #tpu.memory_space<vmem>>)
      %mul3A_233 = arith.constant 8 : i32
      %mul3A_234 = arith.muli %mul3A_221, %mul3A_233 : i32
      %dma_wait3A_235 = arith.constant 1 : i32
      %dma_wait3A_236 = arith.constant 8 : i32
      %dma_wait3A_237 = arith.constant 0 : i32
      %dma_wait3A_238 = tpu.memref_slice %arg7[%dma_wait3A_236, %dma_wait3A_237] : memref<32x768xf32, #tpu.memory_space<vmem>> -> memref<8x768xf32, #tpu.memory_space<vmem>>
      %dma_wait3A_239 = tpu.memref_slice %arg6[%dma_wait3A_235, %mul3A_234] : memref<4x256xi32, #tpu.memory_space<vmem>> -> memref<1x8xi32, #tpu.memory_space<vmem>>
      %dma_wait3A_240 = tpu.memref_squeeze %dma_wait3A_239 : memref<1x8xi32, #tpu.memory_space<vmem>> -> memref<8xi32, #tpu.memory_space<vmem>>
      %dma_wait3A_241 = arith.constant 0 : i32
      %dma_wait3A_242 = arith.constant 0 : i32
      %dma_wait3A_243 = tpu.memref_slice %arg4[%dma_wait3A_241, %dma_wait3A_242] : memref<100000x768xf32, #tpu.memory_space<hbm>> -> memref<100000x768xf32, #tpu.memory_space<hbm>>
      tpu.wait_indirect_dma semaphore(%arg13 : memref<!tpu.dma_semaphore, #tpu.memory_space<semaphore_mem>>) src(%dma_wait3A_243 : memref<100000x768xf32, #tpu.memory_space<hbm>>) dst(%dma_wait3A_238 : memref<8x768xf32, #tpu.memory_space<vmem>>)
      %mul3A_244 = arith.constant 8 : i32
      %mul3A_245 = arith.muli %mul3A_221, %mul3A_244 : i32
      %dma_wait3A_246 = arith.constant 2 : i32
      %dma_wait3A_247 = arith.constant 16 : i32
      %dma_wait3A_248 = arith.constant 0 : i32
      %dma_wait3A_249 = tpu.memref_slice %arg7[%dma_wait3A_247, %dma_wait3A_248] : memref<32x768xf32, #tpu.memory_space<vmem>> -> memref<8x768xf32, #tpu.memory_space<vmem>>
      %dma_wait3A_250 = tpu.memref_slice %arg6[%dma_wait3A_246, %mul3A_245] : memref<4x256xi32, #tpu.memory_space<vmem>> -> memref<1x8xi32, #tpu.memory_space<vmem>>
      %dma_wait3A_251 = tpu.memref_squeeze %dma_wait3A_250 : memref<1x8xi32, #tpu.memory_space<vmem>> -> memref<8xi32, #tpu.memory_space<vmem>>
      %dma_wait3A_252 = arith.constant 0 : i32
      %dma_wait3A_253 = arith.constant 0 : i32
      %dma_wait3A_254 = tpu.memref_slice %arg4[%dma_wait3A_252, %dma_wait3A_253] : memref<100000x768xf32, #tpu.memory_space<hbm>> -> memref<100000x768xf32, #tpu.memory_space<hbm>>
      tpu.wait_indirect_dma semaphore(%arg13 : memref<!tpu.dma_semaphore, #tpu.memory_space<semaphore_mem>>) src(%dma_wait3A_254 : memref<100000x768xf32, #tpu.memory_space<hbm>>) dst(%dma_wait3A_249 : memref<8x768xf32, #tpu.memory_space<vmem>>)
      %mul3A_255 = arith.constant 8 : i32
      %mul3A_256 = arith.muli %mul3A_221, %mul3A_255 : i32
      %dma_wait3A_257 = arith.constant 3 : i32
      %dma_wait3A_258 = arith.constant 24 : i32
      %dma_wait3A_259 = arith.constant 0 : i32
      %dma_wait3A_260 = tpu.memref_slice %arg7[%dma_wait3A_258, %dma_wait3A_259] : memref<32x768xf32, #tpu.memory_space<vmem>> -> memref<8x768xf32, #tpu.memory_space<vmem>>
      %dma_wait3A_261 = tpu.memref_slice %arg6[%dma_wait3A_257, %mul3A_256] : memref<4x256xi32, #tpu.memory_space<vmem>> -> memref<1x8xi32, #tpu.memory_space<vmem>>
      %dma_wait3A_262 = tpu.memref_squeeze %dma_wait3A_261 : memref<1x8xi32, #tpu.memory_space<vmem>> -> memref<8xi32, #tpu.memory_space<vmem>>
      %dma_wait3A_263 = arith.constant 0 : i32
      %dma_wait3A_264 = arith.constant 0 : i32
      %dma_wait3A_265 = tpu.memref_slice %arg4[%dma_wait3A_263, %dma_wait3A_264] : memref<100000x768xf32, #tpu.memory_space<hbm>> -> memref<100000x768xf32, #tpu.memory_space<hbm>>
      tpu.wait_indirect_dma semaphore(%arg13 : memref<!tpu.dma_semaphore, #tpu.memory_space<semaphore_mem>>) src(%dma_wait3A_265 : memref<100000x768xf32, #tpu.memory_space<hbm>>) dst(%dma_wait3A_260 : memref<8x768xf32, #tpu.memory_space<vmem>>)
      %mul3A_266 = arith.constant 8 : i32
      %mul3A_267 = arith.muli %mul3A_221, %mul3A_266 : i32
      %add3A_268 = arith.addi %mul3A_2, %mul3A_267 : i32
      %dma_wait3A_269 = arith.constant 0 : i32
      %dma_wait3A_270 = tpu.memref_slice %arg3[%add3A_268, %dma_wait3A_269] : memref<8192x768xf32, #tpu.memory_space<hbm>> -> memref<8x768xf32, #tpu.memory_space<hbm>>
      %dma_wait3A_271 = arith.constant 0 : i32
      %dma_wait3A_272 = tpu.memref_slice %arg3[%add3A_268, %dma_wait3A_271] : memref<8192x768xf32, #tpu.memory_space<hbm>> -> memref<8x768xf32, #tpu.memory_space<hbm>>
      tpu.wait_dma2 semaphore(%arg15 : memref<!tpu.dma_semaphore, #tpu.memory_space<semaphore_mem>>) src(%dma_wait3A_272 : memref<8x768xf32, #tpu.memory_space<hbm>>) dst(%arg9 : memref<8x768xf32, #tpu.memory_space<vmem>>)
      %ge3A = arith.constant 2 : i32
      %ge3A_273 = arith.cmpi sge, %mul3A_221, %ge3A : i32
      %convert_element_type3A = arith.extui %ge3A_273 : i1 to i32
      %cond3A = arith.constant 0 : i32
      %cond3A_274 = arith.cmpi ne, %convert_element_type3A, %cond3A : i32
      scf.if %cond3A_274 {
        %sub3A = arith.constant 2 : i32
        %sub3A_483 = arith.subi %mul3A_221, %sub3A : i32
        %add3A_484 = arith.constant 0 : i32
        %add3A_485 = arith.addi %add3A_484, %mul3A_2 : i32
        %mul3A_486 = arith.constant 8 : i32
        %mul3A_487 = arith.muli %sub3A_483, %mul3A_486 : i32
        %add3A_488 = arith.addi %add3A_485, %mul3A_487 : i32
        %dma_wait3A_489 = arith.constant 0 : i32
        %dma_wait3A_490 = arith.constant 0 : i32
        %dma_wait3A_491 = tpu.memref_slice %arg11[%dma_wait3A_489, %dma_wait3A_490] : memref<32x768xf32, #tpu.memory_space<vmem>> -> memref<8x768xf32, #tpu.memory_space<vmem>>
        %dma_wait3A_492 = arith.constant 0 : i32
        %dma_wait3A_493 = tpu.memref_slice %arg5[%add3A_488, %dma_wait3A_492] : memref<32768x768xf32, #tpu.memory_space<hbm>> -> memref<8x768xf32, #tpu.memory_space<hbm>>
        %dma_wait3A_494 = arith.constant 0 : i32
        %dma_wait3A_495 = tpu.memref_slice %arg5[%add3A_488, %dma_wait3A_494] : memref<32768x768xf32, #tpu.memory_space<hbm>> -> memref<8x768xf32, #tpu.memory_space<hbm>>
        %dma_wait3A_496 = arith.constant 0 : i32
        %dma_wait3A_497 = arith.constant 0 : i32
        %dma_wait3A_498 = tpu.memref_slice %arg11[%dma_wait3A_496, %dma_wait3A_497] : memref<32x768xf32, #tpu.memory_space<vmem>> -> memref<8x768xf32, #tpu.memory_space<vmem>>
        tpu.wait_dma2 semaphore(%arg17 : memref<!tpu.dma_semaphore, #tpu.memory_space<semaphore_mem>>) src(%dma_wait3A_498 : memref<8x768xf32, #tpu.memory_space<vmem>>) dst(%dma_wait3A_495 : memref<8x768xf32, #tpu.memory_space<hbm>>)
        %sub3A_499 = arith.constant 2 : i32
        %sub3A_500 = arith.subi %mul3A_221, %sub3A_499 : i32
        %add3A_501 = arith.constant 8192 : i32
        %add3A_502 = arith.addi %add3A_501, %mul3A_2 : i32
        %mul3A_503 = arith.constant 8 : i32
        %mul3A_504 = arith.muli %sub3A_500, %mul3A_503 : i32
        %add3A_505 = arith.addi %add3A_502, %mul3A_504 : i32
        %dma_wait3A_506 = arith.constant 8 : i32
        %dma_wait3A_507 = arith.constant 0 : i32
        %dma_wait3A_508 = tpu.memref_slice %arg11[%dma_wait3A_506, %dma_wait3A_507] : memref<32x768xf32, #tpu.memory_space<vmem>> -> memref<8x768xf32, #tpu.memory_space<vmem>>
        %dma_wait3A_509 = arith.constant 0 : i32
        %dma_wait3A_510 = tpu.memref_slice %arg5[%add3A_505, %dma_wait3A_509] : memref<32768x768xf32, #tpu.memory_space<hbm>> -> memref<8x768xf32, #tpu.memory_space<hbm>>
        %dma_wait3A_511 = arith.constant 0 : i32
        %dma_wait3A_512 = tpu.memref_slice %arg5[%add3A_505, %dma_wait3A_511] : memref<32768x768xf32, #tpu.memory_space<hbm>> -> memref<8x768xf32, #tpu.memory_space<hbm>>
        %dma_wait3A_513 = arith.constant 8 : i32
        %dma_wait3A_514 = arith.constant 0 : i32
        %dma_wait3A_515 = tpu.memref_slice %arg11[%dma_wait3A_513, %dma_wait3A_514] : memref<32x768xf32, #tpu.memory_space<vmem>> -> memref<8x768xf32, #tpu.memory_space<vmem>>
        tpu.wait_dma2 semaphore(%arg17 : memref<!tpu.dma_semaphore, #tpu.memory_space<semaphore_mem>>) src(%dma_wait3A_515 : memref<8x768xf32, #tpu.memory_space<vmem>>) dst(%dma_wait3A_512 : memref<8x768xf32, #tpu.memory_space<hbm>>)
        %sub3A_516 = arith.constant 2 : i32
        %sub3A_517 = arith.subi %mul3A_221, %sub3A_516 : i32
        %add3A_518 = arith.constant 16384 : i32
        %add3A_519 = arith.addi %add3A_518, %mul3A_2 : i32
        %mul3A_520 = arith.constant 8 : i32
        %mul3A_521 = arith.muli %sub3A_517, %mul3A_520 : i32
        %add3A_522 = arith.addi %add3A_519, %mul3A_521 : i32
        %dma_wait3A_523 = arith.constant 16 : i32
        %dma_wait3A_524 = arith.constant 0 : i32
        %dma_wait3A_525 = tpu.memref_slice %arg11[%dma_wait3A_523, %dma_wait3A_524] : memref<32x768xf32, #tpu.memory_space<vmem>> -> memref<8x768xf32, #tpu.memory_space<vmem>>
        %dma_wait3A_526 = arith.constant 0 : i32
        %dma_wait3A_527 = tpu.memref_slice %arg5[%add3A_522, %dma_wait3A_526] : memref<32768x768xf32, #tpu.memory_space<hbm>> -> memref<8x768xf32, #tpu.memory_space<hbm>>
        %dma_wait3A_528 = arith.constant 0 : i32
        %dma_wait3A_529 = tpu.memref_slice %arg5[%add3A_522, %dma_wait3A_528] : memref<32768x768xf32, #tpu.memory_space<hbm>> -> memref<8x768xf32, #tpu.memory_space<hbm>>
        %dma_wait3A_530 = arith.constant 16 : i32
        %dma_wait3A_531 = arith.constant 0 : i32
        %dma_wait3A_532 = tpu.memref_slice %arg11[%dma_wait3A_530, %dma_wait3A_531] : memref<32x768xf32, #tpu.memory_space<vmem>> -> memref<8x768xf32, #tpu.memory_space<vmem>>
        tpu.wait_dma2 semaphore(%arg17 : memref<!tpu.dma_semaphore, #tpu.memory_space<semaphore_mem>>) src(%dma_wait3A_532 : memref<8x768xf32, #tpu.memory_space<vmem>>) dst(%dma_wait3A_529 : memref<8x768xf32, #tpu.memory_space<hbm>>)
        %sub3A_533 = arith.constant 2 : i32
        %sub3A_534 = arith.subi %mul3A_221, %sub3A_533 : i32
        %add3A_535 = arith.constant 24576 : i32
        %add3A_536 = arith.addi %add3A_535, %mul3A_2 : i32
        %mul3A_537 = arith.constant 8 : i32
        %mul3A_538 = arith.muli %sub3A_534, %mul3A_537 : i32
        %add3A_539 = arith.addi %add3A_536, %mul3A_538 : i32
        %dma_wait3A_540 = arith.constant 24 : i32
        %dma_wait3A_541 = arith.constant 0 : i32
        %dma_wait3A_542 = tpu.memref_slice %arg11[%dma_wait3A_540, %dma_wait3A_541] : memref<32x768xf32, #tpu.memory_space<vmem>> -> memref<8x768xf32, #tpu.memory_space<vmem>>
        %dma_wait3A_543 = arith.constant 0 : i32
        %dma_wait3A_544 = tpu.memref_slice %arg5[%add3A_539, %dma_wait3A_543] : memref<32768x768xf32, #tpu.memory_space<hbm>> -> memref<8x768xf32, #tpu.memory_space<hbm>>
        %dma_wait3A_545 = arith.constant 0 : i32
        %dma_wait3A_546 = tpu.memref_slice %arg5[%add3A_539, %dma_wait3A_545] : memref<32768x768xf32, #tpu.memory_space<hbm>> -> memref<8x768xf32, #tpu.memory_space<hbm>>
        %dma_wait3A_547 = arith.constant 24 : i32
        %dma_wait3A_548 = arith.constant 0 : i32
        %dma_wait3A_549 = tpu.memref_slice %arg11[%dma_wait3A_547, %dma_wait3A_548] : memref<32x768xf32, #tpu.memory_space<vmem>> -> memref<8x768xf32, #tpu.memory_space<vmem>>
        tpu.wait_dma2 semaphore(%arg17 : memref<!tpu.dma_semaphore, #tpu.memory_space<semaphore_mem>>) src(%dma_wait3A_549 : memref<8x768xf32, #tpu.memory_space<vmem>>) dst(%dma_wait3A_546 : memref<8x768xf32, #tpu.memory_space<hbm>>)
      } else {
      }
      %scan3A_275 = arith.constant 0 : i32
      %scan3A_276 = arith.constant 0 : i32
      %scan3A_277 = arith.constant 48 : i32
      %scan3A_278 = arith.addi %scan3A_276, %scan3A_277 : i32
      %scan3A_279 = arith.constant 1 : i32
      %scan3A_280 = scf.for %scan3A_483 = %scan3A_276 to %scan3A_278 step %scan3A_279 iter_args(%scan3A_484 = %scan3A_275) -> (i32)  : i32 {
        %mul3A_485 = arith.constant 16 : i32
        %mul3A_486 = arith.muli %scan3A_483, %mul3A_485 : i32
        %get3A = arith.constant 0 : i32
        %get3A_487 = arith.index_cast %get3A : i32 to index
        %get3A_488 = arith.index_cast %mul3A_486 : i32 to index
        %get3A_489 = tpu.vector_load %arg9[%get3A_487, %get3A_488] {strides = array<i32>} : memref<8x768xf32, #tpu.memory_space<vmem>>, vector<1x16xf32>,
        %get3A_490 = vector.shape_cast %get3A_489 : vector<1x16xf32> to vector<16xf32>
        %get3A_491 = arith.constant 1 : i32
        %get3A_492 = arith.index_cast %get3A_491 : i32 to index
        %get3A_493 = arith.index_cast %mul3A_486 : i32 to index
        %get3A_494 = tpu.vector_load %arg9[%get3A_492, %get3A_493] {strides = array<i32>} : memref<8x768xf32, #tpu.memory_space<vmem>>, vector<1x16xf32>,
        %get3A_495 = vector.shape_cast %get3A_494 : vector<1x16xf32> to vector<16xf32>
        %get3A_496 = arith.constant 2 : i32
        %get3A_497 = arith.index_cast %get3A_496 : i32 to index
        %get3A_498 = arith.index_cast %mul3A_486 : i32 to index
        %get3A_499 = tpu.vector_load %arg9[%get3A_497, %get3A_498] {strides = array<i32>} : memref<8x768xf32, #tpu.memory_space<vmem>>, vector<1x16xf32>,
        %get3A_500 = vector.shape_cast %get3A_499 : vector<1x16xf32> to vector<16xf32>
        %get3A_501 = arith.constant 3 : i32
        %get3A_502 = arith.index_cast %get3A_501 : i32 to index
        %get3A_503 = arith.index_cast %mul3A_486 : i32 to index
        %get3A_504 = tpu.vector_load %arg9[%get3A_502, %get3A_503] {strides = array<i32>} : memref<8x768xf32, #tpu.memory_space<vmem>>, vector<1x16xf32>,
        %get3A_505 = vector.shape_cast %get3A_504 : vector<1x16xf32> to vector<16xf32>
        %get3A_506 = arith.constant 4 : i32
        %get3A_507 = arith.index_cast %get3A_506 : i32 to index
        %get3A_508 = arith.index_cast %mul3A_486 : i32 to index
        %get3A_509 = tpu.vector_load %arg9[%get3A_507, %get3A_508] {strides = array<i32>} : memref<8x768xf32, #tpu.memory_space<vmem>>, vector<1x16xf32>,
        %get3A_510 = vector.shape_cast %get3A_509 : vector<1x16xf32> to vector<16xf32>
        %get3A_511 = arith.constant 5 : i32
        %get3A_512 = arith.index_cast %get3A_511 : i32 to index
        %get3A_513 = arith.index_cast %mul3A_486 : i32 to index
        %get3A_514 = tpu.vector_load %arg9[%get3A_512, %get3A_513] {strides = array<i32>} : memref<8x768xf32, #tpu.memory_space<vmem>>, vector<1x16xf32>,
        %get3A_515 = vector.shape_cast %get3A_514 : vector<1x16xf32> to vector<16xf32>
        %get3A_516 = arith.constant 6 : i32
        %get3A_517 = arith.index_cast %get3A_516 : i32 to index
        %get3A_518 = arith.index_cast %mul3A_486 : i32 to index
        %get3A_519 = tpu.vector_load %arg9[%get3A_517, %get3A_518] {strides = array<i32>} : memref<8x768xf32, #tpu.memory_space<vmem>>, vector<1x16xf32>,
        %get3A_520 = vector.shape_cast %get3A_519 : vector<1x16xf32> to vector<16xf32>
        %get3A_521 = arith.constant 7 : i32
        %get3A_522 = arith.index_cast %get3A_521 : i32 to index
        %get3A_523 = arith.index_cast %mul3A_486 : i32 to index
        %get3A_524 = tpu.vector_load %arg9[%get3A_522, %get3A_523] {strides = array<i32>} : memref<8x768xf32, #tpu.memory_space<vmem>>, vector<1x16xf32>,
        %get3A_525 = vector.shape_cast %get3A_524 : vector<1x16xf32> to vector<16xf32>
        %get3A_526 = arith.constant 0 : i32
        %get3A_527 = arith.index_cast %get3A_526 : i32 to index
        %get3A_528 = arith.index_cast %mul3A_486 : i32 to index
        %get3A_529 = tpu.vector_load %arg7[%get3A_527, %get3A_528] {strides = array<i32>} : memref<32x768xf32, #tpu.memory_space<vmem>>, vector<1x16xf32>,
        %get3A_530 = vector.shape_cast %get3A_529 : vector<1x16xf32> to vector<16xf32>
        %mul3A_531 = arith.constant 27.7128124 : f32
        %mul3A_532 = vector.broadcast %mul3A_531 : f32 to vector<16xf32>
        %mul3A_533 = arith.mulf %get3A_530, %mul3A_532 : vector<16xf32>
        %add3A_534 = arith.addf %mul3A_533, %get3A_490 : vector<16xf32>
        %swap3A = arith.constant 0 : i32
        %swap3A_535 = arith.index_cast %swap3A : i32 to index
        %swap3A_536 = arith.index_cast %mul3A_486 : i32 to index
        %swap3A_537 = tpu.vector_load %arg11[%swap3A_535, %swap3A_536] {strides = array<i32>} : memref<32x768xf32, #tpu.memory_space<vmem>>, vector<1x16xf32>,
        %swap3A_538 = vector.shape_cast %swap3A_537 : vector<1x16xf32> to vector<16xf32>
        %swap3A_539 = vector.shape_cast %add3A_534 : vector<16xf32> to vector<1x16xf32>
        tpu.vector_store %arg11[%swap3A_535, %swap3A_536], %swap3A_539 {strides = array<i32>} : memref<32x768xf32, #tpu.memory_space<vmem>>, vector<1x16xf32>,
        %get3A_540 = arith.constant 1 : i32
        %get3A_541 = arith.index_cast %get3A_540 : i32 to index
        %get3A_542 = arith.index_cast %mul3A_486 : i32 to index
        %get3A_543 = tpu.vector_load %arg7[%get3A_541, %get3A_542] {strides = array<i32>} : memref<32x768xf32, #tpu.memory_space<vmem>>, vector<1x16xf32>,
        %get3A_544 = vector.shape_cast %get3A_543 : vector<1x16xf32> to vector<16xf32>
        %mul3A_545 = arith.constant 27.7128124 : f32
        %mul3A_546 = vector.broadcast %mul3A_545 : f32 to vector<16xf32>
        %mul3A_547 = arith.mulf %get3A_544, %mul3A_546 : vector<16xf32>
        %add3A_548 = arith.addf %mul3A_547, %get3A_495 : vector<16xf32>
        %swap3A_549 = arith.constant 1 : i32
        %swap3A_550 = arith.index_cast %swap3A_549 : i32 to index
        %swap3A_551 = arith.index_cast %mul3A_486 : i32 to index
        %swap3A_552 = tpu.vector_load %arg11[%swap3A_550, %swap3A_551] {strides = array<i32>} : memref<32x768xf32, #tpu.memory_space<vmem>>, vector<1x16xf32>,
        %swap3A_553 = vector.shape_cast %swap3A_552 : vector<1x16xf32> to vector<16xf32>
        %swap3A_554 = vector.shape_cast %add3A_548 : vector<16xf32> to vector<1x16xf32>
        tpu.vector_store %arg11[%swap3A_550, %swap3A_551], %swap3A_554 {strides = array<i32>} : memref<32x768xf32, #tpu.memory_space<vmem>>, vector<1x16xf32>,
        %get3A_555 = arith.constant 2 : i32
        %get3A_556 = arith.index_cast %get3A_555 : i32 to index
        %get3A_557 = arith.index_cast %mul3A_486 : i32 to index
        %get3A_558 = tpu.vector_load %arg7[%get3A_556, %get3A_557] {strides = array<i32>} : memref<32x768xf32, #tpu.memory_space<vmem>>, vector<1x16xf32>,
        %get3A_559 = vector.shape_cast %get3A_558 : vector<1x16xf32> to vector<16xf32>
        %mul3A_560 = arith.constant 27.7128124 : f32
        %mul3A_561 = vector.broadcast %mul3A_560 : f32 to vector<16xf32>
        %mul3A_562 = arith.mulf %get3A_559, %mul3A_561 : vector<16xf32>
        %add3A_563 = arith.addf %mul3A_562, %get3A_500 : vector<16xf32>
        %swap3A_564 = arith.constant 2 : i32
        %swap3A_565 = arith.index_cast %swap3A_564 : i32 to index
        %swap3A_566 = arith.index_cast %mul3A_486 : i32 to index
        %swap3A_567 = tpu.vector_load %arg11[%swap3A_565, %swap3A_566] {strides = array<i32>} : memref<32x768xf32, #tpu.memory_space<vmem>>, vector<1x16xf32>,
        %swap3A_568 = vector.shape_cast %swap3A_567 : vector<1x16xf32> to vector<16xf32>
        %swap3A_569 = vector.shape_cast %add3A_563 : vector<16xf32> to vector<1x16xf32>
        tpu.vector_store %arg11[%swap3A_565, %swap3A_566], %swap3A_569 {strides = array<i32>} : memref<32x768xf32, #tpu.memory_space<vmem>>, vector<1x16xf32>,
        %get3A_570 = arith.constant 3 : i32
        %get3A_571 = arith.index_cast %get3A_570 : i32 to index
        %get3A_572 = arith.index_cast %mul3A_486 : i32 to index
        %get3A_573 = tpu.vector_load %arg7[%get3A_571, %get3A_572] {strides = array<i32>} : memref<32x768xf32, #tpu.memory_space<vmem>>, vector<1x16xf32>,
        %get3A_574 = vector.shape_cast %get3A_573 : vector<1x16xf32> to vector<16xf32>
        %mul3A_575 = arith.constant 27.7128124 : f32
        %mul3A_576 = vector.broadcast %mul3A_575 : f32 to vector<16xf32>
        %mul3A_577 = arith.mulf %get3A_574, %mul3A_576 : vector<16xf32>
        %add3A_578 = arith.addf %mul3A_577, %get3A_505 : vector<16xf32>
        %swap3A_579 = arith.constant 3 : i32
        %swap3A_580 = arith.index_cast %swap3A_579 : i32 to index
        %swap3A_581 = arith.index_cast %mul3A_486 : i32 to index
        %swap3A_582 = tpu.vector_load %arg11[%swap3A_580, %swap3A_581] {strides = array<i32>} : memref<32x768xf32, #tpu.memory_space<vmem>>, vector<1x16xf32>,
        %swap3A_583 = vector.shape_cast %swap3A_582 : vector<1x16xf32> to vector<16xf32>
        %swap3A_584 = vector.shape_cast %add3A_578 : vector<16xf32> to vector<1x16xf32>
        tpu.vector_store %arg11[%swap3A_580, %swap3A_581], %swap3A_584 {strides = array<i32>} : memref<32x768xf32, #tpu.memory_space<vmem>>, vector<1x16xf32>,
        %get3A_585 = arith.constant 4 : i32
        %get3A_586 = arith.index_cast %get3A_585 : i32 to index
        %get3A_587 = arith.index_cast %mul3A_486 : i32 to index
        %get3A_588 = tpu.vector_load %arg7[%get3A_586, %get3A_587] {strides = array<i32>} : memref<32x768xf32, #tpu.memory_space<vmem>>, vector<1x16xf32>,
        %get3A_589 = vector.shape_cast %get3A_588 : vector<1x16xf32> to vector<16xf32>
        %mul3A_590 = arith.constant 27.7128124 : f32
        %mul3A_591 = vector.broadcast %mul3A_590 : f32 to vector<16xf32>
        %mul3A_592 = arith.mulf %get3A_589, %mul3A_591 : vector<16xf32>
        %add3A_593 = arith.addf %mul3A_592, %get3A_510 : vector<16xf32>
        %swap3A_594 = arith.constant 4 : i32
        %swap3A_595 = arith.index_cast %swap3A_594 : i32 to index
        %swap3A_596 = arith.index_cast %mul3A_486 : i32 to index
        %swap3A_597 = tpu.vector_load %arg11[%swap3A_595, %swap3A_596] {strides = array<i32>} : memref<32x768xf32, #tpu.memory_space<vmem>>, vector<1x16xf32>,
        %swap3A_598 = vector.shape_cast %swap3A_597 : vector<1x16xf32> to vector<16xf32>
        %swap3A_599 = vector.shape_cast %add3A_593 : vector<16xf32> to vector<1x16xf32>
        tpu.vector_store %arg11[%swap3A_595, %swap3A_596], %swap3A_599 {strides = array<i32>} : memref<32x768xf32, #tpu.memory_space<vmem>>, vector<1x16xf32>,
        %get3A_600 = arith.constant 5 : i32
        %get3A_601 = arith.index_cast %get3A_600 : i32 to index
        %get3A_602 = arith.index_cast %mul3A_486 : i32 to index
        %get3A_603 = tpu.vector_load %arg7[%get3A_601, %get3A_602] {strides = array<i32>} : memref<32x768xf32, #tpu.memory_space<vmem>>, vector<1x16xf32>,
        %get3A_604 = vector.shape_cast %get3A_603 : vector<1x16xf32> to vector<16xf32>
        %mul3A_605 = arith.constant 27.7128124 : f32
        %mul3A_606 = vector.broadcast %mul3A_605 : f32 to vector<16xf32>
        %mul3A_607 = arith.mulf %get3A_604, %mul3A_606 : vector<16xf32>
        %add3A_608 = arith.addf %mul3A_607, %get3A_515 : vector<16xf32>
        %swap3A_609 = arith.constant 5 : i32
        %swap3A_610 = arith.index_cast %swap3A_609 : i32 to index
        %swap3A_611 = arith.index_cast %mul3A_486 : i32 to index
        %swap3A_612 = tpu.vector_load %arg11[%swap3A_610, %swap3A_611] {strides = array<i32>} : memref<32x768xf32, #tpu.memory_space<vmem>>, vector<1x16xf32>,
        %swap3A_613 = vector.shape_cast %swap3A_612 : vector<1x16xf32> to vector<16xf32>
        %swap3A_614 = vector.shape_cast %add3A_608 : vector<16xf32> to vector<1x16xf32>
        tpu.vector_store %arg11[%swap3A_610, %swap3A_611], %swap3A_614 {strides = array<i32>} : memref<32x768xf32, #tpu.memory_space<vmem>>, vector<1x16xf32>,
        %get3A_615 = arith.constant 6 : i32
        %get3A_616 = arith.index_cast %get3A_615 : i32 to index
        %get3A_617 = arith.index_cast %mul3A_486 : i32 to index
        %get3A_618 = tpu.vector_load %arg7[%get3A_616, %get3A_617] {strides = array<i32>} : memref<32x768xf32, #tpu.memory_space<vmem>>, vector<1x16xf32>,
        %get3A_619 = vector.shape_cast %get3A_618 : vector<1x16xf32> to vector<16xf32>
        %mul3A_620 = arith.constant 27.7128124 : f32
        %mul3A_621 = vector.broadcast %mul3A_620 : f32 to vector<16xf32>
        %mul3A_622 = arith.mulf %get3A_619, %mul3A_621 : vector<16xf32>
        %add3A_623 = arith.addf %mul3A_622, %get3A_520 : vector<16xf32>
        %swap3A_624 = arith.constant 6 : i32
        %swap3A_625 = arith.index_cast %swap3A_624 : i32 to index
        %swap3A_626 = arith.index_cast %mul3A_486 : i32 to index
        %swap3A_627 = tpu.vector_load %arg11[%swap3A_625, %swap3A_626] {strides = array<i32>} : memref<32x768xf32, #tpu.memory_space<vmem>>, vector<1x16xf32>,
        %swap3A_628 = vector.shape_cast %swap3A_627 : vector<1x16xf32> to vector<16xf32>
        %swap3A_629 = vector.shape_cast %add3A_623 : vector<16xf32> to vector<1x16xf32>
        tpu.vector_store %arg11[%swap3A_625, %swap3A_626], %swap3A_629 {strides = array<i32>} : memref<32x768xf32, #tpu.memory_space<vmem>>, vector<1x16xf32>,
        %get3A_630 = arith.constant 7 : i32
        %get3A_631 = arith.index_cast %get3A_630 : i32 to index
        %get3A_632 = arith.index_cast %mul3A_486 : i32 to index
        %get3A_633 = tpu.vector_load %arg7[%get3A_631, %get3A_632] {strides = array<i32>} : memref<32x768xf32, #tpu.memory_space<vmem>>, vector<1x16xf32>,
        %get3A_634 = vector.shape_cast %get3A_633 : vector<1x16xf32> to vector<16xf32>
        %mul3A_635 = arith.constant 27.7128124 : f32
        %mul3A_636 = vector.broadcast %mul3A_635 : f32 to vector<16xf32>
        %mul3A_637 = arith.mulf %get3A_634, %mul3A_636 : vector<16xf32>
        %add3A_638 = arith.addf %mul3A_637, %get3A_525 : vector<16xf32>
        %swap3A_639 = arith.constant 7 : i32
        %swap3A_640 = arith.index_cast %swap3A_639 : i32 to index
        %swap3A_641 = arith.index_cast %mul3A_486 : i32 to index
        %swap3A_642 = tpu.vector_load %arg11[%swap3A_640, %swap3A_641] {strides = array<i32>} : memref<32x768xf32, #tpu.memory_space<vmem>>, vector<1x16xf32>,
        %swap3A_643 = vector.shape_cast %swap3A_642 : vector<1x16xf32> to vector<16xf32>
        %swap3A_644 = vector.shape_cast %add3A_638 : vector<16xf32> to vector<1x16xf32>
        tpu.vector_store %arg11[%swap3A_640, %swap3A_641], %swap3A_644 {strides = array<i32>} : memref<32x768xf32, #tpu.memory_space<vmem>>, vector<1x16xf32>,
        %get3A_645 = arith.constant 8 : i32
        %get3A_646 = arith.index_cast %get3A_645 : i32 to index
        %get3A_647 = arith.index_cast %mul3A_486 : i32 to index
        %get3A_648 = tpu.vector_load %arg7[%get3A_646, %get3A_647] {strides = array<i32>} : memref<32x768xf32, #tpu.memory_space<vmem>>, vector<1x16xf32>,
        %get3A_649 = vector.shape_cast %get3A_648 : vector<1x16xf32> to vector<16xf32>
        %mul3A_650 = arith.constant 27.7128124 : f32
        %mul3A_651 = vector.broadcast %mul3A_650 : f32 to vector<16xf32>
        %mul3A_652 = arith.mulf %get3A_649, %mul3A_651 : vector<16xf32>
        %add3A_653 = arith.addf %mul3A_652, %get3A_490 : vector<16xf32>
        %swap3A_654 = arith.constant 8 : i32
        %swap3A_655 = arith.index_cast %swap3A_654 : i32 to index
        %swap3A_656 = arith.index_cast %mul3A_486 : i32 to index
        %swap3A_657 = tpu.vector_load %arg11[%swap3A_655, %swap3A_656] {strides = array<i32>} : memref<32x768xf32, #tpu.memory_space<vmem>>, vector<1x16xf32>,
        %swap3A_658 = vector.shape_cast %swap3A_657 : vector<1x16xf32> to vector<16xf32>
        %swap3A_659 = vector.shape_cast %add3A_653 : vector<16xf32> to vector<1x16xf32>
        tpu.vector_store %arg11[%swap3A_655, %swap3A_656], %swap3A_659 {strides = array<i32>} : memref<32x768xf32, #tpu.memory_space<vmem>>, vector<1x16xf32>,
        %get3A_660 = arith.constant 9 : i32
        %get3A_661 = arith.index_cast %get3A_660 : i32 to index
        %get3A_662 = arith.index_cast %mul3A_486 : i32 to index
        %get3A_663 = tpu.vector_load %arg7[%get3A_661, %get3A_662] {strides = array<i32>} : memref<32x768xf32, #tpu.memory_space<vmem>>, vector<1x16xf32>,
        %get3A_664 = vector.shape_cast %get3A_663 : vector<1x16xf32> to vector<16xf32>
        %mul3A_665 = arith.constant 27.7128124 : f32
        %mul3A_666 = vector.broadcast %mul3A_665 : f32 to vector<16xf32>
        %mul3A_667 = arith.mulf %get3A_664, %mul3A_666 : vector<16xf32>
        %add3A_668 = arith.addf %mul3A_667, %get3A_495 : vector<16xf32>
        %swap3A_669 = arith.constant 9 : i32
        %swap3A_670 = arith.index_cast %swap3A_669 : i32 to index
        %swap3A_671 = arith.index_cast %mul3A_486 : i32 to index
        %swap3A_672 = tpu.vector_load %arg11[%swap3A_670, %swap3A_671] {strides = array<i32>} : memref<32x768xf32, #tpu.memory_space<vmem>>, vector<1x16xf32>,
        %swap3A_673 = vector.shape_cast %swap3A_672 : vector<1x16xf32> to vector<16xf32>
        %swap3A_674 = vector.shape_cast %add3A_668 : vector<16xf32> to vector<1x16xf32>
        tpu.vector_store %arg11[%swap3A_670, %swap3A_671], %swap3A_674 {strides = array<i32>} : memref<32x768xf32, #tpu.memory_space<vmem>>, vector<1x16xf32>,
        %get3A_675 = arith.constant 10 : i32
        %get3A_676 = arith.index_cast %get3A_675 : i32 to index
        %get3A_677 = arith.index_cast %mul3A_486 : i32 to index
        %get3A_678 = tpu.vector_load %arg7[%get3A_676, %get3A_677] {strides = array<i32>} : memref<32x768xf32, #tpu.memory_space<vmem>>, vector<1x16xf32>,
        %get3A_679 = vector.shape_cast %get3A_678 : vector<1x16xf32> to vector<16xf32>
        %mul3A_680 = arith.constant 27.7128124 : f32
        %mul3A_681 = vector.broadcast %mul3A_680 : f32 to vector<16xf32>
        %mul3A_682 = arith.mulf %get3A_679, %mul3A_681 : vector<16xf32>
        %add3A_683 = arith.addf %mul3A_682, %get3A_500 : vector<16xf32>
        %swap3A_684 = arith.constant 10 : i32
        %swap3A_685 = arith.index_cast %swap3A_684 : i32 to index
        %swap3A_686 = arith.index_cast %mul3A_486 : i32 to index
        %swap3A_687 = tpu.vector_load %arg11[%swap3A_685, %swap3A_686] {strides = array<i32>} : memref<32x768xf32, #tpu.memory_space<vmem>>, vector<1x16xf32>,
        %swap3A_688 = vector.shape_cast %swap3A_687 : vector<1x16xf32> to vector<16xf32>
        %swap3A_689 = vector.shape_cast %add3A_683 : vector<16xf32> to vector<1x16xf32>
        tpu.vector_store %arg11[%swap3A_685, %swap3A_686], %swap3A_689 {strides = array<i32>} : memref<32x768xf32, #tpu.memory_space<vmem>>, vector<1x16xf32>,
        %get3A_690 = arith.constant 11 : i32
        %get3A_691 = arith.index_cast %get3A_690 : i32 to index
        %get3A_692 = arith.index_cast %mul3A_486 : i32 to index
        %get3A_693 = tpu.vector_load %arg7[%get3A_691, %get3A_692] {strides = array<i32>} : memref<32x768xf32, #tpu.memory_space<vmem>>, vector<1x16xf32>,
        %get3A_694 = vector.shape_cast %get3A_693 : vector<1x16xf32> to vector<16xf32>
        %mul3A_695 = arith.constant 27.7128124 : f32
        %mul3A_696 = vector.broadcast %mul3A_695 : f32 to vector<16xf32>
        %mul3A_697 = arith.mulf %get3A_694, %mul3A_696 : vector<16xf32>
        %add3A_698 = arith.addf %mul3A_697, %get3A_505 : vector<16xf32>
        %swap3A_699 = arith.constant 11 : i32
        %swap3A_700 = arith.index_cast %swap3A_699 : i32 to index
        %swap3A_701 = arith.index_cast %mul3A_486 : i32 to index
        %swap3A_702 = tpu.vector_load %arg11[%swap3A_700, %swap3A_701] {strides = array<i32>} : memref<32x768xf32, #tpu.memory_space<vmem>>, vector<1x16xf32>,
        %swap3A_703 = vector.shape_cast %swap3A_702 : vector<1x16xf32> to vector<16xf32>
        %swap3A_704 = vector.shape_cast %add3A_698 : vector<16xf32> to vector<1x16xf32>
        tpu.vector_store %arg11[%swap3A_700, %swap3A_701], %swap3A_704 {strides = array<i32>} : memref<32x768xf32, #tpu.memory_space<vmem>>, vector<1x16xf32>,
        %get3A_705 = arith.constant 12 : i32
        %get3A_706 = arith.index_cast %get3A_705 : i32 to index
        %get3A_707 = arith.index_cast %mul3A_486 : i32 to index
        %get3A_708 = tpu.vector_load %arg7[%get3A_706, %get3A_707] {strides = array<i32>} : memref<32x768xf32, #tpu.memory_space<vmem>>, vector<1x16xf32>,
        %get3A_709 = vector.shape_cast %get3A_708 : vector<1x16xf32> to vector<16xf32>
        %mul3A_710 = arith.constant 27.7128124 : f32
        %mul3A_711 = vector.broadcast %mul3A_710 : f32 to vector<16xf32>
        %mul3A_712 = arith.mulf %get3A_709, %mul3A_711 : vector<16xf32>
        %add3A_713 = arith.addf %mul3A_712, %get3A_510 : vector<16xf32>
        %swap3A_714 = arith.constant 12 : i32
        %swap3A_715 = arith.index_cast %swap3A_714 : i32 to index
        %swap3A_716 = arith.index_cast %mul3A_486 : i32 to index
        %swap3A_717 = tpu.vector_load %arg11[%swap3A_715, %swap3A_716] {strides = array<i32>} : memref<32x768xf32, #tpu.memory_space<vmem>>, vector<1x16xf32>,
        %swap3A_718 = vector.shape_cast %swap3A_717 : vector<1x16xf32> to vector<16xf32>
        %swap3A_719 = vector.shape_cast %add3A_713 : vector<16xf32> to vector<1x16xf32>
        tpu.vector_store %arg11[%swap3A_715, %swap3A_716], %swap3A_719 {strides = array<i32>} : memref<32x768xf32, #tpu.memory_space<vmem>>, vector<1x16xf32>,
        %get3A_720 = arith.constant 13 : i32
        %get3A_721 = arith.index_cast %get3A_720 : i32 to index
        %get3A_722 = arith.index_cast %mul3A_486 : i32 to index
        %get3A_723 = tpu.vector_load %arg7[%get3A_721, %get3A_722] {strides = array<i32>} : memref<32x768xf32, #tpu.memory_space<vmem>>, vector<1x16xf32>,
        %get3A_724 = vector.shape_cast %get3A_723 : vector<1x16xf32> to vector<16xf32>
        %mul3A_725 = arith.constant 27.7128124 : f32
        %mul3A_726 = vector.broadcast %mul3A_725 : f32 to vector<16xf32>
        %mul3A_727 = arith.mulf %get3A_724, %mul3A_726 : vector<16xf32>
        %add3A_728 = arith.addf %mul3A_727, %get3A_515 : vector<16xf32>
        %swap3A_729 = arith.constant 13 : i32
        %swap3A_730 = arith.index_cast %swap3A_729 : i32 to index
        %swap3A_731 = arith.index_cast %mul3A_486 : i32 to index
        %swap3A_732 = tpu.vector_load %arg11[%swap3A_730, %swap3A_731] {strides = array<i32>} : memref<32x768xf32, #tpu.memory_space<vmem>>, vector<1x16xf32>,
        %swap3A_733 = vector.shape_cast %swap3A_732 : vector<1x16xf32> to vector<16xf32>
        %swap3A_734 = vector.shape_cast %add3A_728 : vector<16xf32> to vector<1x16xf32>
        tpu.vector_store %arg11[%swap3A_730, %swap3A_731], %swap3A_734 {strides = array<i32>} : memref<32x768xf32, #tpu.memory_space<vmem>>, vector<1x16xf32>,
        %get3A_735 = arith.constant 14 : i32
        %get3A_736 = arith.index_cast %get3A_735 : i32 to index
        %get3A_737 = arith.index_cast %mul3A_486 : i32 to index
        %get3A_738 = tpu.vector_load %arg7[%get3A_736, %get3A_737] {strides = array<i32>} : memref<32x768xf32, #tpu.memory_space<vmem>>, vector<1x16xf32>,
        %get3A_739 = vector.shape_cast %get3A_738 : vector<1x16xf32> to vector<16xf32>
        %mul3A_740 = arith.constant 27.7128124 : f32
        %mul3A_741 = vector.broadcast %mul3A_740 : f32 to vector<16xf32>
        %mul3A_742 = arith.mulf %get3A_739, %mul3A_741 : vector<16xf32>
        %add3A_743 = arith.addf %mul3A_742, %get3A_520 : vector<16xf32>
        %swap3A_744 = arith.constant 14 : i32
        %swap3A_745 = arith.index_cast %swap3A_744 : i32 to index
        %swap3A_746 = arith.index_cast %mul3A_486 : i32 to index
        %swap3A_747 = tpu.vector_load %arg11[%swap3A_745, %swap3A_746] {strides = array<i32>} : memref<32x768xf32, #tpu.memory_space<vmem>>, vector<1x16xf32>,
        %swap3A_748 = vector.shape_cast %swap3A_747 : vector<1x16xf32> to vector<16xf32>
        %swap3A_749 = vector.shape_cast %add3A_743 : vector<16xf32> to vector<1x16xf32>
        tpu.vector_store %arg11[%swap3A_745, %swap3A_746], %swap3A_749 {strides = array<i32>} : memref<32x768xf32, #tpu.memory_space<vmem>>, vector<1x16xf32>,
        %get3A_750 = arith.constant 15 : i32
        %get3A_751 = arith.index_cast %get3A_750 : i32 to index
        %get3A_752 = arith.index_cast %mul3A_486 : i32 to index
        %get3A_753 = tpu.vector_load %arg7[%get3A_751, %get3A_752] {strides = array<i32>} : memref<32x768xf32, #tpu.memory_space<vmem>>, vector<1x16xf32>,
        %get3A_754 = vector.shape_cast %get3A_753 : vector<1x16xf32> to vector<16xf32>
        %mul3A_755 = arith.constant 27.7128124 : f32
        %mul3A_756 = vector.broadcast %mul3A_755 : f32 to vector<16xf32>
        %mul3A_757 = arith.mulf %get3A_754, %mul3A_756 : vector<16xf32>
        %add3A_758 = arith.addf %mul3A_757, %get3A_525 : vector<16xf32>
        %swap3A_759 = arith.constant 15 : i32
        %swap3A_760 = arith.index_cast %swap3A_759 : i32 to index
        %swap3A_761 = arith.index_cast %mul3A_486 : i32 to index
        %swap3A_762 = tpu.vector_load %arg11[%swap3A_760, %swap3A_761] {strides = array<i32>} : memref<32x768xf32, #tpu.memory_space<vmem>>, vector<1x16xf32>,
        %swap3A_763 = vector.shape_cast %swap3A_762 : vector<1x16xf32> to vector<16xf32>
        %swap3A_764 = vector.shape_cast %add3A_758 : vector<16xf32> to vector<1x16xf32>
        tpu.vector_store %arg11[%swap3A_760, %swap3A_761], %swap3A_764 {strides = array<i32>} : memref<32x768xf32, #tpu.memory_space<vmem>>, vector<1x16xf32>,
        %get3A_765 = arith.constant 16 : i32
        %get3A_766 = arith.index_cast %get3A_765 : i32 to index
        %get3A_767 = arith.index_cast %mul3A_486 : i32 to index
        %get3A_768 = tpu.vector_load %arg7[%get3A_766, %get3A_767] {strides = array<i32>} : memref<32x768xf32, #tpu.memory_space<vmem>>, vector<1x16xf32>,
        %get3A_769 = vector.shape_cast %get3A_768 : vector<1x16xf32> to vector<16xf32>
        %mul3A_770 = arith.constant 27.7128124 : f32
        %mul3A_771 = vector.broadcast %mul3A_770 : f32 to vector<16xf32>
        %mul3A_772 = arith.mulf %get3A_769, %mul3A_771 : vector<16xf32>
        %add3A_773 = arith.addf %mul3A_772, %get3A_490 : vector<16xf32>
        %swap3A_774 = arith.constant 16 : i32
        %swap3A_775 = arith.index_cast %swap3A_774 : i32 to index
        %swap3A_776 = arith.index_cast %mul3A_486 : i32 to index
        %swap3A_777 = tpu.vector_load %arg11[%swap3A_775, %swap3A_776] {strides = array<i32>} : memref<32x768xf32, #tpu.memory_space<vmem>>, vector<1x16xf32>,
        %swap3A_778 = vector.shape_cast %swap3A_777 : vector<1x16xf32> to vector<16xf32>
        %swap3A_779 = vector.shape_cast %add3A_773 : vector<16xf32> to vector<1x16xf32>
        tpu.vector_store %arg11[%swap3A_775, %swap3A_776], %swap3A_779 {strides = array<i32>} : memref<32x768xf32, #tpu.memory_space<vmem>>, vector<1x16xf32>,
        %get3A_780 = arith.constant 17 : i32
        %get3A_781 = arith.index_cast %get3A_780 : i32 to index
        %get3A_782 = arith.index_cast %mul3A_486 : i32 to index
        %get3A_783 = tpu.vector_load %arg7[%get3A_781, %get3A_782] {strides = array<i32>} : memref<32x768xf32, #tpu.memory_space<vmem>>, vector<1x16xf32>,
        %get3A_784 = vector.shape_cast %get3A_783 : vector<1x16xf32> to vector<16xf32>
        %mul3A_785 = arith.constant 27.7128124 : f32
        %mul3A_786 = vector.broadcast %mul3A_785 : f32 to vector<16xf32>
        %mul3A_787 = arith.mulf %get3A_784, %mul3A_786 : vector<16xf32>
        %add3A_788 = arith.addf %mul3A_787, %get3A_495 : vector<16xf32>
        %swap3A_789 = arith.constant 17 : i32
        %swap3A_790 = arith.index_cast %swap3A_789 : i32 to index
        %swap3A_791 = arith.index_cast %mul3A_486 : i32 to index
        %swap3A_792 = tpu.vector_load %arg11[%swap3A_790, %swap3A_791] {strides = array<i32>} : memref<32x768xf32, #tpu.memory_space<vmem>>, vector<1x16xf32>,
        %swap3A_793 = vector.shape_cast %swap3A_792 : vector<1x16xf32> to vector<16xf32>
        %swap3A_794 = vector.shape_cast %add3A_788 : vector<16xf32> to vector<1x16xf32>
        tpu.vector_store %arg11[%swap3A_790, %swap3A_791], %swap3A_794 {strides = array<i32>} : memref<32x768xf32, #tpu.memory_space<vmem>>, vector<1x16xf32>,
        %get3A_795 = arith.constant 18 : i32
        %get3A_796 = arith.index_cast %get3A_795 : i32 to index
        %get3A_797 = arith.index_cast %mul3A_486 : i32 to index
        %get3A_798 = tpu.vector_load %arg7[%get3A_796, %get3A_797] {strides = array<i32>} : memref<32x768xf32, #tpu.memory_space<vmem>>, vector<1x16xf32>,
        %get3A_799 = vector.shape_cast %get3A_798 : vector<1x16xf32> to vector<16xf32>
        %mul3A_800 = arith.constant 27.7128124 : f32
        %mul3A_801 = vector.broadcast %mul3A_800 : f32 to vector<16xf32>
        %mul3A_802 = arith.mulf %get3A_799, %mul3A_801 : vector<16xf32>
        %add3A_803 = arith.addf %mul3A_802, %get3A_500 : vector<16xf32>
        %swap3A_804 = arith.constant 18 : i32
        %swap3A_805 = arith.index_cast %swap3A_804 : i32 to index
        %swap3A_806 = arith.index_cast %mul3A_486 : i32 to index
        %swap3A_807 = tpu.vector_load %arg11[%swap3A_805, %swap3A_806] {strides = array<i32>} : memref<32x768xf32, #tpu.memory_space<vmem>>, vector<1x16xf32>,
        %swap3A_808 = vector.shape_cast %swap3A_807 : vector<1x16xf32> to vector<16xf32>
        %swap3A_809 = vector.shape_cast %add3A_803 : vector<16xf32> to vector<1x16xf32>
        tpu.vector_store %arg11[%swap3A_805, %swap3A_806], %swap3A_809 {strides = array<i32>} : memref<32x768xf32, #tpu.memory_space<vmem>>, vector<1x16xf32>,
        %get3A_810 = arith.constant 19 : i32
        %get3A_811 = arith.index_cast %get3A_810 : i32 to index
        %get3A_812 = arith.index_cast %mul3A_486 : i32 to index
        %get3A_813 = tpu.vector_load %arg7[%get3A_811, %get3A_812] {strides = array<i32>} : memref<32x768xf32, #tpu.memory_space<vmem>>, vector<1x16xf32>,
        %get3A_814 = vector.shape_cast %get3A_813 : vector<1x16xf32> to vector<16xf32>
        %mul3A_815 = arith.constant 27.7128124 : f32
        %mul3A_816 = vector.broadcast %mul3A_815 : f32 to vector<16xf32>
        %mul3A_817 = arith.mulf %get3A_814, %mul3A_816 : vector<16xf32>
        %add3A_818 = arith.addf %mul3A_817, %get3A_505 : vector<16xf32>
        %swap3A_819 = arith.constant 19 : i32
        %swap3A_820 = arith.index_cast %swap3A_819 : i32 to index
        %swap3A_821 = arith.index_cast %mul3A_486 : i32 to index
        %swap3A_822 = tpu.vector_load %arg11[%swap3A_820, %swap3A_821] {strides = array<i32>} : memref<32x768xf32, #tpu.memory_space<vmem>>, vector<1x16xf32>,
        %swap3A_823 = vector.shape_cast %swap3A_822 : vector<1x16xf32> to vector<16xf32>
        %swap3A_824 = vector.shape_cast %add3A_818 : vector<16xf32> to vector<1x16xf32>
        tpu.vector_store %arg11[%swap3A_820, %swap3A_821], %swap3A_824 {strides = array<i32>} : memref<32x768xf32, #tpu.memory_space<vmem>>, vector<1x16xf32>,
        %get3A_825 = arith.constant 20 : i32
        %get3A_826 = arith.index_cast %get3A_825 : i32 to index
        %get3A_827 = arith.index_cast %mul3A_486 : i32 to index
        %get3A_828 = tpu.vector_load %arg7[%get3A_826, %get3A_827] {strides = array<i32>} : memref<32x768xf32, #tpu.memory_space<vmem>>, vector<1x16xf32>,
        %get3A_829 = vector.shape_cast %get3A_828 : vector<1x16xf32> to vector<16xf32>
        %mul3A_830 = arith.constant 27.7128124 : f32
        %mul3A_831 = vector.broadcast %mul3A_830 : f32 to vector<16xf32>
        %mul3A_832 = arith.mulf %get3A_829, %mul3A_831 : vector<16xf32>
        %add3A_833 = arith.addf %mul3A_832, %get3A_510 : vector<16xf32>
        %swap3A_834 = arith.constant 20 : i32
        %swap3A_835 = arith.index_cast %swap3A_834 : i32 to index
        %swap3A_836 = arith.index_cast %mul3A_486 : i32 to index
        %swap3A_837 = tpu.vector_load %arg11[%swap3A_835, %swap3A_836] {strides = array<i32>} : memref<32x768xf32, #tpu.memory_space<vmem>>, vector<1x16xf32>,
        %swap3A_838 = vector.shape_cast %swap3A_837 : vector<1x16xf32> to vector<16xf32>
        %swap3A_839 = vector.shape_cast %add3A_833 : vector<16xf32> to vector<1x16xf32>
        tpu.vector_store %arg11[%swap3A_835, %swap3A_836], %swap3A_839 {strides = array<i32>} : memref<32x768xf32, #tpu.memory_space<vmem>>, vector<1x16xf32>,
        %get3A_840 = arith.constant 21 : i32
        %get3A_841 = arith.index_cast %get3A_840 : i32 to index
        %get3A_842 = arith.index_cast %mul3A_486 : i32 to index
        %get3A_843 = tpu.vector_load %arg7[%get3A_841, %get3A_842] {strides = array<i32>} : memref<32x768xf32, #tpu.memory_space<vmem>>, vector<1x16xf32>,
        %get3A_844 = vector.shape_cast %get3A_843 : vector<1x16xf32> to vector<16xf32>
        %mul3A_845 = arith.constant 27.7128124 : f32
        %mul3A_846 = vector.broadcast %mul3A_845 : f32 to vector<16xf32>
        %mul3A_847 = arith.mulf %get3A_844, %mul3A_846 : vector<16xf32>
        %add3A_848 = arith.addf %mul3A_847, %get3A_515 : vector<16xf32>
        %swap3A_849 = arith.constant 21 : i32
        %swap3A_850 = arith.index_cast %swap3A_849 : i32 to index
        %swap3A_851 = arith.index_cast %mul3A_486 : i32 to index
        %swap3A_852 = tpu.vector_load %arg11[%swap3A_850, %swap3A_851] {strides = array<i32>} : memref<32x768xf32, #tpu.memory_space<vmem>>, vector<1x16xf32>,
        %swap3A_853 = vector.shape_cast %swap3A_852 : vector<1x16xf32> to vector<16xf32>
        %swap3A_854 = vector.shape_cast %add3A_848 : vector<16xf32> to vector<1x16xf32>
        tpu.vector_store %arg11[%swap3A_850, %swap3A_851], %swap3A_854 {strides = array<i32>} : memref<32x768xf32, #tpu.memory_space<vmem>>, vector<1x16xf32>,
        %get3A_855 = arith.constant 22 : i32
        %get3A_856 = arith.index_cast %get3A_855 : i32 to index
        %get3A_857 = arith.index_cast %mul3A_486 : i32 to index
        %get3A_858 = tpu.vector_load %arg7[%get3A_856, %get3A_857] {strides = array<i32>} : memref<32x768xf32, #tpu.memory_space<vmem>>, vector<1x16xf32>,
        %get3A_859 = vector.shape_cast %get3A_858 : vector<1x16xf32> to vector<16xf32>
        %mul3A_860 = arith.constant 27.7128124 : f32
        %mul3A_861 = vector.broadcast %mul3A_860 : f32 to vector<16xf32>
        %mul3A_862 = arith.mulf %get3A_859, %mul3A_861 : vector<16xf32>
        %add3A_863 = arith.addf %mul3A_862, %get3A_520 : vector<16xf32>
        %swap3A_864 = arith.constant 22 : i32
        %swap3A_865 = arith.index_cast %swap3A_864 : i32 to index
        %swap3A_866 = arith.index_cast %mul3A_486 : i32 to index
        %swap3A_867 = tpu.vector_load %arg11[%swap3A_865, %swap3A_866] {strides = array<i32>} : memref<32x768xf32, #tpu.memory_space<vmem>>, vector<1x16xf32>,
        %swap3A_868 = vector.shape_cast %swap3A_867 : vector<1x16xf32> to vector<16xf32>
        %swap3A_869 = vector.shape_cast %add3A_863 : vector<16xf32> to vector<1x16xf32>
        tpu.vector_store %arg11[%swap3A_865, %swap3A_866], %swap3A_869 {strides = array<i32>} : memref<32x768xf32, #tpu.memory_space<vmem>>, vector<1x16xf32>,
        %get3A_870 = arith.constant 23 : i32
        %get3A_871 = arith.index_cast %get3A_870 : i32 to index
        %get3A_872 = arith.index_cast %mul3A_486 : i32 to index
        %get3A_873 = tpu.vector_load %arg7[%get3A_871, %get3A_872] {strides = array<i32>} : memref<32x768xf32, #tpu.memory_space<vmem>>, vector<1x16xf32>,
        %get3A_874 = vector.shape_cast %get3A_873 : vector<1x16xf32> to vector<16xf32>
        %mul3A_875 = arith.constant 27.7128124 : f32
        %mul3A_876 = vector.broadcast %mul3A_875 : f32 to vector<16xf32>
        %mul3A_877 = arith.mulf %get3A_874, %mul3A_876 : vector<16xf32>
        %add3A_878 = arith.addf %mul3A_877, %get3A_525 : vector<16xf32>
        %swap3A_879 = arith.constant 23 : i32
        %swap3A_880 = arith.index_cast %swap3A_879 : i32 to index
        %swap3A_881 = arith.index_cast %mul3A_486 : i32 to index
        %swap3A_882 = tpu.vector_load %arg11[%swap3A_880, %swap3A_881] {strides = array<i32>} : memref<32x768xf32, #tpu.memory_space<vmem>>, vector<1x16xf32>,
        %swap3A_883 = vector.shape_cast %swap3A_882 : vector<1x16xf32> to vector<16xf32>
        %swap3A_884 = vector.shape_cast %add3A_878 : vector<16xf32> to vector<1x16xf32>
        tpu.vector_store %arg11[%swap3A_880, %swap3A_881], %swap3A_884 {strides = array<i32>} : memref<32x768xf32, #tpu.memory_space<vmem>>, vector<1x16xf32>,
        %get3A_885 = arith.constant 24 : i32
        %get3A_886 = arith.index_cast %get3A_885 : i32 to index
        %get3A_887 = arith.index_cast %mul3A_486 : i32 to index
        %get3A_888 = tpu.vector_load %arg7[%get3A_886, %get3A_887] {strides = array<i32>} : memref<32x768xf32, #tpu.memory_space<vmem>>, vector<1x16xf32>,
        %get3A_889 = vector.shape_cast %get3A_888 : vector<1x16xf32> to vector<16xf32>
        %mul3A_890 = arith.constant 27.7128124 : f32
        %mul3A_891 = vector.broadcast %mul3A_890 : f32 to vector<16xf32>
        %mul3A_892 = arith.mulf %get3A_889, %mul3A_891 : vector<16xf32>
        %add3A_893 = arith.addf %mul3A_892, %get3A_490 : vector<16xf32>
        %swap3A_894 = arith.constant 24 : i32
        %swap3A_895 = arith.index_cast %swap3A_894 : i32 to index
        %swap3A_896 = arith.index_cast %mul3A_486 : i32 to index
        %swap3A_897 = tpu.vector_load %arg11[%swap3A_895, %swap3A_896] {strides = array<i32>} : memref<32x768xf32, #tpu.memory_space<vmem>>, vector<1x16xf32>,
        %swap3A_898 = vector.shape_cast %swap3A_897 : vector<1x16xf32> to vector<16xf32>
        %swap3A_899 = vector.shape_cast %add3A_893 : vector<16xf32> to vector<1x16xf32>
        tpu.vector_store %arg11[%swap3A_895, %swap3A_896], %swap3A_899 {strides = array<i32>} : memref<32x768xf32, #tpu.memory_space<vmem>>, vector<1x16xf32>,
        %get3A_900 = arith.constant 25 : i32
        %get3A_901 = arith.index_cast %get3A_900 : i32 to index
        %get3A_902 = arith.index_cast %mul3A_486 : i32 to index
        %get3A_903 = tpu.vector_load %arg7[%get3A_901, %get3A_902] {strides = array<i32>} : memref<32x768xf32, #tpu.memory_space<vmem>>, vector<1x16xf32>,
        %get3A_904 = vector.shape_cast %get3A_903 : vector<1x16xf32> to vector<16xf32>
        %mul3A_905 = arith.constant 27.7128124 : f32
        %mul3A_906 = vector.broadcast %mul3A_905 : f32 to vector<16xf32>
        %mul3A_907 = arith.mulf %get3A_904, %mul3A_906 : vector<16xf32>
        %add3A_908 = arith.addf %mul3A_907, %get3A_495 : vector<16xf32>
        %swap3A_909 = arith.constant 25 : i32
        %swap3A_910 = arith.index_cast %swap3A_909 : i32 to index
        %swap3A_911 = arith.index_cast %mul3A_486 : i32 to index
        %swap3A_912 = tpu.vector_load %arg11[%swap3A_910, %swap3A_911] {strides = array<i32>} : memref<32x768xf32, #tpu.memory_space<vmem>>, vector<1x16xf32>,
        %swap3A_913 = vector.shape_cast %swap3A_912 : vector<1x16xf32> to vector<16xf32>
        %swap3A_914 = vector.shape_cast %add3A_908 : vector<16xf32> to vector<1x16xf32>
        tpu.vector_store %arg11[%swap3A_910, %swap3A_911], %swap3A_914 {strides = array<i32>} : memref<32x768xf32, #tpu.memory_space<vmem>>, vector<1x16xf32>,
        %get3A_915 = arith.constant 26 : i32
        %get3A_916 = arith.index_cast %get3A_915 : i32 to index
        %get3A_917 = arith.index_cast %mul3A_486 : i32 to index
        %get3A_918 = tpu.vector_load %arg7[%get3A_916, %get3A_917] {strides = array<i32>} : memref<32x768xf32, #tpu.memory_space<vmem>>, vector<1x16xf32>,
        %get3A_919 = vector.shape_cast %get3A_918 : vector<1x16xf32> to vector<16xf32>
        %mul3A_920 = arith.constant 27.7128124 : f32
        %mul3A_921 = vector.broadcast %mul3A_920 : f32 to vector<16xf32>
        %mul3A_922 = arith.mulf %get3A_919, %mul3A_921 : vector<16xf32>
        %add3A_923 = arith.addf %mul3A_922, %get3A_500 : vector<16xf32>
        %swap3A_924 = arith.constant 26 : i32
        %swap3A_925 = arith.index_cast %swap3A_924 : i32 to index
        %swap3A_926 = arith.index_cast %mul3A_486 : i32 to index
        %swap3A_927 = tpu.vector_load %arg11[%swap3A_925, %swap3A_926] {strides = array<i32>} : memref<32x768xf32, #tpu.memory_space<vmem>>, vector<1x16xf32>,
        %swap3A_928 = vector.shape_cast %swap3A_927 : vector<1x16xf32> to vector<16xf32>
        %swap3A_929 = vector.shape_cast %add3A_923 : vector<16xf32> to vector<1x16xf32>
        tpu.vector_store %arg11[%swap3A_925, %swap3A_926], %swap3A_929 {strides = array<i32>} : memref<32x768xf32, #tpu.memory_space<vmem>>, vector<1x16xf32>,
        %get3A_930 = arith.constant 27 : i32
        %get3A_931 = arith.index_cast %get3A_930 : i32 to index
        %get3A_932 = arith.index_cast %mul3A_486 : i32 to index
        %get3A_933 = tpu.vector_load %arg7[%get3A_931, %get3A_932] {strides = array<i32>} : memref<32x768xf32, #tpu.memory_space<vmem>>, vector<1x16xf32>,
        %get3A_934 = vector.shape_cast %get3A_933 : vector<1x16xf32> to vector<16xf32>
        %mul3A_935 = arith.constant 27.7128124 : f32
        %mul3A_936 = vector.broadcast %mul3A_935 : f32 to vector<16xf32>
        %mul3A_937 = arith.mulf %get3A_934, %mul3A_936 : vector<16xf32>
        %add3A_938 = arith.addf %mul3A_937, %get3A_505 : vector<16xf32>
        %swap3A_939 = arith.constant 27 : i32
        %swap3A_940 = arith.index_cast %swap3A_939 : i32 to index
        %swap3A_941 = arith.index_cast %mul3A_486 : i32 to index
        %swap3A_942 = tpu.vector_load %arg11[%swap3A_940, %swap3A_941] {strides = array<i32>} : memref<32x768xf32, #tpu.memory_space<vmem>>, vector<1x16xf32>,
        %swap3A_943 = vector.shape_cast %swap3A_942 : vector<1x16xf32> to vector<16xf32>
        %swap3A_944 = vector.shape_cast %add3A_938 : vector<16xf32> to vector<1x16xf32>
        tpu.vector_store %arg11[%swap3A_940, %swap3A_941], %swap3A_944 {strides = array<i32>} : memref<32x768xf32, #tpu.memory_space<vmem>>, vector<1x16xf32>,
        %get3A_945 = arith.constant 28 : i32
        %get3A_946 = arith.index_cast %get3A_945 : i32 to index
        %get3A_947 = arith.index_cast %mul3A_486 : i32 to index
        %get3A_948 = tpu.vector_load %arg7[%get3A_946, %get3A_947] {strides = array<i32>} : memref<32x768xf32, #tpu.memory_space<vmem>>, vector<1x16xf32>,
        %get3A_949 = vector.shape_cast %get3A_948 : vector<1x16xf32> to vector<16xf32>
        %mul3A_950 = arith.constant 27.7128124 : f32
        %mul3A_951 = vector.broadcast %mul3A_950 : f32 to vector<16xf32>
        %mul3A_952 = arith.mulf %get3A_949, %mul3A_951 : vector<16xf32>
        %add3A_953 = arith.addf %mul3A_952, %get3A_510 : vector<16xf32>
        %swap3A_954 = arith.constant 28 : i32
        %swap3A_955 = arith.index_cast %swap3A_954 : i32 to index
        %swap3A_956 = arith.index_cast %mul3A_486 : i32 to index
        %swap3A_957 = tpu.vector_load %arg11[%swap3A_955, %swap3A_956] {strides = array<i32>} : memref<32x768xf32, #tpu.memory_space<vmem>>, vector<1x16xf32>,
        %swap3A_958 = vector.shape_cast %swap3A_957 : vector<1x16xf32> to vector<16xf32>
        %swap3A_959 = vector.shape_cast %add3A_953 : vector<16xf32> to vector<1x16xf32>
        tpu.vector_store %arg11[%swap3A_955, %swap3A_956], %swap3A_959 {strides = array<i32>} : memref<32x768xf32, #tpu.memory_space<vmem>>, vector<1x16xf32>,
        %get3A_960 = arith.constant 29 : i32
        %get3A_961 = arith.index_cast %get3A_960 : i32 to index
        %get3A_962 = arith.index_cast %mul3A_486 : i32 to index
        %get3A_963 = tpu.vector_load %arg7[%get3A_961, %get3A_962] {strides = array<i32>} : memref<32x768xf32, #tpu.memory_space<vmem>>, vector<1x16xf32>,
        %get3A_964 = vector.shape_cast %get3A_963 : vector<1x16xf32> to vector<16xf32>
        %mul3A_965 = arith.constant 27.7128124 : f32
        %mul3A_966 = vector.broadcast %mul3A_965 : f32 to vector<16xf32>
        %mul3A_967 = arith.mulf %get3A_964, %mul3A_966 : vector<16xf32>
        %add3A_968 = arith.addf %mul3A_967, %get3A_515 : vector<16xf32>
        %swap3A_969 = arith.constant 29 : i32
        %swap3A_970 = arith.index_cast %swap3A_969 : i32 to index
        %swap3A_971 = arith.index_cast %mul3A_486 : i32 to index
        %swap3A_972 = tpu.vector_load %arg11[%swap3A_970, %swap3A_971] {strides = array<i32>} : memref<32x768xf32, #tpu.memory_space<vmem>>, vector<1x16xf32>,
        %swap3A_973 = vector.shape_cast %swap3A_972 : vector<1x16xf32> to vector<16xf32>
        %swap3A_974 = vector.shape_cast %add3A_968 : vector<16xf32> to vector<1x16xf32>
        tpu.vector_store %arg11[%swap3A_970, %swap3A_971], %swap3A_974 {strides = array<i32>} : memref<32x768xf32, #tpu.memory_space<vmem>>, vector<1x16xf32>,
        %get3A_975 = arith.constant 30 : i32
        %get3A_976 = arith.index_cast %get3A_975 : i32 to index
        %get3A_977 = arith.index_cast %mul3A_486 : i32 to index
        %get3A_978 = tpu.vector_load %arg7[%get3A_976, %get3A_977] {strides = array<i32>} : memref<32x768xf32, #tpu.memory_space<vmem>>, vector<1x16xf32>,
        %get3A_979 = vector.shape_cast %get3A_978 : vector<1x16xf32> to vector<16xf32>
        %mul3A_980 = arith.constant 27.7128124 : f32
        %mul3A_981 = vector.broadcast %mul3A_980 : f32 to vector<16xf32>
        %mul3A_982 = arith.mulf %get3A_979, %mul3A_981 : vector<16xf32>
        %add3A_983 = arith.addf %mul3A_982, %get3A_520 : vector<16xf32>
        %swap3A_984 = arith.constant 30 : i32
        %swap3A_985 = arith.index_cast %swap3A_984 : i32 to index
        %swap3A_986 = arith.index_cast %mul3A_486 : i32 to index
        %swap3A_987 = tpu.vector_load %arg11[%swap3A_985, %swap3A_986] {strides = array<i32>} : memref<32x768xf32, #tpu.memory_space<vmem>>, vector<1x16xf32>,
        %swap3A_988 = vector.shape_cast %swap3A_987 : vector<1x16xf32> to vector<16xf32>
        %swap3A_989 = vector.shape_cast %add3A_983 : vector<16xf32> to vector<1x16xf32>
        tpu.vector_store %arg11[%swap3A_985, %swap3A_986], %swap3A_989 {strides = array<i32>} : memref<32x768xf32, #tpu.memory_space<vmem>>, vector<1x16xf32>,
        %get3A_990 = arith.constant 31 : i32
        %get3A_991 = arith.index_cast %get3A_990 : i32 to index
        %get3A_992 = arith.index_cast %mul3A_486 : i32 to index
        %get3A_993 = tpu.vector_load %arg7[%get3A_991, %get3A_992] {strides = array<i32>} : memref<32x768xf32, #tpu.memory_space<vmem>>, vector<1x16xf32>,
        %get3A_994 = vector.shape_cast %get3A_993 : vector<1x16xf32> to vector<16xf32>
        %mul3A_995 = arith.constant 27.7128124 : f32
        %mul3A_996 = vector.broadcast %mul3A_995 : f32 to vector<16xf32>
        %mul3A_997 = arith.mulf %get3A_994, %mul3A_996 : vector<16xf32>
        %add3A_998 = arith.addf %mul3A_997, %get3A_525 : vector<16xf32>
        %swap3A_999 = arith.constant 31 : i32
        %swap3A_1000 = arith.index_cast %swap3A_999 : i32 to index
        %swap3A_1001 = arith.index_cast %mul3A_486 : i32 to index
        %swap3A_1002 = tpu.vector_load %arg11[%swap3A_1000, %swap3A_1001] {strides = array<i32>} : memref<32x768xf32, #tpu.memory_space<vmem>>, vector<1x16xf32>,
        %swap3A_1003 = vector.shape_cast %swap3A_1002 : vector<1x16xf32> to vector<16xf32>
        %swap3A_1004 = vector.shape_cast %add3A_998 : vector<16xf32> to vector<1x16xf32>
        tpu.vector_store %arg11[%swap3A_1000, %swap3A_1001], %swap3A_1004 {strides = array<i32>} : memref<32x768xf32, #tpu.memory_space<vmem>>, vector<1x16xf32>,
        %scan3A_1005 = arith.constant 0 : i32
        scf.yield %scan3A_1005 : i32
      }
      %scan3A_281 = arith.constant 48 : i32
      %add3A_282 = arith.constant 0 : i32
      %add3A_283 = arith.addi %add3A_282, %mul3A_2 : i32
      %mul3A_284 = arith.constant 8 : i32
      %mul3A_285 = arith.muli %mul3A_221, %mul3A_284 : i32
      %add3A_286 = arith.addi %add3A_283, %mul3A_285 : i32
      %dma_start3A_287 = arith.constant 0 : i32
      %dma_start3A_288 = arith.constant 0 : i32
      %dma_start3A_289 = tpu.memref_slice %arg11[%dma_start3A_287, %dma_start3A_288] : memref<32x768xf32, #tpu.memory_space<vmem>> -> memref<8x768xf32, #tpu.memory_space<vmem>>
      %dma_start3A_290 = arith.constant 0 : i32
      %dma_start3A_291 = tpu.memref_slice %arg5[%add3A_286, %dma_start3A_290] : memref<32768x768xf32, #tpu.memory_space<hbm>> -> memref<8x768xf32, #tpu.memory_space<hbm>>
      %dma_start3A_292 = arith.constant 0 : i32
      %dma_start3A_293 = tpu.memref_slice %arg5[%add3A_286, %dma_start3A_292] : memref<32768x768xf32, #tpu.memory_space<hbm>> -> memref<8x768xf32, #tpu.memory_space<hbm>>
      %dma_start3A_294 = arith.constant 0 : i32
      %dma_start3A_295 = arith.constant 0 : i32
      %dma_start3A_296 = tpu.memref_slice %arg11[%dma_start3A_294, %dma_start3A_295] : memref<32x768xf32, #tpu.memory_space<vmem>> -> memref<8x768xf32, #tpu.memory_space<vmem>>
      tpu.enqueue_dma source(%dma_start3A_296 : memref<8x768xf32, #tpu.memory_space<vmem>>) target(%dma_start3A_293 : memref<8x768xf32, #tpu.memory_space<hbm>>) target_semaphore(%arg17 : memref<!tpu.dma_semaphore, #tpu.memory_space<semaphore_mem>>)
      %add3A_297 = arith.constant 8192 : i32
      %add3A_298 = arith.addi %add3A_297, %mul3A_2 : i32
      %mul3A_299 = arith.constant 8 : i32
      %mul3A_300 = arith.muli %mul3A_221, %mul3A_299 : i32
      %add3A_301 = arith.addi %add3A_298, %mul3A_300 : i32
      %dma_start3A_302 = arith.constant 8 : i32
      %dma_start3A_303 = arith.constant 0 : i32
      %dma_start3A_304 = tpu.memref_slice %arg11[%dma_start3A_302, %dma_start3A_303] : memref<32x768xf32, #tpu.memory_space<vmem>> -> memref<8x768xf32, #tpu.memory_space<vmem>>
      %dma_start3A_305 = arith.constant 0 : i32
      %dma_start3A_306 = tpu.memref_slice %arg5[%add3A_301, %dma_start3A_305] : memref<32768x768xf32, #tpu.memory_space<hbm>> -> memref<8x768xf32, #tpu.memory_space<hbm>>
      %dma_start3A_307 = arith.constant 0 : i32
      %dma_start3A_308 = tpu.memref_slice %arg5[%add3A_301, %dma_start3A_307] : memref<32768x768xf32, #tpu.memory_space<hbm>> -> memref<8x768xf32, #tpu.memory_space<hbm>>
      %dma_start3A_309 = arith.constant 8 : i32
      %dma_start3A_310 = arith.constant 0 : i32
      %dma_start3A_311 = tpu.memref_slice %arg11[%dma_start3A_309, %dma_start3A_310] : memref<32x768xf32, #tpu.memory_space<vmem>> -> memref<8x768xf32, #tpu.memory_space<vmem>>
      tpu.enqueue_dma source(%dma_start3A_311 : memref<8x768xf32, #tpu.memory_space<vmem>>) target(%dma_start3A_308 : memref<8x768xf32, #tpu.memory_space<hbm>>) target_semaphore(%arg17 : memref<!tpu.dma_semaphore, #tpu.memory_space<semaphore_mem>>)
      %add3A_312 = arith.constant 16384 : i32
      %add3A_313 = arith.addi %add3A_312, %mul3A_2 : i32
      %mul3A_314 = arith.constant 8 : i32
      %mul3A_315 = arith.muli %mul3A_221, %mul3A_314 : i32
      %add3A_316 = arith.addi %add3A_313, %mul3A_315 : i32
      %dma_start3A_317 = arith.constant 16 : i32
      %dma_start3A_318 = arith.constant 0 : i32
      %dma_start3A_319 = tpu.memref_slice %arg11[%dma_start3A_317, %dma_start3A_318] : memref<32x768xf32, #tpu.memory_space<vmem>> -> memref<8x768xf32, #tpu.memory_space<vmem>>
      %dma_start3A_320 = arith.constant 0 : i32
      %dma_start3A_321 = tpu.memref_slice %arg5[%add3A_316, %dma_start3A_320] : memref<32768x768xf32, #tpu.memory_space<hbm>> -> memref<8x768xf32, #tpu.memory_space<hbm>>
      %dma_start3A_322 = arith.constant 0 : i32
      %dma_start3A_323 = tpu.memref_slice %arg5[%add3A_316, %dma_start3A_322] : memref<32768x768xf32, #tpu.memory_space<hbm>> -> memref<8x768xf32, #tpu.memory_space<hbm>>
      %dma_start3A_324 = arith.constant 16 : i32
      %dma_start3A_325 = arith.constant 0 : i32
      %dma_start3A_326 = tpu.memref_slice %arg11[%dma_start3A_324, %dma_start3A_325] : memref<32x768xf32, #tpu.memory_space<vmem>> -> memref<8x768xf32, #tpu.memory_space<vmem>>
      tpu.enqueue_dma source(%dma_start3A_326 : memref<8x768xf32, #tpu.memory_space<vmem>>) target(%dma_start3A_323 : memref<8x768xf32, #tpu.memory_space<hbm>>) target_semaphore(%arg17 : memref<!tpu.dma_semaphore, #tpu.memory_space<semaphore_mem>>)
      %add3A_327 = arith.constant 24576 : i32
      %add3A_328 = arith.addi %add3A_327, %mul3A_2 : i32
      %mul3A_329 = arith.constant 8 : i32
      %mul3A_330 = arith.muli %mul3A_221, %mul3A_329 : i32
      %add3A_331 = arith.addi %add3A_328, %mul3A_330 : i32
      %dma_start3A_332 = arith.constant 24 : i32
      %dma_start3A_333 = arith.constant 0 : i32
      %dma_start3A_334 = tpu.memref_slice %arg11[%dma_start3A_332, %dma_start3A_333] : memref<32x768xf32, #tpu.memory_space<vmem>> -> memref<8x768xf32, #tpu.memory_space<vmem>>
      %dma_start3A_335 = arith.constant 0 : i32
      %dma_start3A_336 = tpu.memref_slice %arg5[%add3A_331, %dma_start3A_335] : memref<32768x768xf32, #tpu.memory_space<hbm>> -> memref<8x768xf32, #tpu.memory_space<hbm>>
      %dma_start3A_337 = arith.constant 0 : i32
      %dma_start3A_338 = tpu.memref_slice %arg5[%add3A_331, %dma_start3A_337] : memref<32768x768xf32, #tpu.memory_space<hbm>> -> memref<8x768xf32, #tpu.memory_space<hbm>>
      %dma_start3A_339 = arith.constant 24 : i32
      %dma_start3A_340 = arith.constant 0 : i32
      %dma_start3A_341 = tpu.memref_slice %arg11[%dma_start3A_339, %dma_start3A_340] : memref<32x768xf32, #tpu.memory_space<vmem>> -> memref<8x768xf32, #tpu.memory_space<vmem>>
      tpu.enqueue_dma source(%dma_start3A_341 : memref<8x768xf32, #tpu.memory_space<vmem>>) target(%dma_start3A_338 : memref<8x768xf32, #tpu.memory_space<hbm>>) target_semaphore(%arg17 : memref<!tpu.dma_semaphore, #tpu.memory_space<semaphore_mem>>)
      %add3A_342 = arith.constant 2 : i32
      %add3A_343 = arith.addi %mul3A_221, %add3A_342 : i32
      %lt3A = arith.constant 32 : i32
      %lt3A_344 = arith.cmpi slt, %add3A_343, %lt3A : i32
      %convert_element_type3A_345 = arith.extui %lt3A_344 : i1 to i32
      %cond3A_346 = arith.constant 0 : i32
      %cond3A_347 = arith.cmpi ne, %convert_element_type3A_345, %cond3A_346 : i32
      scf.if %cond3A_347 {
        %add3A_483 = arith.constant 2 : i32
        %add3A_484 = arith.addi %mul3A_221, %add3A_483 : i32
        %mul3A_485 = arith.constant 8 : i32
        %mul3A_486 = arith.muli %add3A_484, %mul3A_485 : i32
        %dma_start3A_487 = arith.constant 0 : i32
        %dma_start3A_488 = arith.constant 0 : i32
        %dma_start3A_489 = arith.constant 0 : i32
        %dma_start3A_490 = tpu.memref_slice %arg7[%dma_start3A_488, %dma_start3A_489] : memref<32x768xf32, #tpu.memory_space<vmem>> -> memref<8x768xf32, #tpu.memory_space<vmem>>
        %dma_start3A_491 = tpu.memref_slice %arg6[%dma_start3A_487, %mul3A_486] : memref<4x256xi32, #tpu.memory_space<vmem>> -> memref<1x8xi32, #tpu.memory_space<vmem>>
        %dma_start3A_492 = tpu.memref_squeeze %dma_start3A_491 : memref<1x8xi32, #tpu.memory_space<vmem>> -> memref<8xi32, #tpu.memory_space<vmem>>
        %dma_start3A_493 = arith.constant 0 : i32
        %dma_start3A_494 = arith.constant 0 : i32
        %dma_start3A_495 = tpu.memref_slice %arg4[%dma_start3A_493, %dma_start3A_494] : memref<100000x768xf32, #tpu.memory_space<hbm>> -> memref<100000x768xf32, #tpu.memory_space<hbm>>
        tpu.enqueue_indirect_dma source(%dma_start3A_495 : memref<100000x768xf32, #tpu.memory_space<hbm>>) target(%dma_start3A_490 : memref<8x768xf32, #tpu.memory_space<vmem>>) offsets(%dma_start3A_492 : memref<8xi32, #tpu.memory_space<vmem>>) semaphore(%arg13 : memref<!tpu.dma_semaphore, #tpu.memory_space<semaphore_mem>>)
        %mul3A_496 = arith.constant 8 : i32
        %mul3A_497 = arith.muli %add3A_484, %mul3A_496 : i32
        %dma_start3A_498 = arith.constant 1 : i32
        %dma_start3A_499 = arith.constant 8 : i32
        %dma_start3A_500 = arith.constant 0 : i32
        %dma_start3A_501 = tpu.memref_slice %arg7[%dma_start3A_499, %dma_start3A_500] : memref<32x768xf32, #tpu.memory_space<vmem>> -> memref<8x768xf32, #tpu.memory_space<vmem>>
        %dma_start3A_502 = tpu.memref_slice %arg6[%dma_start3A_498, %mul3A_497] : memref<4x256xi32, #tpu.memory_space<vmem>> -> memref<1x8xi32, #tpu.memory_space<vmem>>
        %dma_start3A_503 = tpu.memref_squeeze %dma_start3A_502 : memref<1x8xi32, #tpu.memory_space<vmem>> -> memref<8xi32, #tpu.memory_space<vmem>>
        %dma_start3A_504 = arith.constant 0 : i32
        %dma_start3A_505 = arith.constant 0 : i32
        %dma_start3A_506 = tpu.memref_slice %arg4[%dma_start3A_504, %dma_start3A_505] : memref<100000x768xf32, #tpu.memory_space<hbm>> -> memref<100000x768xf32, #tpu.memory_space<hbm>>
        tpu.enqueue_indirect_dma source(%dma_start3A_506 : memref<100000x768xf32, #tpu.memory_space<hbm>>) target(%dma_start3A_501 : memref<8x768xf32, #tpu.memory_space<vmem>>) offsets(%dma_start3A_503 : memref<8xi32, #tpu.memory_space<vmem>>) semaphore(%arg13 : memref<!tpu.dma_semaphore, #tpu.memory_space<semaphore_mem>>)
        %mul3A_507 = arith.constant 8 : i32
        %mul3A_508 = arith.muli %add3A_484, %mul3A_507 : i32
        %dma_start3A_509 = arith.constant 2 : i32
        %dma_start3A_510 = arith.constant 16 : i32
        %dma_start3A_511 = arith.constant 0 : i32
        %dma_start3A_512 = tpu.memref_slice %arg7[%dma_start3A_510, %dma_start3A_511] : memref<32x768xf32, #tpu.memory_space<vmem>> -> memref<8x768xf32, #tpu.memory_space<vmem>>
        %dma_start3A_513 = tpu.memref_slice %arg6[%dma_start3A_509, %mul3A_508] : memref<4x256xi32, #tpu.memory_space<vmem>> -> memref<1x8xi32, #tpu.memory_space<vmem>>
        %dma_start3A_514 = tpu.memref_squeeze %dma_start3A_513 : memref<1x8xi32, #tpu.memory_space<vmem>> -> memref<8xi32, #tpu.memory_space<vmem>>
        %dma_start3A_515 = arith.constant 0 : i32
        %dma_start3A_516 = arith.constant 0 : i32
        %dma_start3A_517 = tpu.memref_slice %arg4[%dma_start3A_515, %dma_start3A_516] : memref<100000x768xf32, #tpu.memory_space<hbm>> -> memref<100000x768xf32, #tpu.memory_space<hbm>>
        tpu.enqueue_indirect_dma source(%dma_start3A_517 : memref<100000x768xf32, #tpu.memory_space<hbm>>) target(%dma_start3A_512 : memref<8x768xf32, #tpu.memory_space<vmem>>) offsets(%dma_start3A_514 : memref<8xi32, #tpu.memory_space<vmem>>) semaphore(%arg13 : memref<!tpu.dma_semaphore, #tpu.memory_space<semaphore_mem>>)
        %mul3A_518 = arith.constant 8 : i32
        %mul3A_519 = arith.muli %add3A_484, %mul3A_518 : i32
        %dma_start3A_520 = arith.constant 3 : i32
        %dma_start3A_521 = arith.constant 24 : i32
        %dma_start3A_522 = arith.constant 0 : i32
        %dma_start3A_523 = tpu.memref_slice %arg7[%dma_start3A_521, %dma_start3A_522] : memref<32x768xf32, #tpu.memory_space<vmem>> -> memref<8x768xf32, #tpu.memory_space<vmem>>
        %dma_start3A_524 = tpu.memref_slice %arg6[%dma_start3A_520, %mul3A_519] : memref<4x256xi32, #tpu.memory_space<vmem>> -> memref<1x8xi32, #tpu.memory_space<vmem>>
        %dma_start3A_525 = tpu.memref_squeeze %dma_start3A_524 : memref<1x8xi32, #tpu.memory_space<vmem>> -> memref<8xi32, #tpu.memory_space<vmem>>
        %dma_start3A_526 = arith.constant 0 : i32
        %dma_start3A_527 = arith.constant 0 : i32
        %dma_start3A_528 = tpu.memref_slice %arg4[%dma_start3A_526, %dma_start3A_527] : memref<100000x768xf32, #tpu.memory_space<hbm>> -> memref<100000x768xf32, #tpu.memory_space<hbm>>
        tpu.enqueue_indirect_dma source(%dma_start3A_528 : memref<100000x768xf32, #tpu.memory_space<hbm>>) target(%dma_start3A_523 : memref<8x768xf32, #tpu.memory_space<vmem>>) offsets(%dma_start3A_525 : memref<8xi32, #tpu.memory_space<vmem>>) semaphore(%arg13 : memref<!tpu.dma_semaphore, #tpu.memory_space<semaphore_mem>>)
        %mul3A_529 = arith.constant 8 : i32
        %mul3A_530 = arith.muli %add3A_484, %mul3A_529 : i32
        %add3A_531 = arith.addi %mul3A_2, %mul3A_530 : i32
        %dma_start3A_532 = arith.constant 0 : i32
        %dma_start3A_533 = tpu.memref_slice %arg3[%add3A_531, %dma_start3A_532] : memref<8192x768xf32, #tpu.memory_space<hbm>> -> memref<8x768xf32, #tpu.memory_space<hbm>>
        %dma_start3A_534 = arith.constant 0 : i32
        %dma_start3A_535 = tpu.memref_slice %arg3[%add3A_531, %dma_start3A_534] : memref<8192x768xf32, #tpu.memory_space<hbm>> -> memref<8x768xf32, #tpu.memory_space<hbm>>
        tpu.enqueue_dma source(%dma_start3A_535 : memref<8x768xf32, #tpu.memory_space<hbm>>) target(%arg9 : memref<8x768xf32, #tpu.memory_space<vmem>>) target_semaphore(%arg15 : memref<!tpu.dma_semaphore, #tpu.memory_space<semaphore_mem>>)
      } else {
      }
      %mul3A_348 = arith.constant 2 : i32
      %mul3A_349 = arith.muli %scan3A_218, %mul3A_348 : i32
      %add3A_350 = arith.constant 1 : i32
      %add3A_351 = arith.addi %mul3A_349, %add3A_350 : i32
      %mul3A_352 = arith.constant 8 : i32
      %mul3A_353 = arith.muli %add3A_351, %mul3A_352 : i32
      %dma_wait3A_354 = arith.constant 0 : i32
      %dma_wait3A_355 = arith.constant 0 : i32
      %dma_wait3A_356 = arith.constant 0 : i32
      %dma_wait3A_357 = tpu.memref_slice %arg8[%dma_wait3A_355, %dma_wait3A_356] : memref<32x768xf32, #tpu.memory_space<vmem>> -> memref<8x768xf32, #tpu.memory_space<vmem>>
      %dma_wait3A_358 = tpu.memref_slice %arg6[%dma_wait3A_354, %mul3A_353] : memref<4x256xi32, #tpu.memory_space<vmem>> -> memref<1x8xi32, #tpu.memory_space<vmem>>
      %dma_wait3A_359 = tpu.memref_squeeze %dma_wait3A_358 : memref<1x8xi32, #tpu.memory_space<vmem>> -> memref<8xi32, #tpu.memory_space<vmem>>
      %dma_wait3A_360 = arith.constant 0 : i32
      %dma_wait3A_361 = arith.constant 0 : i32
      %dma_wait3A_362 = tpu.memref_slice %arg4[%dma_wait3A_360, %dma_wait3A_361] : memref<100000x768xf32, #tpu.memory_space<hbm>> -> memref<100000x768xf32, #tpu.memory_space<hbm>>
      tpu.wait_indirect_dma semaphore(%arg14 : memref<!tpu.dma_semaphore, #tpu.memory_space<semaphore_mem>>) src(%dma_wait3A_362 : memref<100000x768xf32, #tpu.memory_space<hbm>>) dst(%dma_wait3A_357 : memref<8x768xf32, #tpu.memory_space<vmem>>)
      %mul3A_363 = arith.constant 8 : i32
      %mul3A_364 = arith.muli %add3A_351, %mul3A_363 : i32
      %dma_wait3A_365 = arith.constant 1 : i32
      %dma_wait3A_366 = arith.constant 8 : i32
      %dma_wait3A_367 = arith.constant 0 : i32
      %dma_wait3A_368 = tpu.memref_slice %arg8[%dma_wait3A_366, %dma_wait3A_367] : memref<32x768xf32, #tpu.memory_space<vmem>> -> memref<8x768xf32, #tpu.memory_space<vmem>>
      %dma_wait3A_369 = tpu.memref_slice %arg6[%dma_wait3A_365, %mul3A_364] : memref<4x256xi32, #tpu.memory_space<vmem>> -> memref<1x8xi32, #tpu.memory_space<vmem>>
      %dma_wait3A_370 = tpu.memref_squeeze %dma_wait3A_369 : memref<1x8xi32, #tpu.memory_space<vmem>> -> memref<8xi32, #tpu.memory_space<vmem>>
      %dma_wait3A_371 = arith.constant 0 : i32
      %dma_wait3A_372 = arith.constant 0 : i32
      %dma_wait3A_373 = tpu.memref_slice %arg4[%dma_wait3A_371, %dma_wait3A_372] : memref<100000x768xf32, #tpu.memory_space<hbm>> -> memref<100000x768xf32, #tpu.memory_space<hbm>>
      tpu.wait_indirect_dma semaphore(%arg14 : memref<!tpu.dma_semaphore, #tpu.memory_space<semaphore_mem>>) src(%dma_wait3A_373 : memref<100000x768xf32, #tpu.memory_space<hbm>>) dst(%dma_wait3A_368 : memref<8x768xf32, #tpu.memory_space<vmem>>)
      %mul3A_374 = arith.constant 8 : i32
      %mul3A_375 = arith.muli %add3A_351, %mul3A_374 : i32
      %dma_wait3A_376 = arith.constant 2 : i32
      %dma_wait3A_377 = arith.constant 16 : i32
      %dma_wait3A_378 = arith.constant 0 : i32
      %dma_wait3A_379 = tpu.memref_slice %arg8[%dma_wait3A_377, %dma_wait3A_378] : memref<32x768xf32, #tpu.memory_space<vmem>> -> memref<8x768xf32, #tpu.memory_space<vmem>>
      %dma_wait3A_380 = tpu.memref_slice %arg6[%dma_wait3A_376, %mul3A_375] : memref<4x256xi32, #tpu.memory_space<vmem>> -> memref<1x8xi32, #tpu.memory_space<vmem>>
      %dma_wait3A_381 = tpu.memref_squeeze %dma_wait3A_380 : memref<1x8xi32, #tpu.memory_space<vmem>> -> memref<8xi32, #tpu.memory_space<vmem>>
      %dma_wait3A_382 = arith.constant 0 : i32
      %dma_wait3A_383 = arith.constant 0 : i32
      %dma_wait3A_384 = tpu.memref_slice %arg4[%dma_wait3A_382, %dma_wait3A_383] : memref<100000x768xf32, #tpu.memory_space<hbm>> -> memref<100000x768xf32, #tpu.memory_space<hbm>>
      tpu.wait_indirect_dma semaphore(%arg14 : memref<!tpu.dma_semaphore, #tpu.memory_space<semaphore_mem>>) src(%dma_wait3A_384 : memref<100000x768xf32, #tpu.memory_space<hbm>>) dst(%dma_wait3A_379 : memref<8x768xf32, #tpu.memory_space<vmem>>)
      %mul3A_385 = arith.constant 8 : i32
      %mul3A_386 = arith.muli %add3A_351, %mul3A_385 : i32
      %dma_wait3A_387 = arith.constant 3 : i32
      %dma_wait3A_388 = arith.constant 24 : i32
      %dma_wait3A_389 = arith.constant 0 : i32
      %dma_wait3A_390 = tpu.memref_slice %arg8[%dma_wait3A_388, %dma_wait3A_389] : memref<32x768xf32, #tpu.memory_space<vmem>> -> memref<8x768xf32, #tpu.memory_space<vmem>>
      %dma_wait3A_391 = tpu.memref_slice %arg6[%dma_wait3A_387, %mul3A_386] : memref<4x256xi32, #tpu.memory_space<vmem>> -> memref<1x8xi32, #tpu.memory_space<vmem>>
      %dma_wait3A_392 = tpu.memref_squeeze %dma_wait3A_391 : memref<1x8xi32, #tpu.memory_space<vmem>> -> memref<8xi32, #tpu.memory_space<vmem>>
      %dma_wait3A_393 = arith.constant 0 : i32
      %dma_wait3A_394 = arith.constant 0 : i32
      %dma_wait3A_395 = tpu.memref_slice %arg4[%dma_wait3A_393, %dma_wait3A_394] : memref<100000x768xf32, #tpu.memory_space<hbm>> -> memref<100000x768xf32, #tpu.memory_space<hbm>>
      tpu.wait_indirect_dma semaphore(%arg14 : memref<!tpu.dma_semaphore, #tpu.memory_space<semaphore_mem>>) src(%dma_wait3A_395 : memref<100000x768xf32, #tpu.memory_space<hbm>>) dst(%dma_wait3A_390 : memref<8x768xf32, #tpu.memory_space<vmem>>)
      %mul3A_396 = arith.constant 8 : i32
      %mul3A_397 = arith.muli %add3A_351, %mul3A_396 : i32
      %add3A_398 = arith.addi %mul3A_2, %mul3A_397 : i32
      %dma_wait3A_399 = arith.constant 0 : i32
      %dma_wait3A_400 = tpu.memref_slice %arg3[%add3A_398, %dma_wait3A_399] : memref<8192x768xf32, #tpu.memory_space<hbm>> -> memref<8x768xf32, #tpu.memory_space<hbm>>
      %dma_wait3A_401 = arith.constant 0 : i32
      %dma_wait3A_402 = tpu.memref_slice %arg3[%add3A_398, %dma_wait3A_401] : memref<8192x768xf32, #tpu.memory_space<hbm>> -> memref<8x768xf32, #tpu.memory_space<hbm>>
      tpu.wait_dma2 semaphore(%arg16 : memref<!tpu.dma_semaphore, #tpu.memory_space<semaphore_mem>>) src(%dma_wait3A_402 : memref<8x768xf32, #tpu.memory_space<hbm>>) dst(%arg10 : memref<8x768xf32, #tpu.memory_space<vmem>>)
      %ge3A_403 = arith.constant 2 : i32
      %ge3A_404 = arith.cmpi sge, %add3A_351, %ge3A_403 : i32
      %convert_element_type3A_405 = arith.extui %ge3A_404 : i1 to i32
      %cond3A_406 = arith.constant 0 : i32
      %cond3A_407 = arith.cmpi ne, %convert_element_type3A_405, %cond3A_406 : i32
      scf.if %cond3A_407 {
        %sub3A = arith.constant 2 : i32
        %sub3A_483 = arith.subi %add3A_351, %sub3A : i32
        %add3A_484 = arith.constant 0 : i32
        %add3A_485 = arith.addi %add3A_484, %mul3A_2 : i32
        %mul3A_486 = arith.constant 8 : i32
        %mul3A_487 = arith.muli %sub3A_483, %mul3A_486 : i32
        %add3A_488 = arith.addi %add3A_485, %mul3A_487 : i32
        %dma_wait3A_489 = arith.constant 0 : i32
        %dma_wait3A_490 = arith.constant 0 : i32
        %dma_wait3A_491 = tpu.memref_slice %arg12[%dma_wait3A_489, %dma_wait3A_490] : memref<32x768xf32, #tpu.memory_space<vmem>> -> memref<8x768xf32, #tpu.memory_space<vmem>>
        %dma_wait3A_492 = arith.constant 0 : i32
        %dma_wait3A_493 = tpu.memref_slice %arg5[%add3A_488, %dma_wait3A_492] : memref<32768x768xf32, #tpu.memory_space<hbm>> -> memref<8x768xf32, #tpu.memory_space<hbm>>
        %dma_wait3A_494 = arith.constant 0 : i32
        %dma_wait3A_495 = tpu.memref_slice %arg5[%add3A_488, %dma_wait3A_494] : memref<32768x768xf32, #tpu.memory_space<hbm>> -> memref<8x768xf32, #tpu.memory_space<hbm>>
        %dma_wait3A_496 = arith.constant 0 : i32
        %dma_wait3A_497 = arith.constant 0 : i32
        %dma_wait3A_498 = tpu.memref_slice %arg12[%dma_wait3A_496, %dma_wait3A_497] : memref<32x768xf32, #tpu.memory_space<vmem>> -> memref<8x768xf32, #tpu.memory_space<vmem>>
        tpu.wait_dma2 semaphore(%arg18 : memref<!tpu.dma_semaphore, #tpu.memory_space<semaphore_mem>>) src(%dma_wait3A_498 : memref<8x768xf32, #tpu.memory_space<vmem>>) dst(%dma_wait3A_495 : memref<8x768xf32, #tpu.memory_space<hbm>>)
        %sub3A_499 = arith.constant 2 : i32
        %sub3A_500 = arith.subi %add3A_351, %sub3A_499 : i32
        %add3A_501 = arith.constant 8192 : i32
        %add3A_502 = arith.addi %add3A_501, %mul3A_2 : i32
        %mul3A_503 = arith.constant 8 : i32
        %mul3A_504 = arith.muli %sub3A_500, %mul3A_503 : i32
        %add3A_505 = arith.addi %add3A_502, %mul3A_504 : i32
        %dma_wait3A_506 = arith.constant 8 : i32
        %dma_wait3A_507 = arith.constant 0 : i32
        %dma_wait3A_508 = tpu.memref_slice %arg12[%dma_wait3A_506, %dma_wait3A_507] : memref<32x768xf32, #tpu.memory_space<vmem>> -> memref<8x768xf32, #tpu.memory_space<vmem>>
        %dma_wait3A_509 = arith.constant 0 : i32
        %dma_wait3A_510 = tpu.memref_slice %arg5[%add3A_505, %dma_wait3A_509] : memref<32768x768xf32, #tpu.memory_space<hbm>> -> memref<8x768xf32, #tpu.memory_space<hbm>>
        %dma_wait3A_511 = arith.constant 0 : i32
        %dma_wait3A_512 = tpu.memref_slice %arg5[%add3A_505, %dma_wait3A_511] : memref<32768x768xf32, #tpu.memory_space<hbm>> -> memref<8x768xf32, #tpu.memory_space<hbm>>
        %dma_wait3A_513 = arith.constant 8 : i32
        %dma_wait3A_514 = arith.constant 0 : i32
        %dma_wait3A_515 = tpu.memref_slice %arg12[%dma_wait3A_513, %dma_wait3A_514] : memref<32x768xf32, #tpu.memory_space<vmem>> -> memref<8x768xf32, #tpu.memory_space<vmem>>
        tpu.wait_dma2 semaphore(%arg18 : memref<!tpu.dma_semaphore, #tpu.memory_space<semaphore_mem>>) src(%dma_wait3A_515 : memref<8x768xf32, #tpu.memory_space<vmem>>) dst(%dma_wait3A_512 : memref<8x768xf32, #tpu.memory_space<hbm>>)
        %sub3A_516 = arith.constant 2 : i32
        %sub3A_517 = arith.subi %add3A_351, %sub3A_516 : i32
        %add3A_518 = arith.constant 16384 : i32
        %add3A_519 = arith.addi %add3A_518, %mul3A_2 : i32
        %mul3A_520 = arith.constant 8 : i32
        %mul3A_521 = arith.muli %sub3A_517, %mul3A_520 : i32
        %add3A_522 = arith.addi %add3A_519, %mul3A_521 : i32
        %dma_wait3A_523 = arith.constant 16 : i32
        %dma_wait3A_524 = arith.constant 0 : i32
        %dma_wait3A_525 = tpu.memref_slice %arg12[%dma_wait3A_523, %dma_wait3A_524] : memref<32x768xf32, #tpu.memory_space<vmem>> -> memref<8x768xf32, #tpu.memory_space<vmem>>
        %dma_wait3A_526 = arith.constant 0 : i32
        %dma_wait3A_527 = tpu.memref_slice %arg5[%add3A_522, %dma_wait3A_526] : memref<32768x768xf32, #tpu.memory_space<hbm>> -> memref<8x768xf32, #tpu.memory_space<hbm>>
        %dma_wait3A_528 = arith.constant 0 : i32
        %dma_wait3A_529 = tpu.memref_slice %arg5[%add3A_522, %dma_wait3A_528] : memref<32768x768xf32, #tpu.memory_space<hbm>> -> memref<8x768xf32, #tpu.memory_space<hbm>>
        %dma_wait3A_530 = arith.constant 16 : i32
        %dma_wait3A_531 = arith.constant 0 : i32
        %dma_wait3A_532 = tpu.memref_slice %arg12[%dma_wait3A_530, %dma_wait3A_531] : memref<32x768xf32, #tpu.memory_space<vmem>> -> memref<8x768xf32, #tpu.memory_space<vmem>>
        tpu.wait_dma2 semaphore(%arg18 : memref<!tpu.dma_semaphore, #tpu.memory_space<semaphore_mem>>) src(%dma_wait3A_532 : memref<8x768xf32, #tpu.memory_space<vmem>>) dst(%dma_wait3A_529 : memref<8x768xf32, #tpu.memory_space<hbm>>)
        %sub3A_533 = arith.constant 2 : i32
        %sub3A_534 = arith.subi %add3A_351, %sub3A_533 : i32
        %add3A_535 = arith.constant 24576 : i32
        %add3A_536 = arith.addi %add3A_535, %mul3A_2 : i32
        %mul3A_537 = arith.constant 8 : i32
        %mul3A_538 = arith.muli %sub3A_534, %mul3A_537 : i32
        %add3A_539 = arith.addi %add3A_536, %mul3A_538 : i32
        %dma_wait3A_540 = arith.constant 24 : i32
        %dma_wait3A_541 = arith.constant 0 : i32
        %dma_wait3A_542 = tpu.memref_slice %arg12[%dma_wait3A_540, %dma_wait3A_541] : memref<32x768xf32, #tpu.memory_space<vmem>> -> memref<8x768xf32, #tpu.memory_space<vmem>>
        %dma_wait3A_543 = arith.constant 0 : i32
        %dma_wait3A_544 = tpu.memref_slice %arg5[%add3A_539, %dma_wait3A_543] : memref<32768x768xf32, #tpu.memory_space<hbm>> -> memref<8x768xf32, #tpu.memory_space<hbm>>
        %dma_wait3A_545 = arith.constant 0 : i32
        %dma_wait3A_546 = tpu.memref_slice %arg5[%add3A_539, %dma_wait3A_545] : memref<32768x768xf32, #tpu.memory_space<hbm>> -> memref<8x768xf32, #tpu.memory_space<hbm>>
        %dma_wait3A_547 = arith.constant 24 : i32
        %dma_wait3A_548 = arith.constant 0 : i32
        %dma_wait3A_549 = tpu.memref_slice %arg12[%dma_wait3A_547, %dma_wait3A_548] : memref<32x768xf32, #tpu.memory_space<vmem>> -> memref<8x768xf32, #tpu.memory_space<vmem>>
        tpu.wait_dma2 semaphore(%arg18 : memref<!tpu.dma_semaphore, #tpu.memory_space<semaphore_mem>>) src(%dma_wait3A_549 : memref<8x768xf32, #tpu.memory_space<vmem>>) dst(%dma_wait3A_546 : memref<8x768xf32, #tpu.memory_space<hbm>>)
      } else {
      }
      %scan3A_408 = arith.constant 0 : i32
      %scan3A_409 = arith.constant 0 : i32
      %scan3A_410 = arith.constant 48 : i32
      %scan3A_411 = arith.addi %scan3A_409, %scan3A_410 : i32
      %scan3A_412 = arith.constant 1 : i32
      %scan3A_413 = scf.for %scan3A_483 = %scan3A_409 to %scan3A_411 step %scan3A_412 iter_args(%scan3A_484 = %scan3A_408) -> (i32)  : i32 {
        %mul3A_485 = arith.constant 16 : i32
        %mul3A_486 = arith.muli %scan3A_483, %mul3A_485 : i32
        %get3A = arith.constant 0 : i32
        %get3A_487 = arith.index_cast %get3A : i32 to index
        %get3A_488 = arith.index_cast %mul3A_486 : i32 to index
        %get3A_489 = tpu.vector_load %arg10[%get3A_487, %get3A_488] {strides = array<i32>} : memref<8x768xf32, #tpu.memory_space<vmem>>, vector<1x16xf32>,
        %get3A_490 = vector.shape_cast %get3A_489 : vector<1x16xf32> to vector<16xf32>
        %get3A_491 = arith.constant 1 : i32
        %get3A_492 = arith.index_cast %get3A_491 : i32 to index
        %get3A_493 = arith.index_cast %mul3A_486 : i32 to index
        %get3A_494 = tpu.vector_load %arg10[%get3A_492, %get3A_493] {strides = array<i32>} : memref<8x768xf32, #tpu.memory_space<vmem>>, vector<1x16xf32>,
        %get3A_495 = vector.shape_cast %get3A_494 : vector<1x16xf32> to vector<16xf32>
        %get3A_496 = arith.constant 2 : i32
        %get3A_497 = arith.index_cast %get3A_496 : i32 to index
        %get3A_498 = arith.index_cast %mul3A_486 : i32 to index
        %get3A_499 = tpu.vector_load %arg10[%get3A_497, %get3A_498] {strides = array<i32>} : memref<8x768xf32, #tpu.memory_space<vmem>>, vector<1x16xf32>,
        %get3A_500 = vector.shape_cast %get3A_499 : vector<1x16xf32> to vector<16xf32>
        %get3A_501 = arith.constant 3 : i32
        %get3A_502 = arith.index_cast %get3A_501 : i32 to index
        %get3A_503 = arith.index_cast %mul3A_486 : i32 to index
        %get3A_504 = tpu.vector_load %arg10[%get3A_502, %get3A_503] {strides = array<i32>} : memref<8x768xf32, #tpu.memory_space<vmem>>, vector<1x16xf32>,
        %get3A_505 = vector.shape_cast %get3A_504 : vector<1x16xf32> to vector<16xf32>
        %get3A_506 = arith.constant 4 : i32
        %get3A_507 = arith.index_cast %get3A_506 : i32 to index
        %get3A_508 = arith.index_cast %mul3A_486 : i32 to index
        %get3A_509 = tpu.vector_load %arg10[%get3A_507, %get3A_508] {strides = array<i32>} : memref<8x768xf32, #tpu.memory_space<vmem>>, vector<1x16xf32>,
        %get3A_510 = vector.shape_cast %get3A_509 : vector<1x16xf32> to vector<16xf32>
        %get3A_511 = arith.constant 5 : i32
        %get3A_512 = arith.index_cast %get3A_511 : i32 to index
        %get3A_513 = arith.index_cast %mul3A_486 : i32 to index
        %get3A_514 = tpu.vector_load %arg10[%get3A_512, %get3A_513] {strides = array<i32>} : memref<8x768xf32, #tpu.memory_space<vmem>>, vector<1x16xf32>,
        %get3A_515 = vector.shape_cast %get3A_514 : vector<1x16xf32> to vector<16xf32>
        %get3A_516 = arith.constant 6 : i32
        %get3A_517 = arith.index_cast %get3A_516 : i32 to index
        %get3A_518 = arith.index_cast %mul3A_486 : i32 to index
        %get3A_519 = tpu.vector_load %arg10[%get3A_517, %get3A_518] {strides = array<i32>} : memref<8x768xf32, #tpu.memory_space<vmem>>, vector<1x16xf32>,
        %get3A_520 = vector.shape_cast %get3A_519 : vector<1x16xf32> to vector<16xf32>
        %get3A_521 = arith.constant 7 : i32
        %get3A_522 = arith.index_cast %get3A_521 : i32 to index
        %get3A_523 = arith.index_cast %mul3A_486 : i32 to index
        %get3A_524 = tpu.vector_load %arg10[%get3A_522, %get3A_523] {strides = array<i32>} : memref<8x768xf32, #tpu.memory_space<vmem>>, vector<1x16xf32>,
        %get3A_525 = vector.shape_cast %get3A_524 : vector<1x16xf32> to vector<16xf32>
        %get3A_526 = arith.constant 0 : i32
        %get3A_527 = arith.index_cast %get3A_526 : i32 to index
        %get3A_528 = arith.index_cast %mul3A_486 : i32 to index
        %get3A_529 = tpu.vector_load %arg8[%get3A_527, %get3A_528] {strides = array<i32>} : memref<32x768xf32, #tpu.memory_space<vmem>>, vector<1x16xf32>,
        %get3A_530 = vector.shape_cast %get3A_529 : vector<1x16xf32> to vector<16xf32>
        %mul3A_531 = arith.constant 27.7128124 : f32
        %mul3A_532 = vector.broadcast %mul3A_531 : f32 to vector<16xf32>
        %mul3A_533 = arith.mulf %get3A_530, %mul3A_532 : vector<16xf32>
        %add3A_534 = arith.addf %mul3A_533, %get3A_490 : vector<16xf32>
        %swap3A = arith.constant 0 : i32
        %swap3A_535 = arith.index_cast %swap3A : i32 to index
        %swap3A_536 = arith.index_cast %mul3A_486 : i32 to index
        %swap3A_537 = tpu.vector_load %arg12[%swap3A_535, %swap3A_536] {strides = array<i32>} : memref<32x768xf32, #tpu.memory_space<vmem>>, vector<1x16xf32>,
        %swap3A_538 = vector.shape_cast %swap3A_537 : vector<1x16xf32> to vector<16xf32>
        %swap3A_539 = vector.shape_cast %add3A_534 : vector<16xf32> to vector<1x16xf32>
        tpu.vector_store %arg12[%swap3A_535, %swap3A_536], %swap3A_539 {strides = array<i32>} : memref<32x768xf32, #tpu.memory_space<vmem>>, vector<1x16xf32>,
        %get3A_540 = arith.constant 1 : i32
        %get3A_541 = arith.index_cast %get3A_540 : i32 to index
        %get3A_542 = arith.index_cast %mul3A_486 : i32 to index
        %get3A_543 = tpu.vector_load %arg8[%get3A_541, %get3A_542] {strides = array<i32>} : memref<32x768xf32, #tpu.memory_space<vmem>>, vector<1x16xf32>,
        %get3A_544 = vector.shape_cast %get3A_543 : vector<1x16xf32> to vector<16xf32>
        %mul3A_545 = arith.constant 27.7128124 : f32
        %mul3A_546 = vector.broadcast %mul3A_545 : f32 to vector<16xf32>
        %mul3A_547 = arith.mulf %get3A_544, %mul3A_546 : vector<16xf32>
        %add3A_548 = arith.addf %mul3A_547, %get3A_495 : vector<16xf32>
        %swap3A_549 = arith.constant 1 : i32
        %swap3A_550 = arith.index_cast %swap3A_549 : i32 to index
        %swap3A_551 = arith.index_cast %mul3A_486 : i32 to index
        %swap3A_552 = tpu.vector_load %arg12[%swap3A_550, %swap3A_551] {strides = array<i32>} : memref<32x768xf32, #tpu.memory_space<vmem>>, vector<1x16xf32>,
        %swap3A_553 = vector.shape_cast %swap3A_552 : vector<1x16xf32> to vector<16xf32>
        %swap3A_554 = vector.shape_cast %add3A_548 : vector<16xf32> to vector<1x16xf32>
        tpu.vector_store %arg12[%swap3A_550, %swap3A_551], %swap3A_554 {strides = array<i32>} : memref<32x768xf32, #tpu.memory_space<vmem>>, vector<1x16xf32>,
        %get3A_555 = arith.constant 2 : i32
        %get3A_556 = arith.index_cast %get3A_555 : i32 to index
        %get3A_557 = arith.index_cast %mul3A_486 : i32 to index
        %get3A_558 = tpu.vector_load %arg8[%get3A_556, %get3A_557] {strides = array<i32>} : memref<32x768xf32, #tpu.memory_space<vmem>>, vector<1x16xf32>,
        %get3A_559 = vector.shape_cast %get3A_558 : vector<1x16xf32> to vector<16xf32>
        %mul3A_560 = arith.constant 27.7128124 : f32
        %mul3A_561 = vector.broadcast %mul3A_560 : f32 to vector<16xf32>
        %mul3A_562 = arith.mulf %get3A_559, %mul3A_561 : vector<16xf32>
        %add3A_563 = arith.addf %mul3A_562, %get3A_500 : vector<16xf32>
        %swap3A_564 = arith.constant 2 : i32
        %swap3A_565 = arith.index_cast %swap3A_564 : i32 to index
        %swap3A_566 = arith.index_cast %mul3A_486 : i32 to index
        %swap3A_567 = tpu.vector_load %arg12[%swap3A_565, %swap3A_566] {strides = array<i32>} : memref<32x768xf32, #tpu.memory_space<vmem>>, vector<1x16xf32>,
        %swap3A_568 = vector.shape_cast %swap3A_567 : vector<1x16xf32> to vector<16xf32>
        %swap3A_569 = vector.shape_cast %add3A_563 : vector<16xf32> to vector<1x16xf32>
        tpu.vector_store %arg12[%swap3A_565, %swap3A_566], %swap3A_569 {strides = array<i32>} : memref<32x768xf32, #tpu.memory_space<vmem>>, vector<1x16xf32>,
        %get3A_570 = arith.constant 3 : i32
        %get3A_571 = arith.index_cast %get3A_570 : i32 to index
        %get3A_572 = arith.index_cast %mul3A_486 : i32 to index
        %get3A_573 = tpu.vector_load %arg8[%get3A_571, %get3A_572] {strides = array<i32>} : memref<32x768xf32, #tpu.memory_space<vmem>>, vector<1x16xf32>,
        %get3A_574 = vector.shape_cast %get3A_573 : vector<1x16xf32> to vector<16xf32>
        %mul3A_575 = arith.constant 27.7128124 : f32
        %mul3A_576 = vector.broadcast %mul3A_575 : f32 to vector<16xf32>
        %mul3A_577 = arith.mulf %get3A_574, %mul3A_576 : vector<16xf32>
        %add3A_578 = arith.addf %mul3A_577, %get3A_505 : vector<16xf32>
        %swap3A_579 = arith.constant 3 : i32
        %swap3A_580 = arith.index_cast %swap3A_579 : i32 to index
        %swap3A_581 = arith.index_cast %mul3A_486 : i32 to index
        %swap3A_582 = tpu.vector_load %arg12[%swap3A_580, %swap3A_581] {strides = array<i32>} : memref<32x768xf32, #tpu.memory_space<vmem>>, vector<1x16xf32>,
        %swap3A_583 = vector.shape_cast %swap3A_582 : vector<1x16xf32> to vector<16xf32>
        %swap3A_584 = vector.shape_cast %add3A_578 : vector<16xf32> to vector<1x16xf32>
        tpu.vector_store %arg12[%swap3A_580, %swap3A_581], %swap3A_584 {strides = array<i32>} : memref<32x768xf32, #tpu.memory_space<vmem>>, vector<1x16xf32>,
        %get3A_585 = arith.constant 4 : i32
        %get3A_586 = arith.index_cast %get3A_585 : i32 to index
        %get3A_587 = arith.index_cast %mul3A_486 : i32 to index
        %get3A_588 = tpu.vector_load %arg8[%get3A_586, %get3A_587] {strides = array<i32>} : memref<32x768xf32, #tpu.memory_space<vmem>>, vector<1x16xf32>,
        %get3A_589 = vector.shape_cast %get3A_588 : vector<1x16xf32> to vector<16xf32>
        %mul3A_590 = arith.constant 27.7128124 : f32
        %mul3A_591 = vector.broadcast %mul3A_590 : f32 to vector<16xf32>
        %mul3A_592 = arith.mulf %get3A_589, %mul3A_591 : vector<16xf32>
        %add3A_593 = arith.addf %mul3A_592, %get3A_510 : vector<16xf32>
        %swap3A_594 = arith.constant 4 : i32
        %swap3A_595 = arith.index_cast %swap3A_594 : i32 to index
        %swap3A_596 = arith.index_cast %mul3A_486 : i32 to index
        %swap3A_597 = tpu.vector_load %arg12[%swap3A_595, %swap3A_596] {strides = array<i32>} : memref<32x768xf32, #tpu.memory_space<vmem>>, vector<1x16xf32>,
        %swap3A_598 = vector.shape_cast %swap3A_597 : vector<1x16xf32> to vector<16xf32>
        %swap3A_599 = vector.shape_cast %add3A_593 : vector<16xf32> to vector<1x16xf32>
        tpu.vector_store %arg12[%swap3A_595, %swap3A_596], %swap3A_599 {strides = array<i32>} : memref<32x768xf32, #tpu.memory_space<vmem>>, vector<1x16xf32>,
        %get3A_600 = arith.constant 5 : i32
        %get3A_601 = arith.index_cast %get3A_600 : i32 to index
        %get3A_602 = arith.index_cast %mul3A_486 : i32 to index
        %get3A_603 = tpu.vector_load %arg8[%get3A_601, %get3A_602] {strides = array<i32>} : memref<32x768xf32, #tpu.memory_space<vmem>>, vector<1x16xf32>,
        %get3A_604 = vector.shape_cast %get3A_603 : vector<1x16xf32> to vector<16xf32>
        %mul3A_605 = arith.constant 27.7128124 : f32
        %mul3A_606 = vector.broadcast %mul3A_605 : f32 to vector<16xf32>
        %mul3A_607 = arith.mulf %get3A_604, %mul3A_606 : vector<16xf32>
        %add3A_608 = arith.addf %mul3A_607, %get3A_515 : vector<16xf32>
        %swap3A_609 = arith.constant 5 : i32
        %swap3A_610 = arith.index_cast %swap3A_609 : i32 to index
        %swap3A_611 = arith.index_cast %mul3A_486 : i32 to index
        %swap3A_612 = tpu.vector_load %arg12[%swap3A_610, %swap3A_611] {strides = array<i32>} : memref<32x768xf32, #tpu.memory_space<vmem>>, vector<1x16xf32>,
        %swap3A_613 = vector.shape_cast %swap3A_612 : vector<1x16xf32> to vector<16xf32>
        %swap3A_614 = vector.shape_cast %add3A_608 : vector<16xf32> to vector<1x16xf32>
        tpu.vector_store %arg12[%swap3A_610, %swap3A_611], %swap3A_614 {strides = array<i32>} : memref<32x768xf32, #tpu.memory_space<vmem>>, vector<1x16xf32>,
        %get3A_615 = arith.constant 6 : i32
        %get3A_616 = arith.index_cast %get3A_615 : i32 to index
        %get3A_617 = arith.index_cast %mul3A_486 : i32 to index
        %get3A_618 = tpu.vector_load %arg8[%get3A_616, %get3A_617] {strides = array<i32>} : memref<32x768xf32, #tpu.memory_space<vmem>>, vector<1x16xf32>,
        %get3A_619 = vector.shape_cast %get3A_618 : vector<1x16xf32> to vector<16xf32>
        %mul3A_620 = arith.constant 27.7128124 : f32
        %mul3A_621 = vector.broadcast %mul3A_620 : f32 to vector<16xf32>
        %mul3A_622 = arith.mulf %get3A_619, %mul3A_621 : vector<16xf32>
        %add3A_623 = arith.addf %mul3A_622, %get3A_520 : vector<16xf32>
        %swap3A_624 = arith.constant 6 : i32
        %swap3A_625 = arith.index_cast %swap3A_624 : i32 to index
        %swap3A_626 = arith.index_cast %mul3A_486 : i32 to index
        %swap3A_627 = tpu.vector_load %arg12[%swap3A_625, %swap3A_626] {strides = array<i32>} : memref<32x768xf32, #tpu.memory_space<vmem>>, vector<1x16xf32>,
        %swap3A_628 = vector.shape_cast %swap3A_627 : vector<1x16xf32> to vector<16xf32>
        %swap3A_629 = vector.shape_cast %add3A_623 : vector<16xf32> to vector<1x16xf32>
        tpu.vector_store %arg12[%swap3A_625, %swap3A_626], %swap3A_629 {strides = array<i32>} : memref<32x768xf32, #tpu.memory_space<vmem>>, vector<1x16xf32>,
        %get3A_630 = arith.constant 7 : i32
        %get3A_631 = arith.index_cast %get3A_630 : i32 to index
        %get3A_632 = arith.index_cast %mul3A_486 : i32 to index
        %get3A_633 = tpu.vector_load %arg8[%get3A_631, %get3A_632] {strides = array<i32>} : memref<32x768xf32, #tpu.memory_space<vmem>>, vector<1x16xf32>,
        %get3A_634 = vector.shape_cast %get3A_633 : vector<1x16xf32> to vector<16xf32>
        %mul3A_635 = arith.constant 27.7128124 : f32
        %mul3A_636 = vector.broadcast %mul3A_635 : f32 to vector<16xf32>
        %mul3A_637 = arith.mulf %get3A_634, %mul3A_636 : vector<16xf32>
        %add3A_638 = arith.addf %mul3A_637, %get3A_525 : vector<16xf32>
        %swap3A_639 = arith.constant 7 : i32
        %swap3A_640 = arith.index_cast %swap3A_639 : i32 to index
        %swap3A_641 = arith.index_cast %mul3A_486 : i32 to index
        %swap3A_642 = tpu.vector_load %arg12[%swap3A_640, %swap3A_641] {strides = array<i32>} : memref<32x768xf32, #tpu.memory_space<vmem>>, vector<1x16xf32>,
        %swap3A_643 = vector.shape_cast %swap3A_642 : vector<1x16xf32> to vector<16xf32>
        %swap3A_644 = vector.shape_cast %add3A_638 : vector<16xf32> to vector<1x16xf32>
        tpu.vector_store %arg12[%swap3A_640, %swap3A_641], %swap3A_644 {strides = array<i32>} : memref<32x768xf32, #tpu.memory_space<vmem>>, vector<1x16xf32>,
        %get3A_645 = arith.constant 8 : i32
        %get3A_646 = arith.index_cast %get3A_645 : i32 to index
        %get3A_647 = arith.index_cast %mul3A_486 : i32 to index
        %get3A_648 = tpu.vector_load %arg8[%get3A_646, %get3A_647] {strides = array<i32>} : memref<32x768xf32, #tpu.memory_space<vmem>>, vector<1x16xf32>,
        %get3A_649 = vector.shape_cast %get3A_648 : vector<1x16xf32> to vector<16xf32>
        %mul3A_650 = arith.constant 27.7128124 : f32
        %mul3A_651 = vector.broadcast %mul3A_650 : f32 to vector<16xf32>
        %mul3A_652 = arith.mulf %get3A_649, %mul3A_651 : vector<16xf32>
        %add3A_653 = arith.addf %mul3A_652, %get3A_490 : vector<16xf32>
        %swap3A_654 = arith.constant 8 : i32
        %swap3A_655 = arith.index_cast %swap3A_654 : i32 to index
        %swap3A_656 = arith.index_cast %mul3A_486 : i32 to index
        %swap3A_657 = tpu.vector_load %arg12[%swap3A_655, %swap3A_656] {strides = array<i32>} : memref<32x768xf32, #tpu.memory_space<vmem>>, vector<1x16xf32>,
        %swap3A_658 = vector.shape_cast %swap3A_657 : vector<1x16xf32> to vector<16xf32>
        %swap3A_659 = vector.shape_cast %add3A_653 : vector<16xf32> to vector<1x16xf32>
        tpu.vector_store %arg12[%swap3A_655, %swap3A_656], %swap3A_659 {strides = array<i32>} : memref<32x768xf32, #tpu.memory_space<vmem>>, vector<1x16xf32>,
        %get3A_660 = arith.constant 9 : i32
        %get3A_661 = arith.index_cast %get3A_660 : i32 to index
        %get3A_662 = arith.index_cast %mul3A_486 : i32 to index
        %get3A_663 = tpu.vector_load %arg8[%get3A_661, %get3A_662] {strides = array<i32>} : memref<32x768xf32, #tpu.memory_space<vmem>>, vector<1x16xf32>,
        %get3A_664 = vector.shape_cast %get3A_663 : vector<1x16xf32> to vector<16xf32>
        %mul3A_665 = arith.constant 27.7128124 : f32
        %mul3A_666 = vector.broadcast %mul3A_665 : f32 to vector<16xf32>
        %mul3A_667 = arith.mulf %get3A_664, %mul3A_666 : vector<16xf32>
        %add3A_668 = arith.addf %mul3A_667, %get3A_495 : vector<16xf32>
        %swap3A_669 = arith.constant 9 : i32
        %swap3A_670 = arith.index_cast %swap3A_669 : i32 to index
        %swap3A_671 = arith.index_cast %mul3A_486 : i32 to index
        %swap3A_672 = tpu.vector_load %arg12[%swap3A_670, %swap3A_671] {strides = array<i32>} : memref<32x768xf32, #tpu.memory_space<vmem>>, vector<1x16xf32>,
        %swap3A_673 = vector.shape_cast %swap3A_672 : vector<1x16xf32> to vector<16xf32>
        %swap3A_674 = vector.shape_cast %add3A_668 : vector<16xf32> to vector<1x16xf32>
        tpu.vector_store %arg12[%swap3A_670, %swap3A_671], %swap3A_674 {strides = array<i32>} : memref<32x768xf32, #tpu.memory_space<vmem>>, vector<1x16xf32>,
        %get3A_675 = arith.constant 10 : i32
        %get3A_676 = arith.index_cast %get3A_675 : i32 to index
        %get3A_677 = arith.index_cast %mul3A_486 : i32 to index
        %get3A_678 = tpu.vector_load %arg8[%get3A_676, %get3A_677] {strides = array<i32>} : memref<32x768xf32, #tpu.memory_space<vmem>>, vector<1x16xf32>,
        %get3A_679 = vector.shape_cast %get3A_678 : vector<1x16xf32> to vector<16xf32>
        %mul3A_680 = arith.constant 27.7128124 : f32
        %mul3A_681 = vector.broadcast %mul3A_680 : f32 to vector<16xf32>
        %mul3A_682 = arith.mulf %get3A_679, %mul3A_681 : vector<16xf32>
        %add3A_683 = arith.addf %mul3A_682, %get3A_500 : vector<16xf32>
        %swap3A_684 = arith.constant 10 : i32
        %swap3A_685 = arith.index_cast %swap3A_684 : i32 to index
        %swap3A_686 = arith.index_cast %mul3A_486 : i32 to index
        %swap3A_687 = tpu.vector_load %arg12[%swap3A_685, %swap3A_686] {strides = array<i32>} : memref<32x768xf32, #tpu.memory_space<vmem>>, vector<1x16xf32>,
        %swap3A_688 = vector.shape_cast %swap3A_687 : vector<1x16xf32> to vector<16xf32>
        %swap3A_689 = vector.shape_cast %add3A_683 : vector<16xf32> to vector<1x16xf32>
        tpu.vector_store %arg12[%swap3A_685, %swap3A_686], %swap3A_689 {strides = array<i32>} : memref<32x768xf32, #tpu.memory_space<vmem>>, vector<1x16xf32>,
        %get3A_690 = arith.constant 11 : i32
        %get3A_691 = arith.index_cast %get3A_690 : i32 to index
        %get3A_692 = arith.index_cast %mul3A_486 : i32 to index
        %get3A_693 = tpu.vector_load %arg8[%get3A_691, %get3A_692] {strides = array<i32>} : memref<32x768xf32, #tpu.memory_space<vmem>>, vector<1x16xf32>,
        %get3A_694 = vector.shape_cast %get3A_693 : vector<1x16xf32> to vector<16xf32>
        %mul3A_695 = arith.constant 27.7128124 : f32
        %mul3A_696 = vector.broadcast %mul3A_695 : f32 to vector<16xf32>
        %mul3A_697 = arith.mulf %get3A_694, %mul3A_696 : vector<16xf32>
        %add3A_698 = arith.addf %mul3A_697, %get3A_505 : vector<16xf32>
        %swap3A_699 = arith.constant 11 : i32
        %swap3A_700 = arith.index_cast %swap3A_699 : i32 to index
        %swap3A_701 = arith.index_cast %mul3A_486 : i32 to index
        %swap3A_702 = tpu.vector_load %arg12[%swap3A_700, %swap3A_701] {strides = array<i32>} : memref<32x768xf32, #tpu.memory_space<vmem>>, vector<1x16xf32>,
        %swap3A_703 = vector.shape_cast %swap3A_702 : vector<1x16xf32> to vector<16xf32>
        %swap3A_704 = vector.shape_cast %add3A_698 : vector<16xf32> to vector<1x16xf32>
        tpu.vector_store %arg12[%swap3A_700, %swap3A_701], %swap3A_704 {strides = array<i32>} : memref<32x768xf32, #tpu.memory_space<vmem>>, vector<1x16xf32>,
        %get3A_705 = arith.constant 12 : i32
        %get3A_706 = arith.index_cast %get3A_705 : i32 to index
        %get3A_707 = arith.index_cast %mul3A_486 : i32 to index
        %get3A_708 = tpu.vector_load %arg8[%get3A_706, %get3A_707] {strides = array<i32>} : memref<32x768xf32, #tpu.memory_space<vmem>>, vector<1x16xf32>,
        %get3A_709 = vector.shape_cast %get3A_708 : vector<1x16xf32> to vector<16xf32>
        %mul3A_710 = arith.constant 27.7128124 : f32
        %mul3A_711 = vector.broadcast %mul3A_710 : f32 to vector<16xf32>
        %mul3A_712 = arith.mulf %get3A_709, %mul3A_711 : vector<16xf32>
        %add3A_713 = arith.addf %mul3A_712, %get3A_510 : vector<16xf32>
        %swap3A_714 = arith.constant 12 : i32
        %swap3A_715 = arith.index_cast %swap3A_714 : i32 to index
        %swap3A_716 = arith.index_cast %mul3A_486 : i32 to index
        %swap3A_717 = tpu.vector_load %arg12[%swap3A_715, %swap3A_716] {strides = array<i32>} : memref<32x768xf32, #tpu.memory_space<vmem>>, vector<1x16xf32>,
        %swap3A_718 = vector.shape_cast %swap3A_717 : vector<1x16xf32> to vector<16xf32>
        %swap3A_719 = vector.shape_cast %add3A_713 : vector<16xf32> to vector<1x16xf32>
        tpu.vector_store %arg12[%swap3A_715, %swap3A_716], %swap3A_719 {strides = array<i32>} : memref<32x768xf32, #tpu.memory_space<vmem>>, vector<1x16xf32>,
        %get3A_720 = arith.constant 13 : i32
        %get3A_721 = arith.index_cast %get3A_720 : i32 to index
        %get3A_722 = arith.index_cast %mul3A_486 : i32 to index
        %get3A_723 = tpu.vector_load %arg8[%get3A_721, %get3A_722] {strides = array<i32>} : memref<32x768xf32, #tpu.memory_space<vmem>>, vector<1x16xf32>,
        %get3A_724 = vector.shape_cast %get3A_723 : vector<1x16xf32> to vector<16xf32>
        %mul3A_725 = arith.constant 27.7128124 : f32
        %mul3A_726 = vector.broadcast %mul3A_725 : f32 to vector<16xf32>
        %mul3A_727 = arith.mulf %get3A_724, %mul3A_726 : vector<16xf32>
        %add3A_728 = arith.addf %mul3A_727, %get3A_515 : vector<16xf32>
        %swap3A_729 = arith.constant 13 : i32
        %swap3A_730 = arith.index_cast %swap3A_729 : i32 to index
        %swap3A_731 = arith.index_cast %mul3A_486 : i32 to index
        %swap3A_732 = tpu.vector_load %arg12[%swap3A_730, %swap3A_731] {strides = array<i32>} : memref<32x768xf32, #tpu.memory_space<vmem>>, vector<1x16xf32>,
        %swap3A_733 = vector.shape_cast %swap3A_732 : vector<1x16xf32> to vector<16xf32>
        %swap3A_734 = vector.shape_cast %add3A_728 : vector<16xf32> to vector<1x16xf32>
        tpu.vector_store %arg12[%swap3A_730, %swap3A_731], %swap3A_734 {strides = array<i32>} : memref<32x768xf32, #tpu.memory_space<vmem>>, vector<1x16xf32>,
        %get3A_735 = arith.constant 14 : i32
        %get3A_736 = arith.index_cast %get3A_735 : i32 to index
        %get3A_737 = arith.index_cast %mul3A_486 : i32 to index
        %get3A_738 = tpu.vector_load %arg8[%get3A_736, %get3A_737] {strides = array<i32>} : memref<32x768xf32, #tpu.memory_space<vmem>>, vector<1x16xf32>,
        %get3A_739 = vector.shape_cast %get3A_738 : vector<1x16xf32> to vector<16xf32>
        %mul3A_740 = arith.constant 27.7128124 : f32
        %mul3A_741 = vector.broadcast %mul3A_740 : f32 to vector<16xf32>
        %mul3A_742 = arith.mulf %get3A_739, %mul3A_741 : vector<16xf32>
        %add3A_743 = arith.addf %mul3A_742, %get3A_520 : vector<16xf32>
        %swap3A_744 = arith.constant 14 : i32
        %swap3A_745 = arith.index_cast %swap3A_744 : i32 to index
        %swap3A_746 = arith.index_cast %mul3A_486 : i32 to index
        %swap3A_747 = tpu.vector_load %arg12[%swap3A_745, %swap3A_746] {strides = array<i32>} : memref<32x768xf32, #tpu.memory_space<vmem>>, vector<1x16xf32>,
        %swap3A_748 = vector.shape_cast %swap3A_747 : vector<1x16xf32> to vector<16xf32>
        %swap3A_749 = vector.shape_cast %add3A_743 : vector<16xf32> to vector<1x16xf32>
        tpu.vector_store %arg12[%swap3A_745, %swap3A_746], %swap3A_749 {strides = array<i32>} : memref<32x768xf32, #tpu.memory_space<vmem>>, vector<1x16xf32>,
        %get3A_750 = arith.constant 15 : i32
        %get3A_751 = arith.index_cast %get3A_750 : i32 to index
        %get3A_752 = arith.index_cast %mul3A_486 : i32 to index
        %get3A_753 = tpu.vector_load %arg8[%get3A_751, %get3A_752] {strides = array<i32>} : memref<32x768xf32, #tpu.memory_space<vmem>>, vector<1x16xf32>,
        %get3A_754 = vector.shape_cast %get3A_753 : vector<1x16xf32> to vector<16xf32>
        %mul3A_755 = arith.constant 27.7128124 : f32
        %mul3A_756 = vector.broadcast %mul3A_755 : f32 to vector<16xf32>
        %mul3A_757 = arith.mulf %get3A_754, %mul3A_756 : vector<16xf32>
        %add3A_758 = arith.addf %mul3A_757, %get3A_525 : vector<16xf32>
        %swap3A_759 = arith.constant 15 : i32
        %swap3A_760 = arith.index_cast %swap3A_759 : i32 to index
        %swap3A_761 = arith.index_cast %mul3A_486 : i32 to index
        %swap3A_762 = tpu.vector_load %arg12[%swap3A_760, %swap3A_761] {strides = array<i32>} : memref<32x768xf32, #tpu.memory_space<vmem>>, vector<1x16xf32>,
        %swap3A_763 = vector.shape_cast %swap3A_762 : vector<1x16xf32> to vector<16xf32>
        %swap3A_764 = vector.shape_cast %add3A_758 : vector<16xf32> to vector<1x16xf32>
        tpu.vector_store %arg12[%swap3A_760, %swap3A_761], %swap3A_764 {strides = array<i32>} : memref<32x768xf32, #tpu.memory_space<vmem>>, vector<1x16xf32>,
        %get3A_765 = arith.constant 16 : i32
        %get3A_766 = arith.index_cast %get3A_765 : i32 to index
        %get3A_767 = arith.index_cast %mul3A_486 : i32 to index
        %get3A_768 = tpu.vector_load %arg8[%get3A_766, %get3A_767] {strides = array<i32>} : memref<32x768xf32, #tpu.memory_space<vmem>>, vector<1x16xf32>,
        %get3A_769 = vector.shape_cast %get3A_768 : vector<1x16xf32> to vector<16xf32>
        %mul3A_770 = arith.constant 27.7128124 : f32
        %mul3A_771 = vector.broadcast %mul3A_770 : f32 to vector<16xf32>
        %mul3A_772 = arith.mulf %get3A_769, %mul3A_771 : vector<16xf32>
        %add3A_773 = arith.addf %mul3A_772, %get3A_490 : vector<16xf32>
        %swap3A_774 = arith.constant 16 : i32
        %swap3A_775 = arith.index_cast %swap3A_774 : i32 to index
        %swap3A_776 = arith.index_cast %mul3A_486 : i32 to index
        %swap3A_777 = tpu.vector_load %arg12[%swap3A_775, %swap3A_776] {strides = array<i32>} : memref<32x768xf32, #tpu.memory_space<vmem>>, vector<1x16xf32>,
        %swap3A_778 = vector.shape_cast %swap3A_777 : vector<1x16xf32> to vector<16xf32>
        %swap3A_779 = vector.shape_cast %add3A_773 : vector<16xf32> to vector<1x16xf32>
        tpu.vector_store %arg12[%swap3A_775, %swap3A_776], %swap3A_779 {strides = array<i32>} : memref<32x768xf32, #tpu.memory_space<vmem>>, vector<1x16xf32>,
        %get3A_780 = arith.constant 17 : i32
        %get3A_781 = arith.index_cast %get3A_780 : i32 to index
        %get3A_782 = arith.index_cast %mul3A_486 : i32 to index
        %get3A_783 = tpu.vector_load %arg8[%get3A_781, %get3A_782] {strides = array<i32>} : memref<32x768xf32, #tpu.memory_space<vmem>>, vector<1x16xf32>,
        %get3A_784 = vector.shape_cast %get3A_783 : vector<1x16xf32> to vector<16xf32>
        %mul3A_785 = arith.constant 27.7128124 : f32
        %mul3A_786 = vector.broadcast %mul3A_785 : f32 to vector<16xf32>
        %mul3A_787 = arith.mulf %get3A_784, %mul3A_786 : vector<16xf32>
        %add3A_788 = arith.addf %mul3A_787, %get3A_495 : vector<16xf32>
        %swap3A_789 = arith.constant 17 : i32
        %swap3A_790 = arith.index_cast %swap3A_789 : i32 to index
        %swap3A_791 = arith.index_cast %mul3A_486 : i32 to index
        %swap3A_792 = tpu.vector_load %arg12[%swap3A_790, %swap3A_791] {strides = array<i32>} : memref<32x768xf32, #tpu.memory_space<vmem>>, vector<1x16xf32>,
        %swap3A_793 = vector.shape_cast %swap3A_792 : vector<1x16xf32> to vector<16xf32>
        %swap3A_794 = vector.shape_cast %add3A_788 : vector<16xf32> to vector<1x16xf32>
        tpu.vector_store %arg12[%swap3A_790, %swap3A_791], %swap3A_794 {strides = array<i32>} : memref<32x768xf32, #tpu.memory_space<vmem>>, vector<1x16xf32>,
        %get3A_795 = arith.constant 18 : i32
        %get3A_796 = arith.index_cast %get3A_795 : i32 to index
        %get3A_797 = arith.index_cast %mul3A_486 : i32 to index
        %get3A_798 = tpu.vector_load %arg8[%get3A_796, %get3A_797] {strides = array<i32>} : memref<32x768xf32, #tpu.memory_space<vmem>>, vector<1x16xf32>,
        %get3A_799 = vector.shape_cast %get3A_798 : vector<1x16xf32> to vector<16xf32>
        %mul3A_800 = arith.constant 27.7128124 : f32
        %mul3A_801 = vector.broadcast %mul3A_800 : f32 to vector<16xf32>
        %mul3A_802 = arith.mulf %get3A_799, %mul3A_801 : vector<16xf32>
        %add3A_803 = arith.addf %mul3A_802, %get3A_500 : vector<16xf32>
        %swap3A_804 = arith.constant 18 : i32
        %swap3A_805 = arith.index_cast %swap3A_804 : i32 to index
        %swap3A_806 = arith.index_cast %mul3A_486 : i32 to index
        %swap3A_807 = tpu.vector_load %arg12[%swap3A_805, %swap3A_806] {strides = array<i32>} : memref<32x768xf32, #tpu.memory_space<vmem>>, vector<1x16xf32>,
        %swap3A_808 = vector.shape_cast %swap3A_807 : vector<1x16xf32> to vector<16xf32>
        %swap3A_809 = vector.shape_cast %add3A_803 : vector<16xf32> to vector<1x16xf32>
        tpu.vector_store %arg12[%swap3A_805, %swap3A_806], %swap3A_809 {strides = array<i32>} : memref<32x768xf32, #tpu.memory_space<vmem>>, vector<1x16xf32>,
        %get3A_810 = arith.constant 19 : i32
        %get3A_811 = arith.index_cast %get3A_810 : i32 to index
        %get3A_812 = arith.index_cast %mul3A_486 : i32 to index
        %get3A_813 = tpu.vector_load %arg8[%get3A_811, %get3A_812] {strides = array<i32>} : memref<32x768xf32, #tpu.memory_space<vmem>>, vector<1x16xf32>,
        %get3A_814 = vector.shape_cast %get3A_813 : vector<1x16xf32> to vector<16xf32>
        %mul3A_815 = arith.constant 27.7128124 : f32
        %mul3A_816 = vector.broadcast %mul3A_815 : f32 to vector<16xf32>
        %mul3A_817 = arith.mulf %get3A_814, %mul3A_816 : vector<16xf32>
        %add3A_818 = arith.addf %mul3A_817, %get3A_505 : vector<16xf32>
        %swap3A_819 = arith.constant 19 : i32
        %swap3A_820 = arith.index_cast %swap3A_819 : i32 to index
        %swap3A_821 = arith.index_cast %mul3A_486 : i32 to index
        %swap3A_822 = tpu.vector_load %arg12[%swap3A_820, %swap3A_821] {strides = array<i32>} : memref<32x768xf32, #tpu.memory_space<vmem>>, vector<1x16xf32>,
        %swap3A_823 = vector.shape_cast %swap3A_822 : vector<1x16xf32> to vector<16xf32>
        %swap3A_824 = vector.shape_cast %add3A_818 : vector<16xf32> to vector<1x16xf32>
        tpu.vector_store %arg12[%swap3A_820, %swap3A_821], %swap3A_824 {strides = array<i32>} : memref<32x768xf32, #tpu.memory_space<vmem>>, vector<1x16xf32>,
        %get3A_825 = arith.constant 20 : i32
        %get3A_826 = arith.index_cast %get3A_825 : i32 to index
        %get3A_827 = arith.index_cast %mul3A_486 : i32 to index
        %get3A_828 = tpu.vector_load %arg8[%get3A_826, %get3A_827] {strides = array<i32>} : memref<32x768xf32, #tpu.memory_space<vmem>>, vector<1x16xf32>,
        %get3A_829 = vector.shape_cast %get3A_828 : vector<1x16xf32> to vector<16xf32>
        %mul3A_830 = arith.constant 27.7128124 : f32
        %mul3A_831 = vector.broadcast %mul3A_830 : f32 to vector<16xf32>
        %mul3A_832 = arith.mulf %get3A_829, %mul3A_831 : vector<16xf32>
        %add3A_833 = arith.addf %mul3A_832, %get3A_510 : vector<16xf32>
        %swap3A_834 = arith.constant 20 : i32
        %swap3A_835 = arith.index_cast %swap3A_834 : i32 to index
        %swap3A_836 = arith.index_cast %mul3A_486 : i32 to index
        %swap3A_837 = tpu.vector_load %arg12[%swap3A_835, %swap3A_836] {strides = array<i32>} : memref<32x768xf32, #tpu.memory_space<vmem>>, vector<1x16xf32>,
        %swap3A_838 = vector.shape_cast %swap3A_837 : vector<1x16xf32> to vector<16xf32>
        %swap3A_839 = vector.shape_cast %add3A_833 : vector<16xf32> to vector<1x16xf32>
        tpu.vector_store %arg12[%swap3A_835, %swap3A_836], %swap3A_839 {strides = array<i32>} : memref<32x768xf32, #tpu.memory_space<vmem>>, vector<1x16xf32>,
        %get3A_840 = arith.constant 21 : i32
        %get3A_841 = arith.index_cast %get3A_840 : i32 to index
        %get3A_842 = arith.index_cast %mul3A_486 : i32 to index
        %get3A_843 = tpu.vector_load %arg8[%get3A_841, %get3A_842] {strides = array<i32>} : memref<32x768xf32, #tpu.memory_space<vmem>>, vector<1x16xf32>,
        %get3A_844 = vector.shape_cast %get3A_843 : vector<1x16xf32> to vector<16xf32>
        %mul3A_845 = arith.constant 27.7128124 : f32
        %mul3A_846 = vector.broadcast %mul3A_845 : f32 to vector<16xf32>
        %mul3A_847 = arith.mulf %get3A_844, %mul3A_846 : vector<16xf32>
        %add3A_848 = arith.addf %mul3A_847, %get3A_515 : vector<16xf32>
        %swap3A_849 = arith.constant 21 : i32
        %swap3A_850 = arith.index_cast %swap3A_849 : i32 to index
        %swap3A_851 = arith.index_cast %mul3A_486 : i32 to index
        %swap3A_852 = tpu.vector_load %arg12[%swap3A_850, %swap3A_851] {strides = array<i32>} : memref<32x768xf32, #tpu.memory_space<vmem>>, vector<1x16xf32>,
        %swap3A_853 = vector.shape_cast %swap3A_852 : vector<1x16xf32> to vector<16xf32>
        %swap3A_854 = vector.shape_cast %add3A_848 : vector<16xf32> to vector<1x16xf32>
        tpu.vector_store %arg12[%swap3A_850, %swap3A_851], %swap3A_854 {strides = array<i32>} : memref<32x768xf32, #tpu.memory_space<vmem>>, vector<1x16xf32>,
        %get3A_855 = arith.constant 22 : i32
        %get3A_856 = arith.index_cast %get3A_855 : i32 to index
        %get3A_857 = arith.index_cast %mul3A_486 : i32 to index
        %get3A_858 = tpu.vector_load %arg8[%get3A_856, %get3A_857] {strides = array<i32>} : memref<32x768xf32, #tpu.memory_space<vmem>>, vector<1x16xf32>,
        %get3A_859 = vector.shape_cast %get3A_858 : vector<1x16xf32> to vector<16xf32>
        %mul3A_860 = arith.constant 27.7128124 : f32
        %mul3A_861 = vector.broadcast %mul3A_860 : f32 to vector<16xf32>
        %mul3A_862 = arith.mulf %get3A_859, %mul3A_861 : vector<16xf32>
        %add3A_863 = arith.addf %mul3A_862, %get3A_520 : vector<16xf32>
        %swap3A_864 = arith.constant 22 : i32
        %swap3A_865 = arith.index_cast %swap3A_864 : i32 to index
        %swap3A_866 = arith.index_cast %mul3A_486 : i32 to index
        %swap3A_867 = tpu.vector_load %arg12[%swap3A_865, %swap3A_866] {strides = array<i32>} : memref<32x768xf32, #tpu.memory_space<vmem>>, vector<1x16xf32>,
        %swap3A_868 = vector.shape_cast %swap3A_867 : vector<1x16xf32> to vector<16xf32>
        %swap3A_869 = vector.shape_cast %add3A_863 : vector<16xf32> to vector<1x16xf32>
        tpu.vector_store %arg12[%swap3A_865, %swap3A_866], %swap3A_869 {strides = array<i32>} : memref<32x768xf32, #tpu.memory_space<vmem>>, vector<1x16xf32>,
        %get3A_870 = arith.constant 23 : i32
        %get3A_871 = arith.index_cast %get3A_870 : i32 to index
        %get3A_872 = arith.index_cast %mul3A_486 : i32 to index
        %get3A_873 = tpu.vector_load %arg8[%get3A_871, %get3A_872] {strides = array<i32>} : memref<32x768xf32, #tpu.memory_space<vmem>>, vector<1x16xf32>,
        %get3A_874 = vector.shape_cast %get3A_873 : vector<1x16xf32> to vector<16xf32>
        %mul3A_875 = arith.constant 27.7128124 : f32
        %mul3A_876 = vector.broadcast %mul3A_875 : f32 to vector<16xf32>
        %mul3A_877 = arith.mulf %get3A_874, %mul3A_876 : vector<16xf32>
        %add3A_878 = arith.addf %mul3A_877, %get3A_525 : vector<16xf32>
        %swap3A_879 = arith.constant 23 : i32
        %swap3A_880 = arith.index_cast %swap3A_879 : i32 to index
        %swap3A_881 = arith.index_cast %mul3A_486 : i32 to index
        %swap3A_882 = tpu.vector_load %arg12[%swap3A_880, %swap3A_881] {strides = array<i32>} : memref<32x768xf32, #tpu.memory_space<vmem>>, vector<1x16xf32>,
        %swap3A_883 = vector.shape_cast %swap3A_882 : vector<1x16xf32> to vector<16xf32>
        %swap3A_884 = vector.shape_cast %add3A_878 : vector<16xf32> to vector<1x16xf32>
        tpu.vector_store %arg12[%swap3A_880, %swap3A_881], %swap3A_884 {strides = array<i32>} : memref<32x768xf32, #tpu.memory_space<vmem>>, vector<1x16xf32>,
        %get3A_885 = arith.constant 24 : i32
        %get3A_886 = arith.index_cast %get3A_885 : i32 to index
        %get3A_887 = arith.index_cast %mul3A_486 : i32 to index
        %get3A_888 = tpu.vector_load %arg8[%get3A_886, %get3A_887] {strides = array<i32>} : memref<32x768xf32, #tpu.memory_space<vmem>>, vector<1x16xf32>,
        %get3A_889 = vector.shape_cast %get3A_888 : vector<1x16xf32> to vector<16xf32>
        %mul3A_890 = arith.constant 27.7128124 : f32
        %mul3A_891 = vector.broadcast %mul3A_890 : f32 to vector<16xf32>
        %mul3A_892 = arith.mulf %get3A_889, %mul3A_891 : vector<16xf32>
        %add3A_893 = arith.addf %mul3A_892, %get3A_490 : vector<16xf32>
        %swap3A_894 = arith.constant 24 : i32
        %swap3A_895 = arith.index_cast %swap3A_894 : i32 to index
        %swap3A_896 = arith.index_cast %mul3A_486 : i32 to index
        %swap3A_897 = tpu.vector_load %arg12[%swap3A_895, %swap3A_896] {strides = array<i32>} : memref<32x768xf32, #tpu.memory_space<vmem>>, vector<1x16xf32>,
        %swap3A_898 = vector.shape_cast %swap3A_897 : vector<1x16xf32> to vector<16xf32>
        %swap3A_899 = vector.shape_cast %add3A_893 : vector<16xf32> to vector<1x16xf32>
        tpu.vector_store %arg12[%swap3A_895, %swap3A_896], %swap3A_899 {strides = array<i32>} : memref<32x768xf32, #tpu.memory_space<vmem>>, vector<1x16xf32>,
        %get3A_900 = arith.constant 25 : i32
        %get3A_901 = arith.index_cast %get3A_900 : i32 to index
        %get3A_902 = arith.index_cast %mul3A_486 : i32 to index
        %get3A_903 = tpu.vector_load %arg8[%get3A_901, %get3A_902] {strides = array<i32>} : memref<32x768xf32, #tpu.memory_space<vmem>>, vector<1x16xf32>,
        %get3A_904 = vector.shape_cast %get3A_903 : vector<1x16xf32> to vector<16xf32>
        %mul3A_905 = arith.constant 27.7128124 : f32
        %mul3A_906 = vector.broadcast %mul3A_905 : f32 to vector<16xf32>
        %mul3A_907 = arith.mulf %get3A_904, %mul3A_906 : vector<16xf32>
        %add3A_908 = arith.addf %mul3A_907, %get3A_495 : vector<16xf32>
        %swap3A_909 = arith.constant 25 : i32
        %swap3A_910 = arith.index_cast %swap3A_909 : i32 to index
        %swap3A_911 = arith.index_cast %mul3A_486 : i32 to index
        %swap3A_912 = tpu.vector_load %arg12[%swap3A_910, %swap3A_911] {strides = array<i32>} : memref<32x768xf32, #tpu.memory_space<vmem>>, vector<1x16xf32>,
        %swap3A_913 = vector.shape_cast %swap3A_912 : vector<1x16xf32> to vector<16xf32>
        %swap3A_914 = vector.shape_cast %add3A_908 : vector<16xf32> to vector<1x16xf32>
        tpu.vector_store %arg12[%swap3A_910, %swap3A_911], %swap3A_914 {strides = array<i32>} : memref<32x768xf32, #tpu.memory_space<vmem>>, vector<1x16xf32>,
        %get3A_915 = arith.constant 26 : i32
        %get3A_916 = arith.index_cast %get3A_915 : i32 to index
        %get3A_917 = arith.index_cast %mul3A_486 : i32 to index
        %get3A_918 = tpu.vector_load %arg8[%get3A_916, %get3A_917] {strides = array<i32>} : memref<32x768xf32, #tpu.memory_space<vmem>>, vector<1x16xf32>,
        %get3A_919 = vector.shape_cast %get3A_918 : vector<1x16xf32> to vector<16xf32>
        %mul3A_920 = arith.constant 27.7128124 : f32
        %mul3A_921 = vector.broadcast %mul3A_920 : f32 to vector<16xf32>
        %mul3A_922 = arith.mulf %get3A_919, %mul3A_921 : vector<16xf32>
        %add3A_923 = arith.addf %mul3A_922, %get3A_500 : vector<16xf32>
        %swap3A_924 = arith.constant 26 : i32
        %swap3A_925 = arith.index_cast %swap3A_924 : i32 to index
        %swap3A_926 = arith.index_cast %mul3A_486 : i32 to index
        %swap3A_927 = tpu.vector_load %arg12[%swap3A_925, %swap3A_926] {strides = array<i32>} : memref<32x768xf32, #tpu.memory_space<vmem>>, vector<1x16xf32>,
        %swap3A_928 = vector.shape_cast %swap3A_927 : vector<1x16xf32> to vector<16xf32>
        %swap3A_929 = vector.shape_cast %add3A_923 : vector<16xf32> to vector<1x16xf32>
        tpu.vector_store %arg12[%swap3A_925, %swap3A_926], %swap3A_929 {strides = array<i32>} : memref<32x768xf32, #tpu.memory_space<vmem>>, vector<1x16xf32>,
        %get3A_930 = arith.constant 27 : i32
        %get3A_931 = arith.index_cast %get3A_930 : i32 to index
        %get3A_932 = arith.index_cast %mul3A_486 : i32 to index
        %get3A_933 = tpu.vector_load %arg8[%get3A_931, %get3A_932] {strides = array<i32>} : memref<32x768xf32, #tpu.memory_space<vmem>>, vector<1x16xf32>,
        %get3A_934 = vector.shape_cast %get3A_933 : vector<1x16xf32> to vector<16xf32>
        %mul3A_935 = arith.constant 27.7128124 : f32
        %mul3A_936 = vector.broadcast %mul3A_935 : f32 to vector<16xf32>
        %mul3A_937 = arith.mulf %get3A_934, %mul3A_936 : vector<16xf32>
        %add3A_938 = arith.addf %mul3A_937, %get3A_505 : vector<16xf32>
        %swap3A_939 = arith.constant 27 : i32
        %swap3A_940 = arith.index_cast %swap3A_939 : i32 to index
        %swap3A_941 = arith.index_cast %mul3A_486 : i32 to index
        %swap3A_942 = tpu.vector_load %arg12[%swap3A_940, %swap3A_941] {strides = array<i32>} : memref<32x768xf32, #tpu.memory_space<vmem>>, vector<1x16xf32>,
        %swap3A_943 = vector.shape_cast %swap3A_942 : vector<1x16xf32> to vector<16xf32>
        %swap3A_944 = vector.shape_cast %add3A_938 : vector<16xf32> to vector<1x16xf32>
        tpu.vector_store %arg12[%swap3A_940, %swap3A_941], %swap3A_944 {strides = array<i32>} : memref<32x768xf32, #tpu.memory_space<vmem>>, vector<1x16xf32>,
        %get3A_945 = arith.constant 28 : i32
        %get3A_946 = arith.index_cast %get3A_945 : i32 to index
        %get3A_947 = arith.index_cast %mul3A_486 : i32 to index
        %get3A_948 = tpu.vector_load %arg8[%get3A_946, %get3A_947] {strides = array<i32>} : memref<32x768xf32, #tpu.memory_space<vmem>>, vector<1x16xf32>,
        %get3A_949 = vector.shape_cast %get3A_948 : vector<1x16xf32> to vector<16xf32>
        %mul3A_950 = arith.constant 27.7128124 : f32
        %mul3A_951 = vector.broadcast %mul3A_950 : f32 to vector<16xf32>
        %mul3A_952 = arith.mulf %get3A_949, %mul3A_951 : vector<16xf32>
        %add3A_953 = arith.addf %mul3A_952, %get3A_510 : vector<16xf32>
        %swap3A_954 = arith.constant 28 : i32
        %swap3A_955 = arith.index_cast %swap3A_954 : i32 to index
        %swap3A_956 = arith.index_cast %mul3A_486 : i32 to index
        %swap3A_957 = tpu.vector_load %arg12[%swap3A_955, %swap3A_956] {strides = array<i32>} : memref<32x768xf32, #tpu.memory_space<vmem>>, vector<1x16xf32>,
        %swap3A_958 = vector.shape_cast %swap3A_957 : vector<1x16xf32> to vector<16xf32>
        %swap3A_959 = vector.shape_cast %add3A_953 : vector<16xf32> to vector<1x16xf32>
        tpu.vector_store %arg12[%swap3A_955, %swap3A_956], %swap3A_959 {strides = array<i32>} : memref<32x768xf32, #tpu.memory_space<vmem>>, vector<1x16xf32>,
        %get3A_960 = arith.constant 29 : i32
        %get3A_961 = arith.index_cast %get3A_960 : i32 to index
        %get3A_962 = arith.index_cast %mul3A_486 : i32 to index
        %get3A_963 = tpu.vector_load %arg8[%get3A_961, %get3A_962] {strides = array<i32>} : memref<32x768xf32, #tpu.memory_space<vmem>>, vector<1x16xf32>,
        %get3A_964 = vector.shape_cast %get3A_963 : vector<1x16xf32> to vector<16xf32>
        %mul3A_965 = arith.constant 27.7128124 : f32
        %mul3A_966 = vector.broadcast %mul3A_965 : f32 to vector<16xf32>
        %mul3A_967 = arith.mulf %get3A_964, %mul3A_966 : vector<16xf32>
        %add3A_968 = arith.addf %mul3A_967, %get3A_515 : vector<16xf32>
        %swap3A_969 = arith.constant 29 : i32
        %swap3A_970 = arith.index_cast %swap3A_969 : i32 to index
        %swap3A_971 = arith.index_cast %mul3A_486 : i32 to index
        %swap3A_972 = tpu.vector_load %arg12[%swap3A_970, %swap3A_971] {strides = array<i32>} : memref<32x768xf32, #tpu.memory_space<vmem>>, vector<1x16xf32>,
        %swap3A_973 = vector.shape_cast %swap3A_972 : vector<1x16xf32> to vector<16xf32>
        %swap3A_974 = vector.shape_cast %add3A_968 : vector<16xf32> to vector<1x16xf32>
        tpu.vector_store %arg12[%swap3A_970, %swap3A_971], %swap3A_974 {strides = array<i32>} : memref<32x768xf32, #tpu.memory_space<vmem>>, vector<1x16xf32>,
        %get3A_975 = arith.constant 30 : i32
        %get3A_976 = arith.index_cast %get3A_975 : i32 to index
        %get3A_977 = arith.index_cast %mul3A_486 : i32 to index
        %get3A_978 = tpu.vector_load %arg8[%get3A_976, %get3A_977] {strides = array<i32>} : memref<32x768xf32, #tpu.memory_space<vmem>>, vector<1x16xf32>,
        %get3A_979 = vector.shape_cast %get3A_978 : vector<1x16xf32> to vector<16xf32>
        %mul3A_980 = arith.constant 27.7128124 : f32
        %mul3A_981 = vector.broadcast %mul3A_980 : f32 to vector<16xf32>
        %mul3A_982 = arith.mulf %get3A_979, %mul3A_981 : vector<16xf32>
        %add3A_983 = arith.addf %mul3A_982, %get3A_520 : vector<16xf32>
        %swap3A_984 = arith.constant 30 : i32
        %swap3A_985 = arith.index_cast %swap3A_984 : i32 to index
        %swap3A_986 = arith.index_cast %mul3A_486 : i32 to index
        %swap3A_987 = tpu.vector_load %arg12[%swap3A_985, %swap3A_986] {strides = array<i32>} : memref<32x768xf32, #tpu.memory_space<vmem>>, vector<1x16xf32>,
        %swap3A_988 = vector.shape_cast %swap3A_987 : vector<1x16xf32> to vector<16xf32>
        %swap3A_989 = vector.shape_cast %add3A_983 : vector<16xf32> to vector<1x16xf32>
        tpu.vector_store %arg12[%swap3A_985, %swap3A_986], %swap3A_989 {strides = array<i32>} : memref<32x768xf32, #tpu.memory_space<vmem>>, vector<1x16xf32>,
        %get3A_990 = arith.constant 31 : i32
        %get3A_991 = arith.index_cast %get3A_990 : i32 to index
        %get3A_992 = arith.index_cast %mul3A_486 : i32 to index
        %get3A_993 = tpu.vector_load %arg8[%get3A_991, %get3A_992] {strides = array<i32>} : memref<32x768xf32, #tpu.memory_space<vmem>>, vector<1x16xf32>,
        %get3A_994 = vector.shape_cast %get3A_993 : vector<1x16xf32> to vector<16xf32>
        %mul3A_995 = arith.constant 27.7128124 : f32
        %mul3A_996 = vector.broadcast %mul3A_995 : f32 to vector<16xf32>
        %mul3A_997 = arith.mulf %get3A_994, %mul3A_996 : vector<16xf32>
        %add3A_998 = arith.addf %mul3A_997, %get3A_525 : vector<16xf32>
        %swap3A_999 = arith.constant 31 : i32
        %swap3A_1000 = arith.index_cast %swap3A_999 : i32 to index
        %swap3A_1001 = arith.index_cast %mul3A_486 : i32 to index
        %swap3A_1002 = tpu.vector_load %arg12[%swap3A_1000, %swap3A_1001] {strides = array<i32>} : memref<32x768xf32, #tpu.memory_space<vmem>>, vector<1x16xf32>,
        %swap3A_1003 = vector.shape_cast %swap3A_1002 : vector<1x16xf32> to vector<16xf32>
        %swap3A_1004 = vector.shape_cast %add3A_998 : vector<16xf32> to vector<1x16xf32>
        tpu.vector_store %arg12[%swap3A_1000, %swap3A_1001], %swap3A_1004 {strides = array<i32>} : memref<32x768xf32, #tpu.memory_space<vmem>>, vector<1x16xf32>,
        %scan3A_1005 = arith.constant 0 : i32
        scf.yield %scan3A_1005 : i32
      }
      %scan3A_414 = arith.constant 48 : i32
      %add3A_415 = arith.constant 0 : i32
      %add3A_416 = arith.addi %add3A_415, %mul3A_2 : i32
      %mul3A_417 = arith.constant 8 : i32
      %mul3A_418 = arith.muli %add3A_351, %mul3A_417 : i32
      %add3A_419 = arith.addi %add3A_416, %mul3A_418 : i32
      %dma_start3A_420 = arith.constant 0 : i32
      %dma_start3A_421 = arith.constant 0 : i32
      %dma_start3A_422 = tpu.memref_slice %arg12[%dma_start3A_420, %dma_start3A_421] : memref<32x768xf32, #tpu.memory_space<vmem>> -> memref<8x768xf32, #tpu.memory_space<vmem>>
      %dma_start3A_423 = arith.constant 0 : i32
      %dma_start3A_424 = tpu.memref_slice %arg5[%add3A_419, %dma_start3A_423] : memref<32768x768xf32, #tpu.memory_space<hbm>> -> memref<8x768xf32, #tpu.memory_space<hbm>>
      %dma_start3A_425 = arith.constant 0 : i32
      %dma_start3A_426 = tpu.memref_slice %arg5[%add3A_419, %dma_start3A_425] : memref<32768x768xf32, #tpu.memory_space<hbm>> -> memref<8x768xf32, #tpu.memory_space<hbm>>
      %dma_start3A_427 = arith.constant 0 : i32
      %dma_start3A_428 = arith.constant 0 : i32
      %dma_start3A_429 = tpu.memref_slice %arg12[%dma_start3A_427, %dma_start3A_428] : memref<32x768xf32, #tpu.memory_space<vmem>> -> memref<8x768xf32, #tpu.memory_space<vmem>>
      tpu.enqueue_dma source(%dma_start3A_429 : memref<8x768xf32, #tpu.memory_space<vmem>>) target(%dma_start3A_426 : memref<8x768xf32, #tpu.memory_space<hbm>>) target_semaphore(%arg18 : memref<!tpu.dma_semaphore, #tpu.memory_space<semaphore_mem>>)
      %add3A_430 = arith.constant 8192 : i32
      %add3A_431 = arith.addi %add3A_430, %mul3A_2 : i32
      %mul3A_432 = arith.constant 8 : i32
      %mul3A_433 = arith.muli %add3A_351, %mul3A_432 : i32
      %add3A_434 = arith.addi %add3A_431, %mul3A_433 : i32
      %dma_start3A_435 = arith.constant 8 : i32
      %dma_start3A_436 = arith.constant 0 : i32
      %dma_start3A_437 = tpu.memref_slice %arg12[%dma_start3A_435, %dma_start3A_436] : memref<32x768xf32, #tpu.memory_space<vmem>> -> memref<8x768xf32, #tpu.memory_space<vmem>>
      %dma_start3A_438 = arith.constant 0 : i32
      %dma_start3A_439 = tpu.memref_slice %arg5[%add3A_434, %dma_start3A_438] : memref<32768x768xf32, #tpu.memory_space<hbm>> -> memref<8x768xf32, #tpu.memory_space<hbm>>
      %dma_start3A_440 = arith.constant 0 : i32
      %dma_start3A_441 = tpu.memref_slice %arg5[%add3A_434, %dma_start3A_440] : memref<32768x768xf32, #tpu.memory_space<hbm>> -> memref<8x768xf32, #tpu.memory_space<hbm>>
      %dma_start3A_442 = arith.constant 8 : i32
      %dma_start3A_443 = arith.constant 0 : i32
      %dma_start3A_444 = tpu.memref_slice %arg12[%dma_start3A_442, %dma_start3A_443] : memref<32x768xf32, #tpu.memory_space<vmem>> -> memref<8x768xf32, #tpu.memory_space<vmem>>
      tpu.enqueue_dma source(%dma_start3A_444 : memref<8x768xf32, #tpu.memory_space<vmem>>) target(%dma_start3A_441 : memref<8x768xf32, #tpu.memory_space<hbm>>) target_semaphore(%arg18 : memref<!tpu.dma_semaphore, #tpu.memory_space<semaphore_mem>>)
      %add3A_445 = arith.constant 16384 : i32
      %add3A_446 = arith.addi %add3A_445, %mul3A_2 : i32
      %mul3A_447 = arith.constant 8 : i32
      %mul3A_448 = arith.muli %add3A_351, %mul3A_447 : i32
      %add3A_449 = arith.addi %add3A_446, %mul3A_448 : i32
      %dma_start3A_450 = arith.constant 16 : i32
      %dma_start3A_451 = arith.constant 0 : i32
      %dma_start3A_452 = tpu.memref_slice %arg12[%dma_start3A_450, %dma_start3A_451] : memref<32x768xf32, #tpu.memory_space<vmem>> -> memref<8x768xf32, #tpu.memory_space<vmem>>
      %dma_start3A_453 = arith.constant 0 : i32
      %dma_start3A_454 = tpu.memref_slice %arg5[%add3A_449, %dma_start3A_453] : memref<32768x768xf32, #tpu.memory_space<hbm>> -> memref<8x768xf32, #tpu.memory_space<hbm>>
      %dma_start3A_455 = arith.constant 0 : i32
      %dma_start3A_456 = tpu.memref_slice %arg5[%add3A_449, %dma_start3A_455] : memref<32768x768xf32, #tpu.memory_space<hbm>> -> memref<8x768xf32, #tpu.memory_space<hbm>>
      %dma_start3A_457 = arith.constant 16 : i32
      %dma_start3A_458 = arith.constant 0 : i32
      %dma_start3A_459 = tpu.memref_slice %arg12[%dma_start3A_457, %dma_start3A_458] : memref<32x768xf32, #tpu.memory_space<vmem>> -> memref<8x768xf32, #tpu.memory_space<vmem>>
      tpu.enqueue_dma source(%dma_start3A_459 : memref<8x768xf32, #tpu.memory_space<vmem>>) target(%dma_start3A_456 : memref<8x768xf32, #tpu.memory_space<hbm>>) target_semaphore(%arg18 : memref<!tpu.dma_semaphore, #tpu.memory_space<semaphore_mem>>)
      %add3A_460 = arith.constant 24576 : i32
      %add3A_461 = arith.addi %add3A_460, %mul3A_2 : i32
      %mul3A_462 = arith.constant 8 : i32
      %mul3A_463 = arith.muli %add3A_351, %mul3A_462 : i32
      %add3A_464 = arith.addi %add3A_461, %mul3A_463 : i32
      %dma_start3A_465 = arith.constant 24 : i32
      %dma_start3A_466 = arith.constant 0 : i32
      %dma_start3A_467 = tpu.memref_slice %arg12[%dma_start3A_465, %dma_start3A_466] : memref<32x768xf32, #tpu.memory_space<vmem>> -> memref<8x768xf32, #tpu.memory_space<vmem>>
      %dma_start3A_468 = arith.constant 0 : i32
      %dma_start3A_469 = tpu.memref_slice %arg5[%add3A_464, %dma_start3A_468] : memref<32768x768xf32, #tpu.memory_space<hbm>> -> memref<8x768xf32, #tpu.memory_space<hbm>>
      %dma_start3A_470 = arith.constant 0 : i32
      %dma_start3A_471 = tpu.memref_slice %arg5[%add3A_464, %dma_start3A_470] : memref<32768x768xf32, #tpu.memory_space<hbm>> -> memref<8x768xf32, #tpu.memory_space<hbm>>
      %dma_start3A_472 = arith.constant 24 : i32
      %dma_start3A_473 = arith.constant 0 : i32
      %dma_start3A_474 = tpu.memref_slice %arg12[%dma_start3A_472, %dma_start3A_473] : memref<32x768xf32, #tpu.memory_space<vmem>> -> memref<8x768xf32, #tpu.memory_space<vmem>>
      tpu.enqueue_dma source(%dma_start3A_474 : memref<8x768xf32, #tpu.memory_space<vmem>>) target(%dma_start3A_471 : memref<8x768xf32, #tpu.memory_space<hbm>>) target_semaphore(%arg18 : memref<!tpu.dma_semaphore, #tpu.memory_space<semaphore_mem>>)
      %add3A_475 = arith.constant 2 : i32
      %add3A_476 = arith.addi %add3A_351, %add3A_475 : i32
      %lt3A_477 = arith.constant 32 : i32
      %lt3A_478 = arith.cmpi slt, %add3A_476, %lt3A_477 : i32
      %convert_element_type3A_479 = arith.extui %lt3A_478 : i1 to i32
      %cond3A_480 = arith.constant 0 : i32
      %cond3A_481 = arith.cmpi ne, %convert_element_type3A_479, %cond3A_480 : i32
      scf.if %cond3A_481 {
        %add3A_483 = arith.constant 2 : i32
        %add3A_484 = arith.addi %add3A_351, %add3A_483 : i32
        %mul3A_485 = arith.constant 8 : i32
        %mul3A_486 = arith.muli %add3A_484, %mul3A_485 : i32
        %dma_start3A_487 = arith.constant 0 : i32
        %dma_start3A_488 = arith.constant 0 : i32
        %dma_start3A_489 = arith.constant 0 : i32
        %dma_start3A_490 = tpu.memref_slice %arg8[%dma_start3A_488, %dma_start3A_489] : memref<32x768xf32, #tpu.memory_space<vmem>> -> memref<8x768xf32, #tpu.memory_space<vmem>>
        %dma_start3A_491 = tpu.memref_slice %arg6[%dma_start3A_487, %mul3A_486] : memref<4x256xi32, #tpu.memory_space<vmem>> -> memref<1x8xi32, #tpu.memory_space<vmem>>
        %dma_start3A_492 = tpu.memref_squeeze %dma_start3A_491 : memref<1x8xi32, #tpu.memory_space<vmem>> -> memref<8xi32, #tpu.memory_space<vmem>>
        %dma_start3A_493 = arith.constant 0 : i32
        %dma_start3A_494 = arith.constant 0 : i32
        %dma_start3A_495 = tpu.memref_slice %arg4[%dma_start3A_493, %dma_start3A_494] : memref<100000x768xf32, #tpu.memory_space<hbm>> -> memref<100000x768xf32, #tpu.memory_space<hbm>>
        tpu.enqueue_indirect_dma source(%dma_start3A_495 : memref<100000x768xf32, #tpu.memory_space<hbm>>) target(%dma_start3A_490 : memref<8x768xf32, #tpu.memory_space<vmem>>) offsets(%dma_start3A_492 : memref<8xi32, #tpu.memory_space<vmem>>) semaphore(%arg14 : memref<!tpu.dma_semaphore, #tpu.memory_space<semaphore_mem>>)
        %mul3A_496 = arith.constant 8 : i32
        %mul3A_497 = arith.muli %add3A_484, %mul3A_496 : i32
        %dma_start3A_498 = arith.constant 1 : i32
        %dma_start3A_499 = arith.constant 8 : i32
        %dma_start3A_500 = arith.constant 0 : i32
        %dma_start3A_501 = tpu.memref_slice %arg8[%dma_start3A_499, %dma_start3A_500] : memref<32x768xf32, #tpu.memory_space<vmem>> -> memref<8x768xf32, #tpu.memory_space<vmem>>
        %dma_start3A_502 = tpu.memref_slice %arg6[%dma_start3A_498, %mul3A_497] : memref<4x256xi32, #tpu.memory_space<vmem>> -> memref<1x8xi32, #tpu.memory_space<vmem>>
        %dma_start3A_503 = tpu.memref_squeeze %dma_start3A_502 : memref<1x8xi32, #tpu.memory_space<vmem>> -> memref<8xi32, #tpu.memory_space<vmem>>
        %dma_start3A_504 = arith.constant 0 : i32
        %dma_start3A_505 = arith.constant 0 : i32
        %dma_start3A_506 = tpu.memref_slice %arg4[%dma_start3A_504, %dma_start3A_505] : memref<100000x768xf32, #tpu.memory_space<hbm>> -> memref<100000x768xf32, #tpu.memory_space<hbm>>
        tpu.enqueue_indirect_dma source(%dma_start3A_506 : memref<100000x768xf32, #tpu.memory_space<hbm>>) target(%dma_start3A_501 : memref<8x768xf32, #tpu.memory_space<vmem>>) offsets(%dma_start3A_503 : memref<8xi32, #tpu.memory_space<vmem>>) semaphore(%arg14 : memref<!tpu.dma_semaphore, #tpu.memory_space<semaphore_mem>>)
        %mul3A_507 = arith.constant 8 : i32
        %mul3A_508 = arith.muli %add3A_484, %mul3A_507 : i32
        %dma_start3A_509 = arith.constant 2 : i32
        %dma_start3A_510 = arith.constant 16 : i32
        %dma_start3A_511 = arith.constant 0 : i32
        %dma_start3A_512 = tpu.memref_slice %arg8[%dma_start3A_510, %dma_start3A_511] : memref<32x768xf32, #tpu.memory_space<vmem>> -> memref<8x768xf32, #tpu.memory_space<vmem>>
        %dma_start3A_513 = tpu.memref_slice %arg6[%dma_start3A_509, %mul3A_508] : memref<4x256xi32, #tpu.memory_space<vmem>> -> memref<1x8xi32, #tpu.memory_space<vmem>>
        %dma_start3A_514 = tpu.memref_squeeze %dma_start3A_513 : memref<1x8xi32, #tpu.memory_space<vmem>> -> memref<8xi32, #tpu.memory_space<vmem>>
        %dma_start3A_515 = arith.constant 0 : i32
        %dma_start3A_516 = arith.constant 0 : i32
        %dma_start3A_517 = tpu.memref_slice %arg4[%dma_start3A_515, %dma_start3A_516] : memref<100000x768xf32, #tpu.memory_space<hbm>> -> memref<100000x768xf32, #tpu.memory_space<hbm>>
        tpu.enqueue_indirect_dma source(%dma_start3A_517 : memref<100000x768xf32, #tpu.memory_space<hbm>>) target(%dma_start3A_512 : memref<8x768xf32, #tpu.memory_space<vmem>>) offsets(%dma_start3A_514 : memref<8xi32, #tpu.memory_space<vmem>>) semaphore(%arg14 : memref<!tpu.dma_semaphore, #tpu.memory_space<semaphore_mem>>)
        %mul3A_518 = arith.constant 8 : i32
        %mul3A_519 = arith.muli %add3A_484, %mul3A_518 : i32
        %dma_start3A_520 = arith.constant 3 : i32
        %dma_start3A_521 = arith.constant 24 : i32
        %dma_start3A_522 = arith.constant 0 : i32
        %dma_start3A_523 = tpu.memref_slice %arg8[%dma_start3A_521, %dma_start3A_522] : memref<32x768xf32, #tpu.memory_space<vmem>> -> memref<8x768xf32, #tpu.memory_space<vmem>>
        %dma_start3A_524 = tpu.memref_slice %arg6[%dma_start3A_520, %mul3A_519] : memref<4x256xi32, #tpu.memory_space<vmem>> -> memref<1x8xi32, #tpu.memory_space<vmem>>
        %dma_start3A_525 = tpu.memref_squeeze %dma_start3A_524 : memref<1x8xi32, #tpu.memory_space<vmem>> -> memref<8xi32, #tpu.memory_space<vmem>>
        %dma_start3A_526 = arith.constant 0 : i32
        %dma_start3A_527 = arith.constant 0 : i32
        %dma_start3A_528 = tpu.memref_slice %arg4[%dma_start3A_526, %dma_start3A_527] : memref<100000x768xf32, #tpu.memory_space<hbm>> -> memref<100000x768xf32, #tpu.memory_space<hbm>>
        tpu.enqueue_indirect_dma source(%dma_start3A_528 : memref<100000x768xf32, #tpu.memory_space<hbm>>) target(%dma_start3A_523 : memref<8x768xf32, #tpu.memory_space<vmem>>) offsets(%dma_start3A_525 : memref<8xi32, #tpu.memory_space<vmem>>) semaphore(%arg14 : memref<!tpu.dma_semaphore, #tpu.memory_space<semaphore_mem>>)
        %mul3A_529 = arith.constant 8 : i32
        %mul3A_530 = arith.muli %add3A_484, %mul3A_529 : i32
        %add3A_531 = arith.addi %mul3A_2, %mul3A_530 : i32
        %dma_start3A_532 = arith.constant 0 : i32
        %dma_start3A_533 = tpu.memref_slice %arg3[%add3A_531, %dma_start3A_532] : memref<8192x768xf32, #tpu.memory_space<hbm>> -> memref<8x768xf32, #tpu.memory_space<hbm>>
        %dma_start3A_534 = arith.constant 0 : i32
        %dma_start3A_535 = tpu.memref_slice %arg3[%add3A_531, %dma_start3A_534] : memref<8192x768xf32, #tpu.memory_space<hbm>> -> memref<8x768xf32, #tpu.memory_space<hbm>>
        tpu.enqueue_dma source(%dma_start3A_535 : memref<8x768xf32, #tpu.memory_space<hbm>>) target(%arg10 : memref<8x768xf32, #tpu.memory_space<vmem>>) target_semaphore(%arg16 : memref<!tpu.dma_semaphore, #tpu.memory_space<semaphore_mem>>)
      } else {
      }
      %scan3A_482 = arith.constant 0 : i32
      scf.yield %scan3A_482 : i32
    }
    %scan3A_106 = arith.constant 16 : i32
    %add3A_107 = arith.constant 0 : i32
    %add3A_108 = arith.addi %add3A_107, %mul3A_2 : i32
    %add3A_109 = arith.constant 240 : i32
    %add3A_110 = arith.addi %add3A_108, %add3A_109 : i32
    %dma_wait3A = arith.constant 0 : i32
    %dma_wait3A_111 = arith.constant 0 : i32
    %dma_wait3A_112 = tpu.memref_slice %arg11[%dma_wait3A, %dma_wait3A_111] : memref<32x768xf32, #tpu.memory_space<vmem>> -> memref<8x768xf32, #tpu.memory_space<vmem>>
    %dma_wait3A_113 = arith.constant 0 : i32
    %dma_wait3A_114 = tpu.memref_slice %arg5[%add3A_110, %dma_wait3A_113] : memref<32768x768xf32, #tpu.memory_space<hbm>> -> memref<8x768xf32, #tpu.memory_space<hbm>>
    %dma_wait3A_115 = arith.constant 0 : i32
    %dma_wait3A_116 = tpu.memref_slice %arg5[%add3A_110, %dma_wait3A_115] : memref<32768x768xf32, #tpu.memory_space<hbm>> -> memref<8x768xf32, #tpu.memory_space<hbm>>
    %dma_wait3A_117 = arith.constant 0 : i32
    %dma_wait3A_118 = arith.constant 0 : i32
    %dma_wait3A_119 = tpu.memref_slice %arg11[%dma_wait3A_117, %dma_wait3A_118] : memref<32x768xf32, #tpu.memory_space<vmem>> -> memref<8x768xf32, #tpu.memory_space<vmem>>
    tpu.wait_dma2 semaphore(%arg17 : memref<!tpu.dma_semaphore, #tpu.memory_space<semaphore_mem>>) src(%dma_wait3A_119 : memref<8x768xf32, #tpu.memory_space<vmem>>) dst(%dma_wait3A_116 : memref<8x768xf32, #tpu.memory_space<hbm>>)
    %add3A_120 = arith.constant 0 : i32
    %add3A_121 = arith.addi %add3A_120, %mul3A_2 : i32
    %add3A_122 = arith.constant 248 : i32
    %add3A_123 = arith.addi %add3A_121, %add3A_122 : i32
    %dma_wait3A_124 = arith.constant 0 : i32
    %dma_wait3A_125 = arith.constant 0 : i32
    %dma_wait3A_126 = tpu.memref_slice %arg12[%dma_wait3A_124, %dma_wait3A_125] : memref<32x768xf32, #tpu.memory_space<vmem>> -> memref<8x768xf32, #tpu.memory_space<vmem>>
    %dma_wait3A_127 = arith.constant 0 : i32
    %dma_wait3A_128 = tpu.memref_slice %arg5[%add3A_123, %dma_wait3A_127] : memref<32768x768xf32, #tpu.memory_space<hbm>> -> memref<8x768xf32, #tpu.memory_space<hbm>>
    %dma_wait3A_129 = arith.constant 0 : i32
    %dma_wait3A_130 = tpu.memref_slice %arg5[%add3A_123, %dma_wait3A_129] : memref<32768x768xf32, #tpu.memory_space<hbm>> -> memref<8x768xf32, #tpu.memory_space<hbm>>
    %dma_wait3A_131 = arith.constant 0 : i32
    %dma_wait3A_132 = arith.constant 0 : i32
    %dma_wait3A_133 = tpu.memref_slice %arg12[%dma_wait3A_131, %dma_wait3A_132] : memref<32x768xf32, #tpu.memory_space<vmem>> -> memref<8x768xf32, #tpu.memory_space<vmem>>
    tpu.wait_dma2 semaphore(%arg18 : memref<!tpu.dma_semaphore, #tpu.memory_space<semaphore_mem>>) src(%dma_wait3A_133 : memref<8x768xf32, #tpu.memory_space<vmem>>) dst(%dma_wait3A_130 : memref<8x768xf32, #tpu.memory_space<hbm>>)
    %add3A_134 = arith.constant 8192 : i32
    %add3A_135 = arith.addi %add3A_134, %mul3A_2 : i32
    %add3A_136 = arith.constant 240 : i32
    %add3A_137 = arith.addi %add3A_135, %add3A_136 : i32
    %dma_wait3A_138 = arith.constant 8 : i32
    %dma_wait3A_139 = arith.constant 0 : i32
    %dma_wait3A_140 = tpu.memref_slice %arg11[%dma_wait3A_138, %dma_wait3A_139] : memref<32x768xf32, #tpu.memory_space<vmem>> -> memref<8x768xf32, #tpu.memory_space<vmem>>
    %dma_wait3A_141 = arith.constant 0 : i32
    %dma_wait3A_142 = tpu.memref_slice %arg5[%add3A_137, %dma_wait3A_141] : memref<32768x768xf32, #tpu.memory_space<hbm>> -> memref<8x768xf32, #tpu.memory_space<hbm>>
    %dma_wait3A_143 = arith.constant 0 : i32
    %dma_wait3A_144 = tpu.memref_slice %arg5[%add3A_137, %dma_wait3A_143] : memref<32768x768xf32, #tpu.memory_space<hbm>> -> memref<8x768xf32, #tpu.memory_space<hbm>>
    %dma_wait3A_145 = arith.constant 8 : i32
    %dma_wait3A_146 = arith.constant 0 : i32
    %dma_wait3A_147 = tpu.memref_slice %arg11[%dma_wait3A_145, %dma_wait3A_146] : memref<32x768xf32, #tpu.memory_space<vmem>> -> memref<8x768xf32, #tpu.memory_space<vmem>>
    tpu.wait_dma2 semaphore(%arg17 : memref<!tpu.dma_semaphore, #tpu.memory_space<semaphore_mem>>) src(%dma_wait3A_147 : memref<8x768xf32, #tpu.memory_space<vmem>>) dst(%dma_wait3A_144 : memref<8x768xf32, #tpu.memory_space<hbm>>)
    %add3A_148 = arith.constant 8192 : i32
    %add3A_149 = arith.addi %add3A_148, %mul3A_2 : i32
    %add3A_150 = arith.constant 248 : i32
    %add3A_151 = arith.addi %add3A_149, %add3A_150 : i32
    %dma_wait3A_152 = arith.constant 8 : i32
    %dma_wait3A_153 = arith.constant 0 : i32
    %dma_wait3A_154 = tpu.memref_slice %arg12[%dma_wait3A_152, %dma_wait3A_153] : memref<32x768xf32, #tpu.memory_space<vmem>> -> memref<8x768xf32, #tpu.memory_space<vmem>>
    %dma_wait3A_155 = arith.constant 0 : i32
    %dma_wait3A_156 = tpu.memref_slice %arg5[%add3A_151, %dma_wait3A_155] : memref<32768x768xf32, #tpu.memory_space<hbm>> -> memref<8x768xf32, #tpu.memory_space<hbm>>
    %dma_wait3A_157 = arith.constant 0 : i32
    %dma_wait3A_158 = tpu.memref_slice %arg5[%add3A_151, %dma_wait3A_157] : memref<32768x768xf32, #tpu.memory_space<hbm>> -> memref<8x768xf32, #tpu.memory_space<hbm>>
    %dma_wait3A_159 = arith.constant 8 : i32
    %dma_wait3A_160 = arith.constant 0 : i32
    %dma_wait3A_161 = tpu.memref_slice %arg12[%dma_wait3A_159, %dma_wait3A_160] : memref<32x768xf32, #tpu.memory_space<vmem>> -> memref<8x768xf32, #tpu.memory_space<vmem>>
    tpu.wait_dma2 semaphore(%arg18 : memref<!tpu.dma_semaphore, #tpu.memory_space<semaphore_mem>>) src(%dma_wait3A_161 : memref<8x768xf32, #tpu.memory_space<vmem>>) dst(%dma_wait3A_158 : memref<8x768xf32, #tpu.memory_space<hbm>>)
    %add3A_162 = arith.constant 16384 : i32
    %add3A_163 = arith.addi %add3A_162, %mul3A_2 : i32
    %add3A_164 = arith.constant 240 : i32
    %add3A_165 = arith.addi %add3A_163, %add3A_164 : i32
    %dma_wait3A_166 = arith.constant 16 : i32
    %dma_wait3A_167 = arith.constant 0 : i32
    %dma_wait3A_168 = tpu.memref_slice %arg11[%dma_wait3A_166, %dma_wait3A_167] : memref<32x768xf32, #tpu.memory_space<vmem>> -> memref<8x768xf32, #tpu.memory_space<vmem>>
    %dma_wait3A_169 = arith.constant 0 : i32
    %dma_wait3A_170 = tpu.memref_slice %arg5[%add3A_165, %dma_wait3A_169] : memref<32768x768xf32, #tpu.memory_space<hbm>> -> memref<8x768xf32, #tpu.memory_space<hbm>>
    %dma_wait3A_171 = arith.constant 0 : i32
    %dma_wait3A_172 = tpu.memref_slice %arg5[%add3A_165, %dma_wait3A_171] : memref<32768x768xf32, #tpu.memory_space<hbm>> -> memref<8x768xf32, #tpu.memory_space<hbm>>
    %dma_wait3A_173 = arith.constant 16 : i32
    %dma_wait3A_174 = arith.constant 0 : i32
    %dma_wait3A_175 = tpu.memref_slice %arg11[%dma_wait3A_173, %dma_wait3A_174] : memref<32x768xf32, #tpu.memory_space<vmem>> -> memref<8x768xf32, #tpu.memory_space<vmem>>
    tpu.wait_dma2 semaphore(%arg17 : memref<!tpu.dma_semaphore, #tpu.memory_space<semaphore_mem>>) src(%dma_wait3A_175 : memref<8x768xf32, #tpu.memory_space<vmem>>) dst(%dma_wait3A_172 : memref<8x768xf32, #tpu.memory_space<hbm>>)
    %add3A_176 = arith.constant 16384 : i32
    %add3A_177 = arith.addi %add3A_176, %mul3A_2 : i32
    %add3A_178 = arith.constant 248 : i32
    %add3A_179 = arith.addi %add3A_177, %add3A_178 : i32
    %dma_wait3A_180 = arith.constant 16 : i32
    %dma_wait3A_181 = arith.constant 0 : i32
    %dma_wait3A_182 = tpu.memref_slice %arg12[%dma_wait3A_180, %dma_wait3A_181] : memref<32x768xf32, #tpu.memory_space<vmem>> -> memref<8x768xf32, #tpu.memory_space<vmem>>
    %dma_wait3A_183 = arith.constant 0 : i32
    %dma_wait3A_184 = tpu.memref_slice %arg5[%add3A_179, %dma_wait3A_183] : memref<32768x768xf32, #tpu.memory_space<hbm>> -> memref<8x768xf32, #tpu.memory_space<hbm>>
    %dma_wait3A_185 = arith.constant 0 : i32
    %dma_wait3A_186 = tpu.memref_slice %arg5[%add3A_179, %dma_wait3A_185] : memref<32768x768xf32, #tpu.memory_space<hbm>> -> memref<8x768xf32, #tpu.memory_space<hbm>>
    %dma_wait3A_187 = arith.constant 16 : i32
    %dma_wait3A_188 = arith.constant 0 : i32
    %dma_wait3A_189 = tpu.memref_slice %arg12[%dma_wait3A_187, %dma_wait3A_188] : memref<32x768xf32, #tpu.memory_space<vmem>> -> memref<8x768xf32, #tpu.memory_space<vmem>>
    tpu.wait_dma2 semaphore(%arg18 : memref<!tpu.dma_semaphore, #tpu.memory_space<semaphore_mem>>) src(%dma_wait3A_189 : memref<8x768xf32, #tpu.memory_space<vmem>>) dst(%dma_wait3A_186 : memref<8x768xf32, #tpu.memory_space<hbm>>)
    %add3A_190 = arith.constant 24576 : i32
    %add3A_191 = arith.addi %add3A_190, %mul3A_2 : i32
    %add3A_192 = arith.constant 240 : i32
    %add3A_193 = arith.addi %add3A_191, %add3A_192 : i32
    %dma_wait3A_194 = arith.constant 24 : i32
    %dma_wait3A_195 = arith.constant 0 : i32
    %dma_wait3A_196 = tpu.memref_slice %arg11[%dma_wait3A_194, %dma_wait3A_195] : memref<32x768xf32, #tpu.memory_space<vmem>> -> memref<8x768xf32, #tpu.memory_space<vmem>>
    %dma_wait3A_197 = arith.constant 0 : i32
    %dma_wait3A_198 = tpu.memref_slice %arg5[%add3A_193, %dma_wait3A_197] : memref<32768x768xf32, #tpu.memory_space<hbm>> -> memref<8x768xf32, #tpu.memory_space<hbm>>
    %dma_wait3A_199 = arith.constant 0 : i32
    %dma_wait3A_200 = tpu.memref_slice %arg5[%add3A_193, %dma_wait3A_199] : memref<32768x768xf32, #tpu.memory_space<hbm>> -> memref<8x768xf32, #tpu.memory_space<hbm>>
    %dma_wait3A_201 = arith.constant 24 : i32
    %dma_wait3A_202 = arith.constant 0 : i32
    %dma_wait3A_203 = tpu.memref_slice %arg11[%dma_wait3A_201, %dma_wait3A_202] : memref<32x768xf32, #tpu.memory_space<vmem>> -> memref<8x768xf32, #tpu.memory_space<vmem>>
    tpu.wait_dma2 semaphore(%arg17 : memref<!tpu.dma_semaphore, #tpu.memory_space<semaphore_mem>>) src(%dma_wait3A_203 : memref<8x768xf32, #tpu.memory_space<vmem>>) dst(%dma_wait3A_200 : memref<8x768xf32, #tpu.memory_space<hbm>>)
    %add3A_204 = arith.constant 24576 : i32
    %add3A_205 = arith.addi %add3A_204, %mul3A_2 : i32
    %add3A_206 = arith.constant 248 : i32
    %add3A_207 = arith.addi %add3A_205, %add3A_206 : i32
    %dma_wait3A_208 = arith.constant 24 : i32
    %dma_wait3A_209 = arith.constant 0 : i32
    %dma_wait3A_210 = tpu.memref_slice %arg12[%dma_wait3A_208, %dma_wait3A_209] : memref<32x768xf32, #tpu.memory_space<vmem>> -> memref<8x768xf32, #tpu.memory_space<vmem>>
    %dma_wait3A_211 = arith.constant 0 : i32
    %dma_wait3A_212 = tpu.memref_slice %arg5[%add3A_207, %dma_wait3A_211] : memref<32768x768xf32, #tpu.memory_space<hbm>> -> memref<8x768xf32, #tpu.memory_space<hbm>>
    %dma_wait3A_213 = arith.constant 0 : i32
    %dma_wait3A_214 = tpu.memref_slice %arg5[%add3A_207, %dma_wait3A_213] : memref<32768x768xf32, #tpu.memory_space<hbm>> -> memref<8x768xf32, #tpu.memory_space<hbm>>
    %dma_wait3A_215 = arith.constant 24 : i32
    %dma_wait3A_216 = arith.constant 0 : i32
    %dma_wait3A_217 = tpu.memref_slice %arg12[%dma_wait3A_215, %dma_wait3A_216] : memref<32x768xf32, #tpu.memory_space<vmem>> -> memref<8x768xf32, #tpu.memory_space<vmem>>
    tpu.wait_dma2 semaphore(%arg18 : memref<!tpu.dma_semaphore, #tpu.memory_space<semaphore_mem>>) src(%dma_wait3A_217 : memref<8x768xf32, #tpu.memory_space<vmem>>) dst(%dma_wait3A_214 : memref<8x768xf32, #tpu.memory_space<hbm>>)
    return
  }
}

</mosaic_0001>

<sc_bundles>
// kernel: kernel.3.cloned.1.call-start
scs
__scs_entry_jumppad:
0x0: {  	(pc) =	sbr.rel $0x88, $3  }
0x1: {  	(tag) =	ssettag $0x0;
	lr =	simm.s32 $0x1  }
0x2: {  	[smem:$0x3F9F] =	sst lr;
	_ =	strace $0xD0000000  }
0x3: {  	_ = 	snop  }
0x4: {  	_ = 	snop  }
0x5: {  	_ = 	snop  }
0x6: {  	_ = 	snop  }
0x7: {  	_ = 	snop  }
__scs_overlays_trampoline_lowered:
0x8: {  	[smem:$0x3FAE] =	sst s0  }
0x9: {  	[smem:$0x3FAF] =	sst s1  }
0xa: {  	[smem:$0x3FB0] =	sst s2  }
0xb: {  	[smem:$0x3FB1] =	sst s3  }
0xc: {  	[smem:$0x3FB2] =	sst s4  }
0xd: {  	[smem:$0x3FB3] =	sst s5  }
0xe: {  	[smem:$0x3FB4] =	sst s6  }
0xf: {  	[smem:$0x3FB5] =	sst s7  }
0x10: {  	[smem:$0x3FB6] =	sst s8  }
0x11: {  	[smem:$0x3FB7] =	sst s9;
	s0 =	simm.s32 @!p0 $0x0  }
0x12: {  	s1 =	sld [smem:$0x3F9D];
	s0 =	simm.s32 @p0 $0x1  }
0x13: {  	[smem:$0x3FB8] =	sst s0;
	s0 =	simm.s32 @!p1 $0x0  }
0x14: {  	s2 =	sld [smem:$0x3F9C];
	s0 =	simm.s32 @p1 $0x1  }
0x15: {  	[smem:$0x3FB9] =	sst s0;
	s0 =	simm.s32 @!p2 $0x0  }
0x16: {  	s3 =	sld [smem:$0x3FDB];
	s0 =	simm.s32 @p2 $0x1  }
0x17: {  	s4 =	simm.s32 $0x1BF5;
	[smem:$0x3FBB] =	sst s0  }
0x18: {  	s0 =	sld [smem:$0x3F9E];
	_ =	swait.ge [sflag:s4], $0x0  }
0x19: {  	s7 =	sld [smem:$0x3F9F]  }
0x1a: {  	s8 =	sadd.s32 $0xFFFFE003, lr  }
0x1b: {  	s9 =	sadd.s32 $0xFFFFFEF7, lr;
	s5 =	simm.s32 $0xFFFFFFFF;
	p2 =	slt.u32 s8, $0xFFFFF086  }
0x1c: {  	p1 =	slt.u32 s9, $0xF7A;
	s5 =	simm.s32 @!p2 $0x0  }
0x1d: {  	s5 =	simm.s32 @p1 $0x1;
	p0 =	seq.s32 s7, s2  }
0x1e: {  	s7 =	smul.u32 @!p0 $0xF7A, s2;
	p2 =	seq.s32 @!p0 s5, $0x0  }
0x1f: {  	s9 =	smul.u32 $0xF7A, s1;
	s8 =	simm.s32 @!p0 $0x1BF5;
	p2 =	por !p2, p0  }
0x20: {  	[sflag:s8] =	ssyncset.s32 @!p0 $0xFFFFF086;
	s6 =	sadd.s32 @!p0 s3, s7;
	s7 =	simm.s32 @!p0 $0x108  }
0x21: {  	s3 =	sadd.s32 s3, s9;
	s6 =	sadd.s32 @!p0 $0x88, s6;
	s7 =	simm.s32 @p2 $0x1082  }
0x22: {  	[simem:s7], [sflag:s8] =	dma.local @!p0 [hbm:s6], $0xF7A  }
0x23: {  	s9 =	sor.u32 $0xD0000000, s2;
	s6 =	simm.s32 $0x108;
	_ =	swait.ge @!p0 [sflag:s8], $0x0  }
0x24: {  	s3 =	sadd.s32 $0x88, s3;
	s6 =	simm.s32 @!p1 $0x1082;
	[sflag:s4] =	ssyncset.s32 $0xFFFFF086  }
0x25: {  	[simem:s6], [sflag:s4] =	dma.local [hbm:s3], $0xF7A  }
0x26: {  	[smem:$0x3F9F] =	sst s1;
	(tag) =	ssettag s2;
	_ =	strace s9  }
0x27: {  	s1 =	sld [smem:$0x3FAF]  }
0x28: {  	s2 =	sld [smem:$0x3FB0]  }
0x29: {  	s4 =	sld [smem:$0x3FB2]  }
0x2a: {  	p0 =	seq.s32 s5, $0x0;
	s5 =	sld [smem:$0x3FB3]  }
0x2b: {  	s6 =	sld [smem:$0x3FB4]  }
0x2c: {  	s7 =	sld [smem:$0x3FB5]  }
0x2d: {  	s3 =	simm.s32 $0x108;
	s8 =	sld [smem:$0x3FB6]  }
0x2e: {  	s3 =	simm.s32 @!p0 $0x1082;
	s9 =	sld [smem:$0x3FB7]  }
0x2f: {  	lr =	sadd.s32 s0, s3;
	s0 =	sld [smem:$0x3FAE]  }
0x30: {  	s3 =	sld [smem:$0x3FB1]  }
0x31: {  	[smem:$0x3FBA] =	sst s10  }
0x32: {  	s10 =	sld [smem:$0x3FB8];
	_ =	sdelay $0x3  }
0x33: {  	p0 =	seq.s32 s10, $0x1;
	s10 =	sld [smem:$0x3FBA];
	_ =	sdelay $0x3  }
0x34: {  	[smem:$0x3FBA] =	sst s10  }
0x35: {  	s10 =	sld [smem:$0x3FB9];
	_ =	sdelay $0x3  }
0x36: {  	p1 =	seq.s32 s10, $0x1;
	s10 =	sld [smem:$0x3FBA];
	_ =	sdelay $0x3  }
0x37: {  	[smem:$0x3FBA] =	sst s10  }
0x38: {  	s10 =	sld [smem:$0x3FBB]  }
0x39: {  	_ = 	snop;
	(pc) =	sbr.ind lr, $3  }
0x3a: {  	_ = 	snop  }
0x3b: {  	_ = 	snop  }
0x3c: {  	p2 =	seq.s32 s10, $0x1;
	s10 =	sld [smem:$0x3FBA]  }
0x3d: {  	_ =	shalt  }
0x3e: {  	_ =	shalt  }
0x3f: {  	_ =	shalt  }
0x40: {  	_ =	shalt  }
0x41: {  	_ =	shalt  }
0x42: {  	_ =	shalt  }
0x43: {  	_ =	shalt  }
0x44: {  	_ =	shalt  }
0x45: {  	_ =	shalt  }
0x46: {  	_ =	shalt  }
0x47: {  	_ =	shalt  }
0x48: {  	_ =	shalt  }
0x49: {  	_ =	shalt  }
0x4a: {  	_ =	shalt  }
0x4b: {  	_ =	shalt  }
0x4c: {  	_ =	shalt  }
0x4d: {  	_ =	shalt  }
0x4e: {  	_ =	shalt  }
0x4f: {  	_ =	shalt  }
0x50: {  	_ =	shalt  }
0x51: {  	_ =	shalt  }
0x52: {  	_ =	shalt  }
0x53: {  	_ =	shalt  }
0x54: {  	_ =	shalt  }
0x55: {  	_ =	shalt  }
0x56: {  	_ =	shalt  }
0x57: {  	_ =	shalt  }
0x58: {  	_ =	shalt  }
0x59: {  	_ =	shalt  }
0x5a: {  	_ =	shalt  }
0x5b: {  	_ =	shalt  }
0x5c: {  	_ =	shalt  }
0x5d: {  	_ =	shalt  }
0x5e: {  	_ =	shalt  }
0x5f: {  	_ =	shalt  }
0x60: {  	_ =	shalt  }
0x61: {  	_ =	shalt  }
0x62: {  	_ =	shalt  }
0x63: {  	_ =	shalt  }
0x64: {  	_ =	shalt  }
0x65: {  	_ =	shalt  }
0x66: {  	_ =	shalt  }
0x67: {  	_ =	shalt  }
0x68: {  	_ =	shalt  }
0x69: {  	_ =	shalt  }
0x6a: {  	_ =	shalt  }
0x6b: {  	_ =	shalt  }
0x6c: {  	_ =	shalt  }
0x6d: {  	_ =	shalt  }
0x6e: {  	_ =	shalt  }
0x6f: {  	_ =	shalt  }
0x70: {  	_ =	shalt  }
0x71: {  	_ =	shalt  }
0x72: {  	_ =	shalt  }
0x73: {  	_ =	shalt  }
0x74: {  	_ =	shalt  }
0x75: {  	_ =	shalt  }
0x76: {  	_ =	shalt  }
0x77: {  	_ =	shalt  }
0x78: {  	_ =	shalt  }
0x79: {  	_ =	shalt  }
0x7a: {  	_ =	shalt  }
0x7b: {  	_ =	shalt  }
0x7c: {  	_ =	shalt  }
0x7d: {  	_ =	shalt  }
0x7e: {  	_ =	shalt  }
0x7f: {  	_ =	shalt  }
0x80: {  	_ =	shalt  }
0x81: {  	_ =	shalt  }
0x82: {  	_ =	shalt  }
0x83: {  	_ =	shalt  }
0x84: {  	_ =	shalt  }
0x85: {  	_ =	shalt  }
0x86: {  	_ =	shalt  }
0x87: {  	_ =	shalt  }
.Lfunc_end0:
.L_simem_size_0:
called_computation_lowered:
.L_overlay_start_0:
0x88: {  	s2 =	sld [smem:$0x3FD9]  }
0x89: {  	s3 =	sld [smem:$0x3FFE];
	_ =	sdelay $0x1  }
0x8a: {  	s1 =	srdreg.scid  }
0x8b: {  	s0 =	sand.u32 $0x1, s1  }
0x8c: {  	s17 =	sshll.u32 s0, $0xA;
	s2 =	sadd.s32 s3, s2  }
0x8d: {  	s2 =	sadd.s32 s2, s17  }
0x8e: {  	[smem:$0x3FC6] =	sst s2  }
0x8f: {  	_ = 	snop  }
0x90: {  	s2 =	sld [smem:$0x3FC9]  }
0x91: {  	s18 =	sld [smem:$0x3FC8]  }
0x92: {  	s4 =	sld [smem:$0x3FD0];
	(tm) =	ssettm $0x1  }
0x93: {  	s5 =	sld [smem:$0x3FFB];
	_ =	sdelay $0x3  }
0x94: {  	_ =	strace s5  }
0x95: {  	s5 =	sld [smem:$0x3FFC];
	_ =	sdelay $0x3  }
0x96: {  	_ =	strace s5  }
0x97: {  	s5 =	sld [smem:$0x3FFD];
	_ =	sdelay $0x3  }
0x98: {  	_ =	strace s5  }
0x99: {  	_ =	strace $0x8FFFFFFF  }
0x9a: {  	s19 =	sld [smem:$0x3FDB];
	_ =	sdelay $0x1  }
0x9b: {  	s6 =	simm.s32 $_scs_section_size  }
0x9c: {  	s7 =	simm.s32 $_size__tile_overlayer_lowered;
	s8 =	simm.s32 $_tile_overlayer_lowered  }
0x9d: {  	s22 =	simm.s32 $0x1BFF;
	s21 =	sshll.u32 s8, $0x1;
	s5 =	sadd.s32 s6, s19  }
0x9e: {  	s9 =	simm.s32 $0x0;
	s20 =	sshll.u32 s7, $0x1;
	s7 =	sadd.s32 s21, s5  }
0x9f: {  	[timem:s9], [sflag:s22] =	dma.local [hbm:s7], s20  }
0xa0: {  	_ =	swait.ge [sflag:s22], s20  }
0xa1: {  	s6 =	ssub.s32 $0x0, s20;
	[sflag:s22] =	ssyncset.done $0x0  }
0xa2: {  	[sflag:s22] =	ssyncadd.s32 s6;
	_ =	sdelay $0x1  }
0xa3: {  	s23 =	simm.s32 $0x1B8B  }
0xa4: {  	_ =	swait.ge [sflag:s23], $0x1  }
0xa5: {  	[sflag:s23] =	ssyncset.done $0x0  }
0xa6: {  	s25 =	simm.s32 $0x1B8E;
	s24 =	sld [smem:$0x3FFE];
	[sflag:s23] =	ssyncadd.s32 $0xFFFFFFFF  }
0xa7: {  	s26 =	simm.s32 $execute0_lowered;
	[smem:$0x3FD2] =	sst s25  }
0xa8: {  	s7 =	sshll.u32 s26, $0x1;
	_ =	strace $0x80000046;
	[dreg:$0x1] =	wrdreg $0xFFFFFFFF  }
0xa9: {  	s28 =	simm.s32 $_size_execute0_lowered;
	s5 =	sadd.s32 s5, s7;
	[dreg:$0x0] =	wrdreg $0x0  }
0xaa: {  	s7 =	sshll.u32 s28, $0x1;
	[dreg:$0x2] =	wrdreg s5  }
0xab: {  	[dreg:$0x3] =	wrdreg s7  }
0xac: {  	[dreg:$0x4] =	wrdreg $0xC0  }
0xad: {  	_ =	task [dreg:s9], $0x5FFFF  }
0xae: {  	[dreg:$0x1] =	wrdreg $0xFFFFFFFF  }
0xaf: {  	[dreg:$0x0] =	wrdreg $0x60  }
0xb0: {  	[dreg:$0x2] =	wrdreg s2  }
0xb1: {  	[dreg:$0x3] =	wrdreg s24  }
0xb2: {  	[dreg:$0x4] =	wrdreg s18  }
0xb3: {  	[dreg:$0x5] =	wrdreg s4  }
0xb4: {  	[dreg:$0x6] =	wrdreg $0x9  }
0xb5: {  	_ =	task.clear_ibuf [dreg:s9], $0x7FFFF;
	_ =	strace $0x90000046  }
0xb6: {  	s29 =	simm.s32 $0x9;
	_ =	strace $0x80000048  }
0xb7: {  	_ =	swait.ge [sflag:s29], $0x1  }
0xb8: {  	[sflag:s29] =	ssyncadd.s32 $0xFFFFFFFF  }
0xb9: {  	_ =	strace $0x90000048  }
0xba: {  	_ =	sfence  }
0xbb: {  	s30 =	sld [smem:$0x0];
	_ =	sdelay $0x2  }
0xbc: {  	s31 =	sshll.u32 s1, $0xD;
	s1 =	sshrl.u32 s1, $0x2  }
0xbd: {  	s3 =	sand.u32 $0x4000, s31;
	s1 =	sadd.s32 s1, s30  }
0xbe: {  	s0 =	sor.u32 s3, s0;
	s1 =	sshll.u32 s1, $0x11  }
0xbf: {  	s0 =	sor.u32 s1, s0  }
0xc0: {  	s0 =	sadd.s32 $0x8F2B, s0  }
0xc1: {  	[sflag:s0] =	ssyncadd.remote.s32 $0x1  }
0xc2: {  	_ =	sfence.sel $0xFFFF  }
0xc3: {  	[dreg:$0x0] =	wrdreg $0xFFFFFFFF;
	(pc) =	sbr.abs _section_cstart, $3  }
0xc4: {  	[dreg:$0x1] =	wrdreg $0xFFFFFFFF  }
0xc5: {  	_ =	task.clear_ibuf [dreg:s9], $0x2FFFF;
	_ =	strace $0x9FFFFFFF  }
0xc6: {  	(tm) =	ssettm $0x7FFFFFFF  }
0xc7: {  	_ =	shalt  }
tec
execute0_lowered:
.L_overlay_start_1:
0x0: {  	(tag) =	ssettag $0x1  }
0x1: {  	s0 =	rddreg [dreg:$0x0]  }
0x2: {  	s3 =	rddreg [dreg:$0x1]  }
0x3: {  	s1 =	rddreg [dreg:$0x2]  }
0x4: {  	s2 =	rddreg [dreg:$0x3];
	s4 =	simm.s32 $0x0;
	s5 =	srdreg.scid  }
0x5: {  	s7 =	stileid.u32;
	s29 =	simm.s32 $0x1;
	s30 =	simm.s32 $0x3  }
0x6: {  	s19 =	simm.s32 $0x12400;
	s28 =	simm.s32 $0x4;
	s14 =	simm.s32 $0x18400  }
0x7: {  	[smem:$0x7FF] =	sst s4;
	s6 =	sand.u32 $0x1, s5;
	s7 =	sshll.u32 s7, $0x9  }
0x8: {  	s5 =	sadd.s32 $0x400, s3;
	s12 =	sadd.s32 $0x100, s1;
	s20 =	ssub.s32 $0x2, s6  }
0x9: {  	s13 =	sadd.s32 $0x200, s1;
	s8 =	sshll.u32 s6, $0x8;
	s21 =	sshrl.u32 s20, $0x1  }
0xa: {  	_ =	strace $0x80000047;
	s6 =	sor.u32 s8, s7;
	s3 =	ssub.s32 s20, s21  }
0xb: {  	s8 =	simm.s32 $0x19C00;
	s9 =	sshrl.u32 s6, $0x1;
	s24 =	smax.u32 s3, $0x1  }
0xc: {  	s7 =	sshrl.u32 s6, $0x3;
	s22 =	sadd.s32 s0, s9;
	[dreg:$0xb] =	wrdreg s24  }
0xd: {  	s16 =	sor.u32 $0x2000, s6;
	s11 =	sadd.s32 $0x30, s22;
	[dreg:$0x5] =	wrdreg s22  }
0xe: {  	s17 =	sor.u32 $0x4000, s6;
	s25 =	sadd.s32 $0x40, s22;
	[dreg:$0x8] =	wrdreg s11  }
0xf: {  	s23 =	smul.u32 $0x300, s7;
	s9 =	sadd.s32 $0x10, s22;
	[dreg:$0xc] =	wrdreg s25  }
0x10: {  	s18 =	sor.u32 $0x6000, s6;
	s10 =	sadd.s32 $0x20, s22;
	[dreg:$0x6] =	wrdreg s9  }
.Ltmp0:
0x11: {  	s0 =	sadd.s32 s5, s23;
	[dreg:$0x7] =	wrdreg s10;
	(pc) =	sbr.rel .LBB2_1-.Ltmp0, $4  }
0x12: {  	s20 =	simm.s32 $0x13C00;
	s26 =	sadd.s32 $0x40, s9;
	[dreg:$0x9] =	wrdreg s0  }
0x13: {  	v0 =	vlaneseq.u32;
	s24 =	simm.s32 $0x2;
	s31 =	sadd.s32 $0x40, s10;
	[dreg:$0xd] =	wrdreg s26  }
0x14: {  	v1 =	vshrl.u32 v0, $0x3;
	s9 =	simm.s32 $0x15400;
	s0 =	sadd.s32 $0x300, s0;
	[dreg:$0xe] =	wrdreg s31  }
0x15: {  	vm0 =	vmmov $0xffff;
	v0 =	vand.u32 $0x7, v0;
	v1 =	vmul.u32 $0x8, v1;
	s10 =	simm.s32 $0x16C00;
	s11 =	simm.s32 $0x0;
	[dreg:$0xa] =	wrdreg s0  }
.LBB2_10:
0x16: {  	s0 =	simm.s32 $0x5  }
0x17: {  	_ =	swait.ge [sflag:s0], $0x1800  }
0x18: {  	[sflag:s0] =	ssyncset.done $0x0  }
0x19: {  	s3 =	simm.s32 $0x6;
	[sflag:s0] =	ssyncadd.s32 $0xFFFFE800  }
0x1a: {  	_ =	swait.ge [sflag:s3], $0x1800  }
0x1b: {  	[sflag:s3] =	ssyncset.done $0x0  }
0x1c: {  	[sflag:s3] =	ssyncadd.s32 $0xFFFFE800  }
0x1d: {  	_ =	swait.ge [sflag:s0], $0x1800  }
0x1e: {  	[sflag:s0] =	ssyncset.done $0x0  }
0x1f: {  	[sflag:s0] =	ssyncadd.s32 $0xFFFFE800  }
0x20: {  	_ =	swait.ge [sflag:s3], $0x1800  }
0x21: {  	[sflag:s3] =	ssyncset.done $0x0  }
0x22: {  	[sflag:s3] =	ssyncadd.s32 $0xFFFFE800  }
0x23: {  	_ =	swait.ge [sflag:s0], $0x1800  }
0x24: {  	[sflag:s0] =	ssyncset.done $0x0  }
0x25: {  	[sflag:s0] =	ssyncadd.s32 $0xFFFFE800  }
0x26: {  	_ =	swait.ge [sflag:s3], $0x1800  }
0x27: {  	[sflag:s3] =	ssyncset.done $0x0  }
0x28: {  	[sflag:s3] =	ssyncadd.s32 $0xFFFFE800  }
0x29: {  	_ =	swait.ge [sflag:s0], $0x1800  }
0x2a: {  	[sflag:s0] =	ssyncset.done $0x0  }
0x2b: {  	[sflag:s0] =	ssyncadd.s32 $0xFFFFE800  }
0x2c: {  	_ =	swait.ge [sflag:s3], $0x1800  }
0x2d: {  	s11 =	rddreg [dreg:$0xf]  }
0x2e: {  	s31 =	rddreg [dreg:$0xb];
	s11 =	sadd.s32 $0x1, s11  }
0x2f: {  	p0 =	sne.s32 s11, s31  }
.Ltmp1:
0x30: {  	_ = 	snop;
	(pc) =	sbr.rel @!p0 .LBB2_11-.Ltmp1, $3  }
0x31: {  	_ =	sdelay $0x1  }
0x32: {  	[sflag:s3] =	ssyncset.done $0x0  }
0x33: {  	[sflag:s3] =	ssyncadd.s32 $0xFFFFE800  }
.LBB2_1:
0x34: {  	s0 =	rddreg [dreg:$0x5]  }
0x35: {  	[tilespmem:s4], [sflag:$0x7] =	stream.linear.gather [hbm4b:s0+s4], $0x80, $0x38;
	[tilespmem:$0x1B400] =	vst v63  }
0x36: {  	s22 =	rddreg [dreg:$0xc];
	s3 =	simm.s32 $0x200  }
0x37: {  	[tilespmem:s3], [sflag:$0x7] =	stream.linear.gather [hbm4b:s22+s4], $0x80, $0x38;
	[tilespmem:$0x1B400] =	vst v63  }
0x38: {  	[dreg:$0xf] =	wrdreg s11;
	s3 =	simm.s32 $0x7  }
0x39: {  	_ =	swait.ge [sflag:s3], $0x100  }
0x3a: {  	[sflag:s3] =	ssyncset.done $0x0  }
0x3b: {  	s25 =	simm.s32 $0x80;
	s23 =	rddreg [dreg:$0x6];
	[sflag:s3] =	ssyncadd.s32 $0xFFFFFF00  }
0x3c: {  	[tilespmem:s25], [sflag:$0x7] =	stream.linear.gather [hbm4b:s23+s4], $0x80, $0x38;
	[tilespmem:$0x1B400] =	vst v63  }
0x3d: {  	s31 =	simm.s32 $0x280;
	s26 =	rddreg [dreg:$0xd]  }
0x3e: {  	[tilespmem:s31], [sflag:$0x7] =	stream.linear.gather [hbm4b:s26+s4], $0x80, $0x38;
	[tilespmem:$0x1B400] =	vst v63  }
0x3f: {  	_ =	swait.ge [sflag:s3], $0x100  }
0x40: {  	[sflag:s3] =	ssyncset.done $0x0  }
0x41: {  	s15 =	simm.s32 $0x100;
	s11 =	rddreg [dreg:$0x7];
	[sflag:s3] =	ssyncadd.s32 $0xFFFFFF00  }
0x42: {  	[tilespmem:s15], [sflag:$0x7] =	stream.linear.gather [hbm4b:s11+s4], $0x80, $0x38;
	[tilespmem:$0x1B400] =	vst v63  }
0x43: {  	s22 =	simm.s32 $0x300;
	s21 =	rddreg [dreg:$0xe]  }
0x44: {  	[tilespmem:s22], [sflag:$0x7] =	stream.linear.gather [hbm4b:s21+s4], $0x80, $0x38;
	[tilespmem:$0x1B400] =	vst v63  }
0x45: {  	_ =	swait.ge [sflag:s3], $0x100  }
0x46: {  	[sflag:s3] =	ssyncset.done $0x0  }
0x47: {  	s25 =	simm.s32 $0x180;
	s23 =	rddreg [dreg:$0x8];
	[sflag:s3] =	ssyncadd.s32 $0xFFFFFF00  }
0x48: {  	[tilespmem:s25], [sflag:$0x7] =	stream.linear.gather [hbm4b:s23+s4], $0x80, $0x38;
	[tilespmem:$0x1B400] =	vst v63  }
0x49: {  	s26 =	simm.s32 $0x380;
	s0 =	sadd.s32 $0x40, s23  }
0x4a: {  	[tilespmem:s26], [sflag:$0x7] =	stream.linear.gather [hbm4b:s0+s4], $0x80, $0x38;
	[tilespmem:$0x1B400] =	vst v63  }
0x4b: {  	_ =	swait.ge [sflag:s3], $0x100  }
0x4c: {  	[sflag:s3] =	ssyncset.done $0x0  }
0x4d: {  	[sflag:s3] =	ssyncadd.s32 $0xFFFFFF00  }
0x4e: {  	v2 =	vld.msk [tilespmem:$0x0], $0xff;
	_ =	sdelay $0x4  }
0x4f: {  	v3 =	vshrl.u32 v2, $0x3  }
0x50: {  	v3 =	vmul.u32 $0x30, v3  }
0x51: {  	v2 =	vand.u32 $0x7, v2  }
0x52: {  	v2 =	vor.u32 v2, v3  }
0x53: {  	v2 =	vperm.xlane v2, v0;
	_ =	sdelay $0x1  }
0x54: {  	v2 =	vadd.s32 v1, v2;
	_ =	sdelay $0x3  }
0x55: {  	s31 =	simm.s32 $0x400  }
0x56: {  	[tilespmem:s31], [sflag:$0x1] =	stream.indirect_vreg.gather [hbm4b:s1+s4], $0x80, v2, vm0, $0xb8;
	[tilespmem:$0x1B400] =	vst v63  }
0x57: {  	s3 =	simm.s32 $0xC00  }
0x58: {  	[tilespmem:s3], [sflag:$0x1] =	stream.indirect_vreg.gather [hbm4b:s12+s4], $0x80, v2, vm0, $0xb8;
	[tilespmem:$0x1B400] =	vst v63  }
0x59: {  	s11 =	simm.s32 $0x1400  }
0x5a: {  	[tilespmem:s11], [sflag:$0x1] =	stream.indirect_vreg.gather [hbm4b:s13+s4], $0x80, v2, vm0, $0xb8;
	[tilespmem:$0x1B400] =	vst v63  }
0x5b: {  	v2 =	vld.msk [tilespmem:$0x80], $0xff;
	_ =	sdelay $0x4  }
0x5c: {  	v3 =	vshrl.u32 v2, $0x3  }
0x5d: {  	v3 =	vmul.u32 $0x30, v3  }
0x5e: {  	v2 =	vand.u32 $0x7, v2  }
0x5f: {  	v2 =	vor.u32 v2, v3  }
0x60: {  	v2 =	vperm.xlane v2, v0;
	_ =	sdelay $0x1  }
0x61: {  	v2 =	vadd.s32 v1, v2;
	_ =	sdelay $0x3  }
0x62: {  	s15 =	simm.s32 $0x1C00  }
0x63: {  	[tilespmem:s15], [sflag:$0x1] =	stream.indirect_vreg.gather [hbm4b:s1+s4], $0x80, v2, vm0, $0xb8;
	[tilespmem:$0x1B400] =	vst v63  }
0x64: {  	s21 =	simm.s32 $0x2400  }
0x65: {  	[tilespmem:s21], [sflag:$0x1] =	stream.indirect_vreg.gather [hbm4b:s12+s4], $0x80, v2, vm0, $0xb8;
	[tilespmem:$0x1B400] =	vst v63  }
0x66: {  	s22 =	simm.s32 $0x2C00  }
0x67: {  	[tilespmem:s22], [sflag:$0x1] =	stream.indirect_vreg.gather [hbm4b:s13+s4], $0x80, v2, vm0, $0xb8;
	[tilespmem:$0x1B400] =	vst v63  }
0x68: {  	v2 =	vld.msk [tilespmem:$0x100], $0xff;
	_ =	sdelay $0x4  }
0x69: {  	v3 =	vshrl.u32 v2, $0x3  }
0x6a: {  	v3 =	vmul.u32 $0x30, v3  }
0x6b: {  	v2 =	vand.u32 $0x7, v2  }
0x6c: {  	v2 =	vor.u32 v2, v3  }
0x6d: {  	v2 =	vperm.xlane v2, v0;
	_ =	sdelay $0x1  }
0x6e: {  	v2 =	vadd.s32 v1, v2;
	_ =	sdelay $0x3  }
0x6f: {  	s23 =	simm.s32 $0x3400  }
0x70: {  	[tilespmem:s23], [sflag:$0x1] =	stream.indirect_vreg.gather [hbm4b:s1+s4], $0x80, v2, vm0, $0xb8;
	[tilespmem:$0x1B400] =	vst v63  }
0x71: {  	s25 =	simm.s32 $0x3C00  }
0x72: {  	[tilespmem:s25], [sflag:$0x1] =	stream.indirect_vreg.gather [hbm4b:s12+s4], $0x80, v2, vm0, $0xb8;
	[tilespmem:$0x1B400] =	vst v63  }
0x73: {  	s26 =	simm.s32 $0x4400  }
0x74: {  	[tilespmem:s26], [sflag:$0x1] =	stream.indirect_vreg.gather [hbm4b:s13+s4], $0x80, v2, vm0, $0xb8;
	[tilespmem:$0x1B400] =	vst v63  }
0x75: {  	v2 =	vld.msk [tilespmem:$0x180], $0xff;
	_ =	sdelay $0x4  }
0x76: {  	v3 =	vshrl.u32 v2, $0x3  }
0x77: {  	v3 =	vmul.u32 $0x30, v3  }
0x78: {  	v2 =	vand.u32 $0x7, v2  }
0x79: {  	v2 =	vor.u32 v2, v3  }
0x7a: {  	v2 =	vperm.xlane v2, v0;
	_ =	sdelay $0x1  }
0x7b: {  	v2 =	vadd.s32 v1, v2;
	_ =	sdelay $0x3  }
0x7c: {  	s31 =	simm.s32 $0x4C00  }
0x7d: {  	[tilespmem:s31], [sflag:$0x1] =	stream.indirect_vreg.gather [hbm4b:s1+s4], $0x80, v2, vm0, $0xb8;
	[tilespmem:$0x1B400] =	vst v63  }
0x7e: {  	s3 =	simm.s32 $0x5400  }
0x7f: {  	[tilespmem:s3], [sflag:$0x1] =	stream.indirect_vreg.gather [hbm4b:s12+s4], $0x80, v2, vm0, $0xb8;
	[tilespmem:$0x1B400] =	vst v63  }
0x80: {  	s11 =	simm.s32 $0x5C00  }
0x81: {  	[tilespmem:s11], [sflag:$0x1] =	stream.indirect_vreg.gather [hbm4b:s13+s4], $0x80, v2, vm0, $0xb8;
	[tilespmem:$0x1B400] =	vst v63  }
0x82: {  	s15 =	rddreg [dreg:$0x9];
	s21 =	simm.s32 $0xC400  }
0x83: {  	[tilespmem:s21], [sflag:$0x3] =	stream.linear.gather [hbm4b:s15+s4], $0x1800, $0x38;
	[tilespmem:$0x1B400] =	vst v63  }
0x84: {  	v2 =	vld.msk [tilespmem:$0x8], $0xff;
	_ =	sdelay $0x4  }
0x85: {  	v3 =	vshrl.u32 v2, $0x3  }
0x86: {  	v3 =	vmul.u32 $0x30, v3  }
0x87: {  	v2 =	vand.u32 $0x7, v2  }
0x88: {  	v2 =	vor.u32 v2, v3  }
0x89: {  	v2 =	vperm.xlane v2, v0;
	_ =	sdelay $0x1  }
0x8a: {  	v2 =	vadd.s32 v1, v2;
	_ =	sdelay $0x3  }
0x8b: {  	s22 =	simm.s32 $0x6400  }
0x8c: {  	[tilespmem:s22], [sflag:$0x2] =	stream.indirect_vreg.gather [hbm4b:s1+s4], $0x80, v2, vm0, $0xb8;
	[tilespmem:$0x1B400] =	vst v63  }
0x8d: {  	s23 =	simm.s32 $0x6C00  }
0x8e: {  	[tilespmem:s23], [sflag:$0x2] =	stream.indirect_vreg.gather [hbm4b:s12+s4], $0x80, v2, vm0, $0xb8;
	[tilespmem:$0x1B400] =	vst v63  }
0x8f: {  	s25 =	simm.s32 $0x7400  }
0x90: {  	[tilespmem:s25], [sflag:$0x2] =	stream.indirect_vreg.gather [hbm4b:s13+s4], $0x80, v2, vm0, $0xb8;
	[tilespmem:$0x1B400] =	vst v63  }
0x91: {  	v2 =	vld.msk [tilespmem:$0x88], $0xff;
	_ =	sdelay $0x4  }
0x92: {  	v3 =	vshrl.u32 v2, $0x3  }
0x93: {  	v3 =	vmul.u32 $0x30, v3  }
0x94: {  	v2 =	vand.u32 $0x7, v2  }
0x95: {  	v2 =	vor.u32 v2, v3  }
0x96: {  	v2 =	vperm.xlane v2, v0;
	_ =	sdelay $0x1  }
0x97: {  	v2 =	vadd.s32 v1, v2;
	_ =	sdelay $0x3  }
0x98: {  	s26 =	simm.s32 $0x7C00  }
0x99: {  	[tilespmem:s26], [sflag:$0x2] =	stream.indirect_vreg.gather [hbm4b:s1+s4], $0x80, v2, vm0, $0xb8;
	[tilespmem:$0x1B400] =	vst v63  }
0x9a: {  	s31 =	simm.s32 $0x8400  }
0x9b: {  	[tilespmem:s31], [sflag:$0x2] =	stream.indirect_vreg.gather [hbm4b:s12+s4], $0x80, v2, vm0, $0xb8;
	[tilespmem:$0x1B400] =	vst v63  }
0x9c: {  	s3 =	simm.s32 $0x8C00  }
0x9d: {  	[tilespmem:s3], [sflag:$0x2] =	stream.indirect_vreg.gather [hbm4b:s13+s4], $0x80, v2, vm0, $0xb8;
	[tilespmem:$0x1B400] =	vst v63  }
0x9e: {  	v2 =	vld.msk [tilespmem:$0x108], $0xff;
	_ =	sdelay $0x4  }
0x9f: {  	v3 =	vshrl.u32 v2, $0x3  }
0xa0: {  	v3 =	vmul.u32 $0x30, v3  }
0xa1: {  	v2 =	vand.u32 $0x7, v2  }
0xa2: {  	v2 =	vor.u32 v2, v3  }
0xa3: {  	v2 =	vperm.xlane v2, v0;
	_ =	sdelay $0x1  }
0xa4: {  	v2 =	vadd.s32 v1, v2;
	_ =	sdelay $0x3  }
0xa5: {  	s11 =	simm.s32 $0x9400  }
0xa6: {  	[tilespmem:s11], [sflag:$0x2] =	stream.indirect_vreg.gather [hbm4b:s1+s4], $0x80, v2, vm0, $0xb8;
	[tilespmem:$0x1B400] =	vst v63  }
0xa7: {  	s15 =	simm.s32 $0x9C00  }
0xa8: {  	[tilespmem:s15], [sflag:$0x2] =	stream.indirect_vreg.gather [hbm4b:s12+s4], $0x80, v2, vm0, $0xb8;
	[tilespmem:$0x1B400] =	vst v63  }
0xa9: {  	s21 =	simm.s32 $0xA400  }
0xaa: {  	[tilespmem:s21], [sflag:$0x2] =	stream.indirect_vreg.gather [hbm4b:s13+s4], $0x80, v2, vm0, $0xb8;
	[tilespmem:$0x1B400] =	vst v63  }
0xab: {  	v2 =	vld.msk [tilespmem:$0x188], $0xff;
	_ =	sdelay $0x4  }
0xac: {  	v3 =	vshrl.u32 v2, $0x3  }
0xad: {  	v3 =	vmul.u32 $0x30, v3  }
0xae: {  	v2 =	vand.u32 $0x7, v2  }
0xaf: {  	v2 =	vor.u32 v2, v3  }
0xb0: {  	v2 =	vperm.xlane v2, v0;
	_ =	sdelay $0x1  }
0xb1: {  	v2 =	vadd.s32 v1, v2;
	_ =	sdelay $0x3  }
0xb2: {  	s22 =	simm.s32 $0xAC00  }
0xb3: {  	[tilespmem:s22], [sflag:$0x2] =	stream.indirect_vreg.gather [hbm4b:s1+s4], $0x80, v2, vm0, $0xb8;
	[tilespmem:$0x1B400] =	vst v63  }
0xb4: {  	s23 =	simm.s32 $0xB400  }
0xb5: {  	[tilespmem:s23], [sflag:$0x2] =	stream.indirect_vreg.gather [hbm4b:s12+s4], $0x80, v2, vm0, $0xb8;
	[tilespmem:$0x1B400] =	vst v63  }
0xb6: {  	s25 =	simm.s32 $0xBC00  }
0xb7: {  	[tilespmem:s25], [sflag:$0x2] =	stream.indirect_vreg.gather [hbm4b:s13+s4], $0x80, v2, vm0, $0xb8;
	[tilespmem:$0x1B400] =	vst v63  }
0xb8: {  	s26 =	rddreg [dreg:$0xa];
	s31 =	simm.s32 $0xDC00;
	s11 =	simm.s32 $0x0  }
0xb9: {  	[tilespmem:s31], [sflag:$0x4] =	stream.linear.gather [hbm4b:s26+s4], $0x1800, $0x38;
	[tilespmem:$0x1B400] =	vst v63  }
.LBB2_2:
0xba: {  	_ =	swait.ge [sflag:s29], $0x1800  }
0xbb: {  	[sflag:s29] =	ssyncset.done $0x0  }
0xbc: {  	[sflag:s29] =	ssyncadd.s32 $0xFFFFE800  }
0xbd: {  	_ =	swait.ge [sflag:s29], $0x1800  }
0xbe: {  	[sflag:s29] =	ssyncset.done $0x0  }
0xbf: {  	[sflag:s29] =	ssyncadd.s32 $0xFFFFE800  }
0xc0: {  	_ =	swait.ge [sflag:s29], $0x1800  }
0xc1: {  	[sflag:s29] =	ssyncset.done $0x0  }
0xc2: {  	[sflag:s29] =	ssyncadd.s32 $0xFFFFE800  }
0xc3: {  	_ =	swait.ge [sflag:s29], $0x1800  }
0xc4: {  	[sflag:s29] =	ssyncset.done $0x0  }
0xc5: {  	[sflag:s29] =	ssyncadd.s32 $0xFFFFE800  }
0xc6: {  	_ =	swait.ge [sflag:s30], $0x1800  }
0xc7: {  	p0 =	seq.s32 s11, $0x0;
	[sflag:s30] =	ssyncset.done $0x0  }
0xc8: {  	s0 =	simm.s32 @!p0 $0x5;
	[sflag:s30] =	ssyncadd.s32 $0xFFFFE800  }
0xc9: {  	_ =	swait.ge @!p0 [sflag:s0], $0x1800  }
0xca: {  	[sflag:s0] =	ssyncset.done @!p0 $0x0  }
0xcb: {  	[sflag:s0] =	ssyncadd.s32 @!p0 $0xFFFFE800  }
0xcc: {  	_ =	swait.ge @!p0 [sflag:s0], $0x1800  }
0xcd: {  	[sflag:s0] =	ssyncset.done @!p0 $0x0  }
0xce: {  	[sflag:s0] =	ssyncadd.s32 @!p0 $0xFFFFE800  }
0xcf: {  	_ =	swait.ge @!p0 [sflag:s0], $0x1800  }
0xd0: {  	[sflag:s0] =	ssyncset.done @!p0 $0x0  }
0xd1: {  	[sflag:s0] =	ssyncadd.s32 @!p0 $0xFFFFE800  }
0xd2: {  	s23 =	simm.s32 $0x0;
	_ =	swait.ge @!p0 [sflag:s0], $0x1800  }
0xd3: {  	s3 =	sand.u32 $0x70, s23;
	s21 =	sand.u32 $0x1C00, s23;
	[sflag:s0] =	ssyncset.done @!p0 $0x0  }
0xd4: {  	s3 =	sor.u32 s3, s21;
	[sflag:s0] =	ssyncadd.s32 @!p0 $0xFFFFE800  }
0xd5: {  	v7 =	vld [tilespmem:s3+$0x480]  }
0xd6: {  	v5 =	vld [tilespmem:s3+$0xC500]  }
0xd7: {  	v4 =	vld [tilespmem:s3+$0xC580]  }
0xd8: {  	v8 =	vld [tilespmem:s3+$0xC680]  }
0xd9: {  	v3 =	vld [tilespmem:s3+$0xC480]  }
0xda: {  	v6 =	vld [tilespmem:s3+$0x500]  }
0xdb: {  	v10 =	vld [tilespmem:s3+$0x580]  }
0xdc: {  	v2 =	vld [tilespmem:s3+$0xC700]  }
0xdd: {  	v11 =	vld [tilespmem:s3+$0x700]  }
0xde: {  	v12 =	vld [tilespmem:s3+$0x680]  }
0xdf: {  	v14 =	vld [tilespmem:s3+$0x400];
	v6 =	vmul.f32 $2.771281240e+01, v6  }
0xe0: {  	v13 =	vld [tilespmem:s3+$0x600];
	v10 =	vmul.f32 $2.771281240e+01, v10  }
0xe1: {  	s26 =	sor.u32 s23, s23;
	v16 =	vmul.f32 $2.771281240e+01, v7;
	v7 =	vld [tilespmem:s3+$0xC400];
	v15 =	vadd.f32 v6, v5  }
0xe2: {  	s31 =	sor.u32 $0x380, s26;
	v11 =	vmul.f32 $2.771281240e+01, v11;
	v6 =	vld [tilespmem:s3+$0xC600];
	v10 =	vadd.f32 v10, v4  }
0xe3: {  	v9 =	vld [tilespmem:s31+$0xC400];
	v12 =	vmul.f32 $2.771281240e+01, v12;
	v62 =	vadd.f32 v16, v3;
	[tilespmem:s3+$0xF500] =	vst v15  }
0xe4: {  	v63 =	vmul.f32 $2.771281240e+01, v14;
	v11 =	vadd.f32 v11, v2;
	[tilespmem:s3+$0xF580] =	vst v10  }
0xe5: {  	v12 =	vadd.f32 v12, v8;
	v10 =	vmul.f32 $2.771281240e+01, v13;
	[tilespmem:s3+$0xF480] =	vst v62  }
0xe6: {  	[tilespmem:s3+$0xF700] =	vst v11;
	v11 =	vadd.f32 v63, v7  }
0xe7: {  	[tilespmem:s3+$0xF680] =	vst v12;
	v10 =	vadd.f32 v10, v6  }
0xe8: {  	[tilespmem:s3+$0xF400] =	vst v11  }
0xe9: {  	[tilespmem:s3+$0xF600] =	vst v10  }
0xea: {  	v10 =	vld [tilespmem:s31+$0x400];
	_ =	sdelay $0x3  }
0xeb: {  	s0 =	sshll.u32 s11, $0x4  }
0xec: {  	s22 =	sshll.u32 s11, $0x1;
	s25 =	simm.s32 $0x10;
	s21 =	sor.u32 s6, s0;
	v10 =	vmul.f32 $2.771281240e+01, v10  }
.LBB2_3:
0xed: {  	p1 =	sne.s32 s25, $0x2F0  }
0xee: {  	s23 =	sadd.s32 $0x80, s23;
	s26 =	smov.u32 s25;
	s25 =	sadd.s32 $0x10, s25;
	v10 =	vadd.f32 v10, v9  }
0xef: {  	_ = 	snop  }
0xf0: {  	[tilespmem:s31+$0xF400] =	vst v10  }
0xf1: {  	v10 =	vld [tilespmem:s3+$0x1F00]  }
0xf2: {  	v11 =	vld [tilespmem:s3+$0x1F80]  }
0xf3: {  	v12 =	vld [tilespmem:s3+$0x3400]  }
0xf4: {  	v13 =	vld [tilespmem:s3+$0x3480]  }
0xf5: {  	v14 =	vld [tilespmem:s3+$0x3500]  }
0xf6: {  	v10 =	vmul.f32 $2.771281240e+01, v10;
	v15 =	vld [tilespmem:s3+$0x3580]  }
0xf7: {  	v11 =	vmul.f32 $2.771281240e+01, v11;
	v16 =	vld [tilespmem:s3+$0x3600]  }
0xf8: {  	v10 =	vadd.f32 v10, v2;
	v12 =	vmul.f32 $2.771281240e+01, v12;
	v17 =	vld [tilespmem:s3+$0x3680]  }
0xf9: {  	v11 =	vadd.f32 v11, v9;
	v13 =	vmul.f32 $2.771281240e+01, v13;
	v18 =	vld [tilespmem:s3+$0x4F80]  }
0xfa: {  	v19 =	vld [tilespmem:s3+$0x1E80];
	[tilespmem:s3+$0x10F00] =	vst v10;
	v10 =	vadd.f32 v12, v7;
	v12 =	vmul.f32 $2.771281240e+01, v14  }
0xfb: {  	[tilespmem:s3+$0x10F80] =	vst v11;
	v11 =	vadd.f32 v13, v3;
	v13 =	vmul.f32 $2.771281240e+01, v15;
	v14 =	vld [tilespmem:s3+$0x4E00]  }
0xfc: {  	[tilespmem:s3+$0x12400] =	vst v10;
	v10 =	vadd.f32 v12, v5;
	v12 =	vmul.f32 $2.771281240e+01, v16;
	v15 =	vld [tilespmem:s3+$0x4E80]  }
0xfd: {  	v16 =	vld [tilespmem:s3+$0x1D00];
	[tilespmem:s3+$0x12480] =	vst v11;
	v11 =	vadd.f32 v13, v4;
	v13 =	vmul.f32 $2.771281240e+01, v17  }
0xfe: {  	[tilespmem:s3+$0x12500] =	vst v10;
	v10 =	vadd.f32 v12, v6;
	v12 =	vld [tilespmem:s3+$0x4D80]  }
0xff: {  	v17 =	vmul.f32 $2.771281240e+01, v19;
	[tilespmem:s3+$0x12580] =	vst v11;
	v11 =	vadd.f32 v13, v8;
	v13 =	vld [tilespmem:s3+$0x4C80]  }
0x100: {  	[tilespmem:s3+$0x12600] =	vst v10;
	v10 =	vld [tilespmem:s3+$0x3780];
	v14 =	vmul.f32 $2.771281240e+01, v14  }
0x101: {  	v17 =	vadd.f32 v17, v8;
	[tilespmem:s3+$0x12680] =	vst v11;
	v11 =	vld [tilespmem:s3+$0x4D00];
	v15 =	vmul.f32 $2.771281240e+01, v15  }
0x102: {  	v16 =	vmul.f32 $2.771281240e+01, v16;
	v19 =	vld [tilespmem:s3+$0x3700];
	v14 =	vadd.f32 v14, v6  }
0x103: {  	v20 =	vld [tilespmem:s3+$0x1C80];
	[tilespmem:s3+$0x10E80] =	vst v17;
	v12 =	vmul.f32 $2.771281240e+01, v12;
	v8 =	vadd.f32 v15, v8;
	v15 =	vmul.f32 $2.771281240e+01, v18  }
0x104: {  	v16 =	vadd.f32 v16, v5;
	v17 =	vld [tilespmem:s3+$0x1D80];
	v13 =	vmul.f32 $2.771281240e+01, v13;
	[tilespmem:s3+$0x13E00] =	vst v14  }
0x105: {  	v14 =	vld [tilespmem:s3+$0x1C00];
	v10 =	vmul.f32 $2.771281240e+01, v10;
	[tilespmem:s3+$0x13E80] =	vst v8;
	v8 =	vadd.f32 v15, v9  }
0x106: {  	[tilespmem:s3+$0x10D00] =	vst v16;
	v13 =	vadd.f32 v13, v3;
	v11 =	vmul.f32 $2.771281240e+01, v11;
	v15 =	vld [tilespmem:s3+$0x4F00]  }
0x107: {  	s15 =	sand.u32 $0x1C00, s23;
	s31 =	sand.u32 $0x70, s26;
	v12 =	vadd.f32 v12, v4;
	v16 =	vld [tilespmem:s3+$0x1E00];
	[tilespmem:s3+$0x13F80] =	vst v8  }
0x108: {  	s15 =	sor.u32 s31, s15;
	v8 =	vadd.f32 v10, v9;
	v9 =	vld [tilespmem:s3+$0x4C00];
	[tilespmem:s3+$0x13C80] =	vst v13  }
0x109: {  	v18 =	vmul.f32 $2.771281240e+01, v19;
	v13 =	vmul.f32 $2.771281240e+01, v20;
	v10 =	vld [tilespmem:s15+$0x480];
	[tilespmem:s3+$0x13D80] =	vst v12  }
0x10a: {  	v17 =	vmul.f32 $2.771281240e+01, v17;
	v12 =	vld [tilespmem:s15+$0xC500];
	v14 =	vmul.f32 $2.771281240e+01, v14;
	[tilespmem:s3+$0x12780] =	vst v8  }
0x10b: {  	v5 =	vadd.f32 v11, v5;
	v18 =	vadd.f32 v18, v2;
	v19 =	vld [tilespmem:s15+$0xC580];
	v11 =	vmul.f32 $2.771281240e+01, v15  }
0x10c: {  	v13 =	vadd.f32 v13, v3;
	v8 =	vld [tilespmem:s15+$0xC680];
	v15 =	vmul.f32 $2.771281240e+01, v16  }
0x10d: {  	v17 =	vadd.f32 v17, v4;
	v14 =	vadd.f32 v14, v7;
	v3 =	vld [tilespmem:s15+$0xC480];
	[tilespmem:s3+$0x12700] =	vst v18;
	v9 =	vmul.f32 $2.771281240e+01, v9  }
0x10e: {  	v11 =	vadd.f32 v11, v2;
	v16 =	vld [tilespmem:s15+$0x500];
	v6 =	vadd.f32 v15, v6;
	[tilespmem:s3+$0x13D00] =	vst v5  }
0x10f: {  	v2 =	vld [tilespmem:s15+$0xC700];
	[tilespmem:s3+$0x10C80] =	vst v13;
	v7 =	vadd.f32 v9, v7;
	v5 =	vmov v12  }
0x110: {  	v12 =	vld [tilespmem:s15+$0x580];
	[tilespmem:s3+$0x10D80] =	vst v17;
	v4 =	vmov v19  }
0x111: {  	v13 =	vld [tilespmem:s15+$0x700];
	[tilespmem:s3+$0x13C00] =	vst v7  }
0x112: {  	v15 =	vld [tilespmem:s15+$0x680];
	[tilespmem:s3+$0x10C00] =	vst v14  }
0x113: {  	s26 =	sor.u32 s23, s26;
	v7 =	vmul.f32 $2.771281240e+01, v16;
	v14 =	vld [tilespmem:s15+$0x600];
	[tilespmem:s3+$0x13F00] =	vst v11  }
0x114: {  	s31 =	sor.u32 $0x380, s26;
	v11 =	vld [tilespmem:s15+$0x400];
	[tilespmem:s3+$0x10E00] =	vst v6;
	s3 =	smov.u32 s15  }
0x115: {  	v9 =	vld [tilespmem:s31+$0xC400];
	v16 =	vadd.f32 v7, v5;
	v12 =	vmul.f32 $2.771281240e+01, v12  }
0x116: {  	v10 =	vmul.f32 $2.771281240e+01, v10;
	v6 =	vld [tilespmem:s3+$0xC600]  }
0x117: {  	v13 =	vmul.f32 $2.771281240e+01, v13;
	v7 =	vld [tilespmem:s3+$0xC400];
	[tilespmem:s3+$0xF500] =	vst v16;
	v12 =	vadd.f32 v12, v4  }
0x118: {  	v10 =	vadd.f32 v10, v3;
	v15 =	vmul.f32 $2.771281240e+01, v15  }
0x119: {  	v13 =	vadd.f32 v13, v2;
	[tilespmem:s3+$0xF580] =	vst v12;
	v12 =	vmul.f32 $2.771281240e+01, v14  }
0x11a: {  	v11 =	vmul.f32 $2.771281240e+01, v11;
	[tilespmem:s3+$0xF480] =	vst v10;
	v10 =	vadd.f32 v15, v8  }
0x11b: {  	v12 =	vadd.f32 v12, v6;
	[tilespmem:s3+$0xF700] =	vst v13  }
0x11c: {  	v11 =	vadd.f32 v11, v7;
	[tilespmem:s3+$0xF680] =	vst v10  }
0x11d: {  	[tilespmem:s3+$0xF600] =	vst v12  }
0x11e: {  	[tilespmem:s3+$0xF400] =	vst v11  }
0x11f: {  	v10 =	vld [tilespmem:s31+$0x400]  }
.Ltmp2:
0x120: {  	(pc) =	sbr.rel @p1 .LBB2_3-.Ltmp2, $2  }
0x121: {  	_ =	sdelay $0x2  }
0x122: {  	v10 =	vmul.f32 $2.771281240e+01, v10  }
0x123: {  	_ = 	snop  }
0x124: {  	v10 =	vadd.f32 v10, v9;
	_ =	sdelay $0x1  }
0x125: {  	[tilespmem:s31+$0xF400] =	vst v10  }
0x126: {  	v10 =	vld [tilespmem:s3+$0x1F00]  }
0x127: {  	v11 =	vld [tilespmem:s3+$0x1F80]  }
0x128: {  	v12 =	vld [tilespmem:s3+$0x3400]  }
0x129: {  	v13 =	vld [tilespmem:s3+$0x3480]  }
0x12a: {  	v14 =	vld [tilespmem:s3+$0x3500]  }
0x12b: {  	v15 =	vld [tilespmem:s3+$0x3580]  }
0x12c: {  	v16 =	vld [tilespmem:s3+$0x3600];
	v10 =	vmul.f32 $2.771281240e+01, v10  }
0x12d: {  	v17 =	vld [tilespmem:s3+$0x3680];
	v11 =	vmul.f32 $2.771281240e+01, v11  }
0x12e: {  	v19 =	vld [tilespmem:s3+$0x1E80];
	v12 =	vmul.f32 $2.771281240e+01, v12;
	v10 =	vadd.f32 v10, v2  }
0x12f: {  	v33 =	vld [tilespmem:s3+$0x1D00];
	v27 =	vmul.f32 $2.771281240e+01, v13;
	v11 =	vadd.f32 v11, v9  }
0x130: {  	v18 =	vld [tilespmem:s3+$0x4F80];
	v29 =	vmul.f32 $2.771281240e+01, v14;
	v26 =	vadd.f32 v12, v7;
	[tilespmem:s3+$0x10F00] =	vst v10  }
0x131: {  	v41 =	vld [tilespmem:s3+$0x3700];
	v32 =	vmul.f32 $2.771281240e+01, v15;
	v30 =	vadd.f32 v27, v3;
	[tilespmem:s3+$0x10F80] =	vst v11  }
0x132: {  	v42 =	vld [tilespmem:s3+$0x1D80];
	v36 =	vmul.f32 $2.771281240e+01, v17;
	v13 =	vadd.f32 v29, v5;
	[tilespmem:s3+$0x12400] =	vst v26  }
0x133: {  	v45 =	vld [tilespmem:s3+$0x1C00];
	v39 =	vmul.f32 $2.771281240e+01, v19;
	v14 =	vadd.f32 v32, v4;
	[tilespmem:s3+$0x12480] =	vst v30  }
0x134: {  	v48 =	vld [tilespmem:s3+$0x4F00];
	v34 =	vmul.f32 $2.771281240e+01, v16;
	v15 =	vmul.f32 $2.771281240e+01, v33;
	v16 =	vadd.f32 v36, v8;
	[tilespmem:s3+$0x12500] =	vst v13  }
0x135: {  	v46 =	vmul.f32 $2.771281240e+01, v18;
	v17 =	vadd.f32 v39, v8;
	[tilespmem:s3+$0x12580] =	vst v14  }
0x136: {  	v28 =	vld [tilespmem:s3+$0x4E00];
	v53 =	vmul.f32 $2.771281240e+01, v41;
	v44 =	vadd.f32 v15, v5;
	[tilespmem:s3+$0x12680] =	vst v16  }
0x137: {  	v31 =	vld [tilespmem:s3+$0x4E80];
	v56 =	vmul.f32 $2.771281240e+01, v42;
	v47 =	vadd.f32 v46, v9;
	[tilespmem:s3+$0x10E80] =	vst v17  }
0x138: {  	v37 =	vld [tilespmem:s3+$0x4C80];
	v59 =	vmul.f32 $2.771281240e+01, v45;
	v55 =	vadd.f32 v53, v2;
	[tilespmem:s3+$0x10D00] =	vst v44  }
0x139: {  	v35 =	vld [tilespmem:s3+$0x4D80];
	v61 =	vmul.f32 $2.771281240e+01, v48;
	v60 =	vadd.f32 v56, v4;
	[tilespmem:s3+$0x13F80] =	vst v47  }
0x13a: {  	v20 =	vld [tilespmem:s3+$0x1C80];
	v63 =	vadd.f32 v59, v7;
	[tilespmem:s3+$0x12700] =	vst v55  }
0x13b: {  	v38 =	vld [tilespmem:s3+$0x3780];
	v12 =	vmul.f32 $2.771281240e+01, v28;
	v2 =	vadd.f32 v61, v2;
	[tilespmem:s3+$0x10D80] =	vst v60  }
0x13c: {  	v52 =	vld [tilespmem:s3+$0x4C00];
	v10 =	vadd.f32 v34, v6;
	v11 =	vmul.f32 $2.771281240e+01, v31;
	[tilespmem:s3+$0x10C00] =	vst v63  }
0x13d: {  	v40 =	vld [tilespmem:s3+$0x4D00];
	v12 =	vadd.f32 v12, v6;
	v14 =	vmul.f32 $2.771281240e+01, v37;
	[tilespmem:s3+$0x13F00] =	vst v2  }
0x13e: {  	v49 =	vld [tilespmem:s3+$0x1E00];
	v13 =	vmul.f32 $2.771281240e+01, v35;
	[tilespmem:s3+$0x12600] =	vst v10;
	v43 =	vadd.f32 v11, v8  }
0x13f: {  	v54 =	vmul.f32 $2.771281240e+01, v20;
	[tilespmem:s3+$0x13E00] =	vst v12;
	v51 =	vadd.f32 v14, v3  }
0x140: {  	v50 =	vmul.f32 $2.771281240e+01, v38;
	v13 =	vadd.f32 v13, v4;
	[tilespmem:s3+$0x13E80] =	vst v43  }
0x141: {  	v58 =	vmul.f32 $2.771281240e+01, v52;
	v3 =	vadd.f32 v54, v3;
	[tilespmem:s3+$0x13C80] =	vst v51  }
0x142: {  	v16 =	vmul.f32 $2.771281240e+01, v40;
	v8 =	vadd.f32 v50, v9;
	[tilespmem:s3+$0x13D80] =	vst v13  }
0x143: {  	v62 =	vmul.f32 $2.771281240e+01, v49;
	[tilespmem:s3+$0x10C80] =	vst v3;
	v3 =	vadd.f32 v58, v7  }
0x144: {  	s15 =	sshrl.u32 s21, $0x3;
	v57 =	vadd.f32 v16, v5;
	[tilespmem:s3+$0x12780] =	vst v8  }
0x145: {  	s23 =	sor.u32 s16, s0;
	s15 =	smul.u32 $0x300, s15;
	[tilespmem:s3+$0x13C00] =	vst v3;
	v3 =	vadd.f32 v62, v6  }
0x146: {  	s21 =	sshrl.u32 s23, $0x3;
	[tilespmem:s3+$0x13D00] =	vst v57  }
0x147: {  	s26 =	smul.u32 $0x300, s21;
	s25 =	sadd.s32 s2, s15;
	s31 =	simm.s32 $0xF400;
	[tilespmem:s3+$0x10E00] =	vst v3  }
0x148: {  	[hbm4b:s25+s4] =	stream.linear.scatter [tilespmem:s31], [sflag:$0x5], $0x1800, $0x38;
	[tilespmem:$0x1B400] =	vst v63  }
0x149: {  	s25 =	sor.u32 s17, s0  }
0x14a: {  	s23 =	simm.s32 $0x10C00;
	s21 =	sadd.s32 s2, s26;
	s3 =	sshrl.u32 s25, $0x3  }
0x14b: {  	[hbm4b:s21+s4] =	stream.linear.scatter [tilespmem:s23], [sflag:$0x5], $0x1800, $0x38;
	[tilespmem:$0x1B400] =	vst v63  }
0x14c: {  	p1 =	seq.s32 s11, $0xF;
	s26 =	sor.u32 s18, s0;
	s3 =	smul.u32 $0x300, s3  }
.Ltmp3:
0x14d: {  	s15 =	sshrl.u32 s26, $0x3;
	(pc) =	sbr.rel @p1 .LBB2_6-.Ltmp3, $4  }
0x14e: {  	s15 =	smul.u32 $0x300, s15;
	s3 =	sadd.s32 s2, s3  }
0x14f: {  	[hbm4b:s3+s4] =	stream.linear.scatter [tilespmem:s19], [sflag:$0x5], $0x1800, $0x38;
	[tilespmem:$0x1B400] =	vst v63  }
0x150: {  	s31 =	sadd.s32 s2, s15  }
0x151: {  	[hbm4b:s31+s4] =	stream.linear.scatter [tilespmem:s20], [sflag:$0x5], $0x1800, $0x38;
	[tilespmem:$0x1B400] =	vst v63  }
0x152: {  	s3 =	sadd.s32 $0x2, s22  }
0x153: {  	s15 =	sshll.u32 s3, $0x3;
	s21 =	sshll.u32 s3, $0x5  }
0x154: {  	s15 =	sand.u32 $0x70, s15;
	s21 =	sand.u32 $0x600, s21  }
0x155: {  	s15 =	sor.u32 s15, s21  }
0x156: {  	v2 =	vld.msk [tilespmem:s15+$0x0], $0xff;
	_ =	sdelay $0x4  }
0x157: {  	v3 =	vshrl.u32 v2, $0x3  }
0x158: {  	v3 =	vmul.u32 $0x30, v3  }
0x159: {  	v2 =	vand.u32 $0x7, v2  }
0x15a: {  	v2 =	vor.u32 v2, v3  }
0x15b: {  	v2 =	vperm.xlane v2, v0;
	_ =	sdelay $0x1  }
0x15c: {  	v2 =	vadd.s32 v1, v2;
	_ =	sdelay $0x3  }
0x15d: {  	s25 =	simm.s32 $0x400  }
0x15e: {  	[tilespmem:s25], [sflag:$0x1] =	stream.indirect_vreg.gather [hbm4b:s1+s4], $0x80, v2, vm0, $0xb8;
	[tilespmem:$0x1B400] =	vst v63  }
0x15f: {  	s26 =	simm.s32 $0xC00  }
0x160: {  	[tilespmem:s26], [sflag:$0x1] =	stream.indirect_vreg.gather [hbm4b:s12+s4], $0x80, v2, vm0, $0xb8;
	[tilespmem:$0x1B400] =	vst v63  }
0x161: {  	s31 =	simm.s32 $0x1400;
	s23 =	sor.u32 $0x80, s15  }
0x162: {  	[tilespmem:s31], [sflag:$0x1] =	stream.indirect_vreg.gather [hbm4b:s13+s4], $0x80, v2, vm0, $0xb8;
	[tilespmem:$0x1B400] =	vst v63  }
0x163: {  	v2 =	vld.msk [tilespmem:s23+$0x0], $0xff;
	_ =	sdelay $0x4  }
0x164: {  	v3 =	vshrl.u32 v2, $0x3  }
0x165: {  	v3 =	vmul.u32 $0x30, v3  }
0x166: {  	v2 =	vand.u32 $0x7, v2  }
0x167: {  	v2 =	vor.u32 v2, v3  }
0x168: {  	v2 =	vperm.xlane v2, v0;
	_ =	sdelay $0x1  }
0x169: {  	v2 =	vadd.s32 v1, v2;
	_ =	sdelay $0x3  }
0x16a: {  	s25 =	simm.s32 $0x1C00  }
0x16b: {  	[tilespmem:s25], [sflag:$0x1] =	stream.indirect_vreg.gather [hbm4b:s1+s4], $0x80, v2, vm0, $0xb8;
	[tilespmem:$0x1B400] =	vst v63  }
0x16c: {  	s26 =	simm.s32 $0x2400  }
0x16d: {  	[tilespmem:s26], [sflag:$0x1] =	stream.indirect_vreg.gather [hbm4b:s12+s4], $0x80, v2, vm0, $0xb8;
	[tilespmem:$0x1B400] =	vst v63  }
0x16e: {  	s31 =	simm.s32 $0x2C00;
	s23 =	sor.u32 $0x100, s15  }
0x16f: {  	[tilespmem:s31], [sflag:$0x1] =	stream.indirect_vreg.gather [hbm4b:s13+s4], $0x80, v2, vm0, $0xb8;
	[tilespmem:$0x1B400] =	vst v63  }
0x170: {  	v2 =	vld.msk [tilespmem:s23+$0x0], $0xff;
	_ =	sdelay $0x4  }
0x171: {  	v3 =	vshrl.u32 v2, $0x3  }
0x172: {  	v3 =	vmul.u32 $0x30, v3  }
0x173: {  	v2 =	vand.u32 $0x7, v2  }
0x174: {  	v2 =	vor.u32 v2, v3  }
0x175: {  	v2 =	vperm.xlane v2, v0;
	_ =	sdelay $0x1  }
0x176: {  	v2 =	vadd.s32 v1, v2;
	_ =	sdelay $0x3  }
0x177: {  	s25 =	simm.s32 $0x3400  }
0x178: {  	[tilespmem:s25], [sflag:$0x1] =	stream.indirect_vreg.gather [hbm4b:s1+s4], $0x80, v2, vm0, $0xb8;
	[tilespmem:$0x1B400] =	vst v63  }
0x179: {  	s26 =	simm.s32 $0x3C00  }
0x17a: {  	[tilespmem:s26], [sflag:$0x1] =	stream.indirect_vreg.gather [hbm4b:s12+s4], $0x80, v2, vm0, $0xb8;
	[tilespmem:$0x1B400] =	vst v63  }
0x17b: {  	s15 =	sor.u32 $0x180, s15;
	s31 =	simm.s32 $0x4400  }
0x17c: {  	[tilespmem:s31], [sflag:$0x1] =	stream.indirect_vreg.gather [hbm4b:s13+s4], $0x80, v2, vm0, $0xb8;
	[tilespmem:$0x1B400] =	vst v63  }
0x17d: {  	v2 =	vld.msk [tilespmem:s15+$0x0], $0xff;
	_ =	sdelay $0x4  }
0x17e: {  	v3 =	vshrl.u32 v2, $0x3  }
0x17f: {  	v3 =	vmul.u32 $0x30, v3  }
0x180: {  	v2 =	vand.u32 $0x7, v2  }
0x181: {  	v2 =	vor.u32 v2, v3  }
0x182: {  	v2 =	vperm.xlane v2, v0;
	_ =	sdelay $0x1  }
0x183: {  	v2 =	vadd.s32 v1, v2;
	_ =	sdelay $0x3  }
0x184: {  	s23 =	simm.s32 $0x4C00  }
0x185: {  	[tilespmem:s23], [sflag:$0x1] =	stream.indirect_vreg.gather [hbm4b:s1+s4], $0x80, v2, vm0, $0xb8;
	[tilespmem:$0x1B400] =	vst v63  }
0x186: {  	s3 =	sadd.s32 s7, s3;
	s25 =	simm.s32 $0x5400  }
0x187: {  	[tilespmem:s25], [sflag:$0x1] =	stream.indirect_vreg.gather [hbm4b:s12+s4], $0x80, v2, vm0, $0xb8;
	[tilespmem:$0x1B400] =	vst v63  }
0x188: {  	s3 =	smul.u32 $0x300, s3;
	s26 =	simm.s32 $0x5C00  }
0x189: {  	[tilespmem:s26], [sflag:$0x1] =	stream.indirect_vreg.gather [hbm4b:s13+s4], $0x80, v2, vm0, $0xb8;
	[tilespmem:$0x1B400] =	vst v63  }
0x18a: {  	s3 =	sadd.s32 s5, s3;
	s31 =	simm.s32 $0xC400  }
0x18b: {  	[tilespmem:s31], [sflag:$0x3] =	stream.linear.gather [hbm4b:s3+s4], $0x1800, $0x38;
	[tilespmem:$0x1B400] =	vst v63  }
.LBB2_6:
0x18c: {  	_ =	swait.ge [sflag:s24], $0x1800  }
0x18d: {  	[sflag:s24] =	ssyncset.done $0x0  }
0x18e: {  	[sflag:s24] =	ssyncadd.s32 $0xFFFFE800  }
0x18f: {  	_ =	swait.ge [sflag:s24], $0x1800  }
0x190: {  	[sflag:s24] =	ssyncset.done $0x0  }
0x191: {  	[sflag:s24] =	ssyncadd.s32 $0xFFFFE800  }
0x192: {  	_ =	swait.ge [sflag:s24], $0x1800  }
0x193: {  	[sflag:s24] =	ssyncset.done $0x0  }
0x194: {  	[sflag:s24] =	ssyncadd.s32 $0xFFFFE800  }
0x195: {  	_ =	swait.ge [sflag:s24], $0x1800  }
0x196: {  	[sflag:s24] =	ssyncset.done $0x0  }
0x197: {  	[sflag:s24] =	ssyncadd.s32 $0xFFFFE800  }
0x198: {  	_ =	swait.ge [sflag:s28], $0x1800  }
0x199: {  	[sflag:s28] =	ssyncset.done $0x0  }
0x19a: {  	s3 =	simm.s32 @!p0 $0x6;
	[sflag:s28] =	ssyncadd.s32 $0xFFFFE800  }
0x19b: {  	_ =	swait.ge @!p0 [sflag:s3], $0x1800  }
0x19c: {  	[sflag:s3] =	ssyncset.done @!p0 $0x0  }
0x19d: {  	[sflag:s3] =	ssyncadd.s32 @!p0 $0xFFFFE800  }
0x19e: {  	_ =	swait.ge @!p0 [sflag:s3], $0x1800  }
0x19f: {  	[sflag:s3] =	ssyncset.done @!p0 $0x0  }
0x1a0: {  	[sflag:s3] =	ssyncadd.s32 @!p0 $0xFFFFE800  }
0x1a1: {  	_ =	swait.ge @!p0 [sflag:s3], $0x1800  }
0x1a2: {  	[sflag:s3] =	ssyncset.done @!p0 $0x0  }
0x1a3: {  	[sflag:s3] =	ssyncadd.s32 @!p0 $0xFFFFE800  }
0x1a4: {  	s23 =	simm.s32 $0x0;
	_ =	swait.ge @!p0 [sflag:s3], $0x1800  }
0x1a5: {  	s15 =	sand.u32 $0x70, s23;
	s21 =	sand.u32 $0x1C00, s23;
	[sflag:s3] =	ssyncset.done @!p0 $0x0  }
0x1a6: {  	[sflag:s3] =	ssyncadd.s32 @!p0 $0xFFFFE800;
	s3 =	sor.u32 s15, s21  }
0x1a7: {  	v7 =	vld [tilespmem:s3+$0x6480]  }
0x1a8: {  	v5 =	vld [tilespmem:s3+$0xDD00]  }
0x1a9: {  	v4 =	vld [tilespmem:s3+$0xDD80]  }
0x1aa: {  	v8 =	vld [tilespmem:s3+$0xDE80]  }
0x1ab: {  	v3 =	vld [tilespmem:s3+$0xDC80]  }
0x1ac: {  	v6 =	vld [tilespmem:s3+$0x6500]  }
0x1ad: {  	v10 =	vld [tilespmem:s3+$0x6580]  }
0x1ae: {  	v2 =	vld [tilespmem:s3+$0xDF00]  }
0x1af: {  	v11 =	vld [tilespmem:s3+$0x6700]  }
0x1b0: {  	v12 =	vld [tilespmem:s3+$0x6680]  }
0x1b1: {  	v14 =	vld [tilespmem:s3+$0x6400];
	v6 =	vmul.f32 $2.771281240e+01, v6  }
0x1b2: {  	v13 =	vld [tilespmem:s3+$0x6600];
	v10 =	vmul.f32 $2.771281240e+01, v10  }
0x1b3: {  	s26 =	sor.u32 s23, s23;
	v16 =	vmul.f32 $2.771281240e+01, v7;
	v7 =	vld [tilespmem:s3+$0xDC00];
	v15 =	vadd.f32 v6, v5  }
0x1b4: {  	s31 =	sor.u32 $0x380, s26;
	v11 =	vmul.f32 $2.771281240e+01, v11;
	v6 =	vld [tilespmem:s3+$0xDE00];
	v10 =	vadd.f32 v10, v4  }
0x1b5: {  	v9 =	vld [tilespmem:s31+$0xDC00];
	v12 =	vmul.f32 $2.771281240e+01, v12;
	v62 =	vadd.f32 v16, v3;
	[tilespmem:s3+$0x15500] =	vst v15  }
0x1b6: {  	v63 =	vmul.f32 $2.771281240e+01, v14;
	v11 =	vadd.f32 v11, v2;
	[tilespmem:s3+$0x15580] =	vst v10  }
0x1b7: {  	v12 =	vadd.f32 v12, v8;
	v10 =	vmul.f32 $2.771281240e+01, v13;
	[tilespmem:s3+$0x15480] =	vst v62  }
0x1b8: {  	[tilespmem:s3+$0x15700] =	vst v11;
	v11 =	vadd.f32 v63, v7  }
0x1b9: {  	[tilespmem:s3+$0x15680] =	vst v12;
	v10 =	vadd.f32 v10, v6  }
0x1ba: {  	[tilespmem:s3+$0x15400] =	vst v11  }
0x1bb: {  	[tilespmem:s3+$0x15600] =	vst v10  }
0x1bc: {  	v10 =	vld [tilespmem:s31+$0x6400];
	_ =	sdelay $0x3  }
0x1bd: {  	s0 =	sor.u32 $0x8, s0  }
0x1be: {  	s25 =	simm.s32 $0x10;
	s21 =	sor.u32 s6, s0;
	v10 =	vmul.f32 $2.771281240e+01, v10  }
.LBB2_7:
0x1bf: {  	p0 =	sne.s32 s25, $0x2F0  }
0x1c0: {  	s23 =	sadd.s32 $0x80, s23;
	s26 =	smov.u32 s25;
	s25 =	sadd.s32 $0x10, s25;
	v10 =	vadd.f32 v10, v9  }
0x1c1: {  	_ = 	snop  }
0x1c2: {  	[tilespmem:s31+$0x15400] =	vst v10  }
0x1c3: {  	v10 =	vld [tilespmem:s3+$0x7F00]  }
0x1c4: {  	v11 =	vld [tilespmem:s3+$0x7F80]  }
0x1c5: {  	v12 =	vld [tilespmem:s3+$0x9400]  }
0x1c6: {  	v13 =	vld [tilespmem:s3+$0x9480]  }
0x1c7: {  	v14 =	vld [tilespmem:s3+$0x9500]  }
0x1c8: {  	v10 =	vmul.f32 $2.771281240e+01, v10;
	v15 =	vld [tilespmem:s3+$0x9580]  }
0x1c9: {  	v11 =	vmul.f32 $2.771281240e+01, v11;
	v16 =	vld [tilespmem:s3+$0x9600]  }
0x1ca: {  	v10 =	vadd.f32 v10, v2;
	v12 =	vmul.f32 $2.771281240e+01, v12;
	v17 =	vld [tilespmem:s3+$0x9680]  }
0x1cb: {  	v11 =	vadd.f32 v11, v9;
	v13 =	vmul.f32 $2.771281240e+01, v13;
	v18 =	vld [tilespmem:s3+$0xAF80]  }
0x1cc: {  	v19 =	vld [tilespmem:s3+$0x7E80];
	[tilespmem:s3+$0x16F00] =	vst v10;
	v10 =	vadd.f32 v12, v7;
	v12 =	vmul.f32 $2.771281240e+01, v14  }
0x1cd: {  	[tilespmem:s3+$0x16F80] =	vst v11;
	v11 =	vadd.f32 v13, v3;
	v13 =	vmul.f32 $2.771281240e+01, v15;
	v14 =	vld [tilespmem:s3+$0xAE00]  }
0x1ce: {  	[tilespmem:s3+$0x18400] =	vst v10;
	v10 =	vadd.f32 v12, v5;
	v12 =	vmul.f32 $2.771281240e+01, v16;
	v15 =	vld [tilespmem:s3+$0xAE80]  }
0x1cf: {  	v16 =	vld [tilespmem:s3+$0x7D00];
	[tilespmem:s3+$0x18480] =	vst v11;
	v11 =	vadd.f32 v13, v4;
	v13 =	vmul.f32 $2.771281240e+01, v17  }
0x1d0: {  	[tilespmem:s3+$0x18500] =	vst v10;
	v10 =	vadd.f32 v12, v6;
	v12 =	vld [tilespmem:s3+$0xAD80]  }
0x1d1: {  	v17 =	vmul.f32 $2.771281240e+01, v19;
	[tilespmem:s3+$0x18580] =	vst v11;
	v11 =	vadd.f32 v13, v8;
	v13 =	vld [tilespmem:s3+$0xAC80]  }
0x1d2: {  	[tilespmem:s3+$0x18600] =	vst v10;
	v10 =	vld [tilespmem:s3+$0x9780];
	v14 =	vmul.f32 $2.771281240e+01, v14  }
0x1d3: {  	v17 =	vadd.f32 v17, v8;
	[tilespmem:s3+$0x18680] =	vst v11;
	v11 =	vld [tilespmem:s3+$0xAD00];
	v15 =	vmul.f32 $2.771281240e+01, v15  }
0x1d4: {  	v16 =	vmul.f32 $2.771281240e+01, v16;
	v19 =	vld [tilespmem:s3+$0x9700];
	v14 =	vadd.f32 v14, v6  }
0x1d5: {  	v20 =	vld [tilespmem:s3+$0x7C80];
	[tilespmem:s3+$0x16E80] =	vst v17;
	v12 =	vmul.f32 $2.771281240e+01, v12;
	v8 =	vadd.f32 v15, v8;
	v15 =	vmul.f32 $2.771281240e+01, v18  }
0x1d6: {  	v16 =	vadd.f32 v16, v5;
	v17 =	vld [tilespmem:s3+$0x7D80];
	v13 =	vmul.f32 $2.771281240e+01, v13;
	[tilespmem:s3+$0x19E00] =	vst v14  }
0x1d7: {  	v14 =	vld [tilespmem:s3+$0x7C00];
	v10 =	vmul.f32 $2.771281240e+01, v10;
	[tilespmem:s3+$0x19E80] =	vst v8;
	v8 =	vadd.f32 v15, v9  }
0x1d8: {  	[tilespmem:s3+$0x16D00] =	vst v16;
	v13 =	vadd.f32 v13, v3;
	v11 =	vmul.f32 $2.771281240e+01, v11;
	v15 =	vld [tilespmem:s3+$0xAF00]  }
0x1d9: {  	s15 =	sand.u32 $0x70, s26;
	s31 =	sand.u32 $0x1C00, s23;
	v12 =	vadd.f32 v12, v4;
	v16 =	vld [tilespmem:s3+$0x7E00];
	[tilespmem:s3+$0x19F80] =	vst v8  }
0x1da: {  	s15 =	sor.u32 s15, s31;
	v8 =	vadd.f32 v10, v9;
	v9 =	vld [tilespmem:s3+$0xAC00];
	[tilespmem:s3+$0x19C80] =	vst v13  }
0x1db: {  	v18 =	vmul.f32 $2.771281240e+01, v19;
	v13 =	vmul.f32 $2.771281240e+01, v20;
	v10 =	vld [tilespmem:s15+$0x6480];
	[tilespmem:s3+$0x19D80] =	vst v12  }
0x1dc: {  	v17 =	vmul.f32 $2.771281240e+01, v17;
	v12 =	vld [tilespmem:s15+$0xDD00];
	v14 =	vmul.f32 $2.771281240e+01, v14;
	[tilespmem:s3+$0x18780] =	vst v8  }
0x1dd: {  	v5 =	vadd.f32 v11, v5;
	v18 =	vadd.f32 v18, v2;
	v19 =	vld [tilespmem:s15+$0xDD80];
	v11 =	vmul.f32 $2.771281240e+01, v15  }
0x1de: {  	v13 =	vadd.f32 v13, v3;
	v8 =	vld [tilespmem:s15+$0xDE80];
	v15 =	vmul.f32 $2.771281240e+01, v16  }
0x1df: {  	v17 =	vadd.f32 v17, v4;
	v14 =	vadd.f32 v14, v7;
	v3 =	vld [tilespmem:s15+$0xDC80];
	[tilespmem:s3+$0x18700] =	vst v18;
	v9 =	vmul.f32 $2.771281240e+01, v9  }
0x1e0: {  	v11 =	vadd.f32 v11, v2;
	v16 =	vld [tilespmem:s15+$0x6500];
	v6 =	vadd.f32 v15, v6;
	[tilespmem:s3+$0x19D00] =	vst v5  }
0x1e1: {  	v2 =	vld [tilespmem:s15+$0xDF00];
	[tilespmem:s3+$0x16C80] =	vst v13;
	v7 =	vadd.f32 v9, v7;
	v5 =	vmov v12  }
0x1e2: {  	v12 =	vld [tilespmem:s15+$0x6580];
	[tilespmem:s3+$0x16D80] =	vst v17;
	v4 =	vmov v19  }
0x1e3: {  	v13 =	vld [tilespmem:s15+$0x6700];
	[tilespmem:s3+$0x19C00] =	vst v7  }
0x1e4: {  	v15 =	vld [tilespmem:s15+$0x6680];
	[tilespmem:s3+$0x16C00] =	vst v14  }
0x1e5: {  	s26 =	sor.u32 s23, s26;
	v7 =	vmul.f32 $2.771281240e+01, v16;
	v14 =	vld [tilespmem:s15+$0x6600];
	[tilespmem:s3+$0x19F00] =	vst v11  }
0x1e6: {  	s31 =	sor.u32 $0x380, s26;
	v11 =	vld [tilespmem:s15+$0x6400];
	[tilespmem:s3+$0x16E00] =	vst v6;
	s3 =	smov.u32 s15  }
0x1e7: {  	v9 =	vld [tilespmem:s31+$0xDC00];
	v16 =	vadd.f32 v7, v5;
	v12 =	vmul.f32 $2.771281240e+01, v12  }
0x1e8: {  	v10 =	vmul.f32 $2.771281240e+01, v10;
	v6 =	vld [tilespmem:s3+$0xDE00]  }
0x1e9: {  	v13 =	vmul.f32 $2.771281240e+01, v13;
	v7 =	vld [tilespmem:s3+$0xDC00];
	[tilespmem:s3+$0x15500] =	vst v16;
	v12 =	vadd.f32 v12, v4  }
0x1ea: {  	v10 =	vadd.f32 v10, v3;
	v15 =	vmul.f32 $2.771281240e+01, v15  }
0x1eb: {  	v13 =	vadd.f32 v13, v2;
	[tilespmem:s3+$0x15580] =	vst v12;
	v12 =	vmul.f32 $2.771281240e+01, v14  }
0x1ec: {  	v11 =	vmul.f32 $2.771281240e+01, v11;
	[tilespmem:s3+$0x15480] =	vst v10;
	v10 =	vadd.f32 v15, v8  }
0x1ed: {  	v12 =	vadd.f32 v12, v6;
	[tilespmem:s3+$0x15700] =	vst v13  }
0x1ee: {  	v11 =	vadd.f32 v11, v7;
	[tilespmem:s3+$0x15680] =	vst v10  }
0x1ef: {  	[tilespmem:s3+$0x15600] =	vst v12  }
0x1f0: {  	[tilespmem:s3+$0x15400] =	vst v11  }
0x1f1: {  	v10 =	vld [tilespmem:s31+$0x6400]  }
.Ltmp4:
0x1f2: {  	(pc) =	sbr.rel @p0 .LBB2_7-.Ltmp4, $2  }
0x1f3: {  	_ =	sdelay $0x2  }
0x1f4: {  	v10 =	vmul.f32 $2.771281240e+01, v10  }
0x1f5: {  	_ = 	snop  }
0x1f6: {  	v10 =	vadd.f32 v10, v9;
	_ =	sdelay $0x1  }
0x1f7: {  	[tilespmem:s31+$0x15400] =	vst v10  }
0x1f8: {  	v10 =	vld [tilespmem:s3+$0x7F00]  }
0x1f9: {  	v11 =	vld [tilespmem:s3+$0x7F80]  }
0x1fa: {  	v12 =	vld [tilespmem:s3+$0x9400]  }
0x1fb: {  	v13 =	vld [tilespmem:s3+$0x9480]  }
0x1fc: {  	v14 =	vld [tilespmem:s3+$0x9500]  }
0x1fd: {  	v15 =	vld [tilespmem:s3+$0x9580]  }
0x1fe: {  	v16 =	vld [tilespmem:s3+$0x9600];
	v10 =	vmul.f32 $2.771281240e+01, v10  }
0x1ff: {  	v17 =	vld [tilespmem:s3+$0x9680];
	v11 =	vmul.f32 $2.771281240e+01, v11  }
0x200: {  	v19 =	vld [tilespmem:s3+$0x7E80];
	v12 =	vmul.f32 $2.771281240e+01, v12;
	v10 =	vadd.f32 v10, v2  }
0x201: {  	v33 =	vld [tilespmem:s3+$0x7D00];
	v27 =	vmul.f32 $2.771281240e+01, v13;
	v11 =	vadd.f32 v11, v9  }
0x202: {  	v18 =	vld [tilespmem:s3+$0xAF80];
	v29 =	vmul.f32 $2.771281240e+01, v14;
	v26 =	vadd.f32 v12, v7;
	[tilespmem:s3+$0x16F00] =	vst v10  }
0x203: {  	v41 =	vld [tilespmem:s3+$0x9700];
	v32 =	vmul.f32 $2.771281240e+01, v15;
	v30 =	vadd.f32 v27, v3;
	[tilespmem:s3+$0x16F80] =	vst v11  }
0x204: {  	v42 =	vld [tilespmem:s3+$0x7D80];
	v36 =	vmul.f32 $2.771281240e+01, v17;
	v13 =	vadd.f32 v29, v5;
	[tilespmem:s3+$0x18400] =	vst v26  }
0x205: {  	v45 =	vld [tilespmem:s3+$0x7C00];
	v39 =	vmul.f32 $2.771281240e+01, v19;
	v14 =	vadd.f32 v32, v4;
	[tilespmem:s3+$0x18480] =	vst v30  }
0x206: {  	v48 =	vld [tilespmem:s3+$0xAF00];
	v34 =	vmul.f32 $2.771281240e+01, v16;
	v15 =	vmul.f32 $2.771281240e+01, v33;
	v16 =	vadd.f32 v36, v8;
	[tilespmem:s3+$0x18500] =	vst v13  }
0x207: {  	v46 =	vmul.f32 $2.771281240e+01, v18;
	v17 =	vadd.f32 v39, v8;
	[tilespmem:s3+$0x18580] =	vst v14  }
0x208: {  	v28 =	vld [tilespmem:s3+$0xAE00];
	v53 =	vmul.f32 $2.771281240e+01, v41;
	v44 =	vadd.f32 v15, v5;
	[tilespmem:s3+$0x18680] =	vst v16  }
0x209: {  	v31 =	vld [tilespmem:s3+$0xAE80];
	v56 =	vmul.f32 $2.771281240e+01, v42;
	v47 =	vadd.f32 v46, v9;
	[tilespmem:s3+$0x16E80] =	vst v17  }
0x20a: {  	v37 =	vld [tilespmem:s3+$0xAC80];
	v59 =	vmul.f32 $2.771281240e+01, v45;
	v55 =	vadd.f32 v53, v2;
	[tilespmem:s3+$0x16D00] =	vst v44  }
0x20b: {  	v35 =	vld [tilespmem:s3+$0xAD80];
	v61 =	vmul.f32 $2.771281240e+01, v48;
	v60 =	vadd.f32 v56, v4;
	[tilespmem:s3+$0x19F80] =	vst v47  }
0x20c: {  	v20 =	vld [tilespmem:s3+$0x7C80];
	v63 =	vadd.f32 v59, v7;
	[tilespmem:s3+$0x18700] =	vst v55  }
0x20d: {  	v38 =	vld [tilespmem:s3+$0x9780];
	v12 =	vmul.f32 $2.771281240e+01, v28;
	v2 =	vadd.f32 v61, v2;
	[tilespmem:s3+$0x16D80] =	vst v60  }
0x20e: {  	v52 =	vld [tilespmem:s3+$0xAC00];
	v10 =	vadd.f32 v34, v6;
	v11 =	vmul.f32 $2.771281240e+01, v31;
	[tilespmem:s3+$0x16C00] =	vst v63  }
0x20f: {  	v40 =	vld [tilespmem:s3+$0xAD00];
	v12 =	vadd.f32 v12, v6;
	v14 =	vmul.f32 $2.771281240e+01, v37;
	[tilespmem:s3+$0x19F00] =	vst v2  }
0x210: {  	v49 =	vld [tilespmem:s3+$0x7E00];
	v13 =	vmul.f32 $2.771281240e+01, v35;
	[tilespmem:s3+$0x18600] =	vst v10;
	v43 =	vadd.f32 v11, v8  }
0x211: {  	v54 =	vmul.f32 $2.771281240e+01, v20;
	[tilespmem:s3+$0x19E00] =	vst v12;
	v51 =	vadd.f32 v14, v3  }
0x212: {  	v50 =	vmul.f32 $2.771281240e+01, v38;
	v13 =	vadd.f32 v13, v4;
	[tilespmem:s3+$0x19E80] =	vst v43  }
0x213: {  	v58 =	vmul.f32 $2.771281240e+01, v52;
	v3 =	vadd.f32 v54, v3;
	[tilespmem:s3+$0x19C80] =	vst v51  }
0x214: {  	v16 =	vmul.f32 $2.771281240e+01, v40;
	v8 =	vadd.f32 v50, v9;
	[tilespmem:s3+$0x19D80] =	vst v13  }
0x215: {  	v62 =	vmul.f32 $2.771281240e+01, v49;
	[tilespmem:s3+$0x16C80] =	vst v3;
	v3 =	vadd.f32 v58, v7  }
0x216: {  	s15 =	sshrl.u32 s21, $0x3;
	v57 =	vadd.f32 v16, v5;
	[tilespmem:s3+$0x18780] =	vst v8  }
0x217: {  	s15 =	smul.u32 $0x300, s15;
	s31 =	sor.u32 s16, s0;
	[tilespmem:s3+$0x19C00] =	vst v3;
	v3 =	vadd.f32 v62, v6  }
0x218: {  	s26 =	sor.u32 s17, s0;
	s21 =	sshrl.u32 s31, $0x3;
	[tilespmem:s3+$0x19D00] =	vst v57  }
0x219: {  	s15 =	sadd.s32 s2, s15;
	s23 =	smul.u32 $0x300, s21;
	[tilespmem:s3+$0x16E00] =	vst v3;
	s3 =	sshrl.u32 s26, $0x3  }
0x21a: {  	[hbm4b:s15+s4] =	stream.linear.scatter [tilespmem:s9], [sflag:$0x6], $0x1800, $0x38;
	[tilespmem:$0x1B400] =	vst v63  }
0x21b: {  	s31 =	sor.u32 s18, s0;
	s25 =	sadd.s32 s2, s23;
	s3 =	smul.u32 $0x300, s3  }
0x21c: {  	[hbm4b:s25+s4] =	stream.linear.scatter [tilespmem:s10], [sflag:$0x6], $0x1800, $0x38;
	[tilespmem:$0x1B400] =	vst v63  }
.Ltmp5:
0x21d: {  	s0 =	sshrl.u32 s31, $0x3;
	(pc) =	sbr.rel @p1 .LBB2_10-.Ltmp5, $4  }
0x21e: {  	s0 =	smul.u32 $0x300, s0;
	s3 =	sadd.s32 s2, s3  }
0x21f: {  	[hbm4b:s3+s4] =	stream.linear.scatter [tilespmem:s14], [sflag:$0x6], $0x1800, $0x38;
	[tilespmem:$0x1B400] =	vst v63  }
0x220: {  	s0 =	sadd.s32 s2, s0  }
0x221: {  	[hbm4b:s0+s4] =	stream.linear.scatter [tilespmem:s8], [sflag:$0x6], $0x1800, $0x38;
	[tilespmem:$0x1B400] =	vst v63  }
0x222: {  	s0 =	sadd.s32 $0x3, s22  }
0x223: {  	s3 =	sshll.u32 s0, $0x3;
	s15 =	sshll.u32 s0, $0x5  }
0x224: {  	s3 =	sand.u32 $0x78, s3;
	s15 =	sand.u32 $0x600, s15  }
0x225: {  	s3 =	sor.u32 s3, s15  }
0x226: {  	v2 =	vld.msk [tilespmem:s3+$0x0], $0xff;
	_ =	sdelay $0x4  }
0x227: {  	v3 =	vshrl.u32 v2, $0x3  }
0x228: {  	v3 =	vmul.u32 $0x30, v3  }
0x229: {  	v2 =	vand.u32 $0x7, v2  }
0x22a: {  	v2 =	vor.u32 v2, v3  }
0x22b: {  	v2 =	vperm.xlane v2, v0;
	_ =	sdelay $0x1  }
0x22c: {  	v2 =	vadd.s32 v1, v2;
	_ =	sdelay $0x3  }
0x22d: {  	s25 =	simm.s32 $0x6400  }
0x22e: {  	[tilespmem:s25], [sflag:$0x2] =	stream.indirect_vreg.gather [hbm4b:s1+s4], $0x80, v2, vm0, $0xb8;
	[tilespmem:$0x1B400] =	vst v63  }
0x22f: {  	s26 =	simm.s32 $0x6C00  }
0x230: {  	[tilespmem:s26], [sflag:$0x2] =	stream.indirect_vreg.gather [hbm4b:s12+s4], $0x80, v2, vm0, $0xb8;
	[tilespmem:$0x1B400] =	vst v63  }
0x231: {  	s31 =	simm.s32 $0x7400;
	s21 =	sor.u32 $0x80, s3  }
0x232: {  	[tilespmem:s31], [sflag:$0x2] =	stream.indirect_vreg.gather [hbm4b:s13+s4], $0x80, v2, vm0, $0xb8;
	[tilespmem:$0x1B400] =	vst v63  }
0x233: {  	v2 =	vld.msk [tilespmem:s21+$0x0], $0xff;
	_ =	sdelay $0x4  }
0x234: {  	v3 =	vshrl.u32 v2, $0x3  }
0x235: {  	v3 =	vmul.u32 $0x30, v3  }
0x236: {  	v2 =	vand.u32 $0x7, v2  }
0x237: {  	v2 =	vor.u32 v2, v3  }
0x238: {  	v2 =	vperm.xlane v2, v0;
	_ =	sdelay $0x1  }
0x239: {  	v2 =	vadd.s32 v1, v2;
	_ =	sdelay $0x3  }
0x23a: {  	s22 =	simm.s32 $0x7C00  }
0x23b: {  	[tilespmem:s22], [sflag:$0x2] =	stream.indirect_vreg.gather [hbm4b:s1+s4], $0x80, v2, vm0, $0xb8;
	[tilespmem:$0x1B400] =	vst v63  }
0x23c: {  	s23 =	simm.s32 $0x8400  }
0x23d: {  	[tilespmem:s23], [sflag:$0x2] =	stream.indirect_vreg.gather [hbm4b:s12+s4], $0x80, v2, vm0, $0xb8;
	[tilespmem:$0x1B400] =	vst v63  }
0x23e: {  	s25 =	simm.s32 $0x8C00;
	s26 =	sor.u32 $0x100, s3  }
0x23f: {  	[tilespmem:s25], [sflag:$0x2] =	stream.indirect_vreg.gather [hbm4b:s13+s4], $0x80, v2, vm0, $0xb8;
	[tilespmem:$0x1B400] =	vst v63  }
0x240: {  	v2 =	vld.msk [tilespmem:s26+$0x0], $0xff;
	_ =	sdelay $0x4  }
0x241: {  	v3 =	vshrl.u32 v2, $0x3  }
0x242: {  	v3 =	vmul.u32 $0x30, v3  }
0x243: {  	v2 =	vand.u32 $0x7, v2  }
0x244: {  	v2 =	vor.u32 v2, v3  }
0x245: {  	v2 =	vperm.xlane v2, v0;
	_ =	sdelay $0x1  }
0x246: {  	v2 =	vadd.s32 v1, v2;
	_ =	sdelay $0x3  }
0x247: {  	s31 =	simm.s32 $0x9400  }
0x248: {  	[tilespmem:s31], [sflag:$0x2] =	stream.indirect_vreg.gather [hbm4b:s1+s4], $0x80, v2, vm0, $0xb8;
	[tilespmem:$0x1B400] =	vst v63  }
0x249: {  	s21 =	simm.s32 $0x9C00  }
0x24a: {  	[tilespmem:s21], [sflag:$0x2] =	stream.indirect_vreg.gather [hbm4b:s12+s4], $0x80, v2, vm0, $0xb8;
	[tilespmem:$0x1B400] =	vst v63  }
0x24b: {  	s3 =	sor.u32 $0x180, s3;
	s22 =	simm.s32 $0xA400  }
0x24c: {  	[tilespmem:s22], [sflag:$0x2] =	stream.indirect_vreg.gather [hbm4b:s13+s4], $0x80, v2, vm0, $0xb8;
	[tilespmem:$0x1B400] =	vst v63  }
0x24d: {  	v2 =	vld.msk [tilespmem:s3+$0x0], $0xff;
	_ =	sdelay $0x4  }
0x24e: {  	v3 =	vshrl.u32 v2, $0x3  }
0x24f: {  	v3 =	vmul.u32 $0x30, v3  }
0x250: {  	v2 =	vand.u32 $0x7, v2  }
0x251: {  	v2 =	vor.u32 v2, v3  }
0x252: {  	v2 =	vperm.xlane v2, v0;
	_ =	sdelay $0x1  }
0x253: {  	v2 =	vadd.s32 v1, v2;
	_ =	sdelay $0x3  }
0x254: {  	s23 =	simm.s32 $0xAC00  }
0x255: {  	[tilespmem:s23], [sflag:$0x2] =	stream.indirect_vreg.gather [hbm4b:s1+s4], $0x80, v2, vm0, $0xb8;
	[tilespmem:$0x1B400] =	vst v63  }
0x256: {  	s25 =	simm.s32 $0xB400  }
0x257: {  	[tilespmem:s25], [sflag:$0x2] =	stream.indirect_vreg.gather [hbm4b:s12+s4], $0x80, v2, vm0, $0xb8;
	[tilespmem:$0x1B400] =	vst v63  }
.Ltmp6:
0x258: {  	s0 =	sadd.s32 s7, s0;
	(pc) =	sbr.rel .LBB2_2-.Ltmp6, $4  }
0x259: {  	s0 =	smul.u32 $0x300, s0;
	s26 =	simm.s32 $0xBC00  }
0x25a: {  	[tilespmem:s26], [sflag:$0x2] =	stream.indirect_vreg.gather [hbm4b:s13+s4], $0x80, v2, vm0, $0xb8;
	[tilespmem:$0x1B400] =	vst v63  }
0x25b: {  	s11 =	sadd.s32 $0x1, s11;
	s0 =	sadd.s32 s5, s0;
	s31 =	simm.s32 $0xDC00  }
0x25c: {  	[tilespmem:s31], [sflag:$0x4] =	stream.linear.gather [hbm4b:s0+s4], $0x1800, $0x38;
	[tilespmem:$0x1B400] =	vst v63  }
.LBB2_11:
0x25d: {  	_ =	sfence.sel $0x180000  }
0x25e: {  	[bflag:$0x0] =	sbarrier.arrive $0xFFFF  }
0x25f: {  	_ =	strace $0x90000047  }
0x260: {  	s0 =	stileid.u32;
	[bflag:$0x2] =	sbarrier.arrive $0xFFFF  }
0x261: {  	p0 =	sne.s32 s0, $0x0;
	s0 =	rddreg [dreg:$0x4]  }
0x262: {  	s0 =	sadd.s32 @!p0 $0x100000, s0  }
0x263: {  	[sflag:s0] =	ssyncadd.tile.s32 @!p0 $0x1;
	_ =	shalt  }
.Lfunc_end2:
_tile_overlayer_lowered:
.L_overlay_start_2:
0x264: {  	(tag) =	ssettag $0x2  }
0x265: {  	s0 =	rddreg [dreg:$0x0];
	s2 =	stileid.u32  }
0x266: {  	s1 =	rddreg [dreg:$0x1];
	p0 =	sne.s32 s2, $0x0  }
0x267: {  	s3 =	rddreg [dreg:$0x2];
	[bflag:$0x3] =	sbarrier.arrive $0xFFFF;
	s2 =	simm.s32 @!p0 $0x1C07  }
0x268: {  	[timem:s3], [sflag:s2] =	dma.local @!p0 [hbm:s0], s1  }
0x269: {  	s0 =	simm.s32 @!p0 $0x7  }
0x26a: {  	_ =	swait.ge @!p0 [sflag:s0], s1  }
0x26b: {  	s1 =	ssub.s32 @!p0 $0x0, s1;
	[sflag:s0] =	ssyncset.done @!p0 $0x0  }
0x26c: {  	[sflag:s0] =	ssyncadd.s32 @!p0 s1  }
0x26d: {  	[bflag:$0x3] =	sbarrier.arrive $0xFFFF  }
0x26e: {  	_ =	shalt  }

</sc_bundles>
